<compile_context>
chip_gen: v7x
topology: tpu7x:2x2x1
jax: 0.10.2.dev20260603
libtpu: 0.0.44.dev20260713+nightly
codegen_flags: <defaults>
</compile_context>

<pallas_src>
import functools

import jax
import jax.numpy as jnp
from jax import lax
from jax.experimental import pallas as pl
from jax.experimental.pallas import tpu as pltpu
from jax.experimental.pallas import tpu_sc as plsc

_NC = 2
_NS = 16
_CH = 128


def _sc_gather(table2d, idx1d, bt, d):
    nw = _NC * _NS
    per_w = bt // nw
    n_ch = per_w // _CH
    mesh = plsc.VectorSubcoreMesh(core_axis_name="c", subcore_axis_name="s")

    @functools.partial(
        pl.kernel,
        mesh=mesh,
        out_type=jax.ShapeDtypeStruct((bt, d), jnp.float32),
        scratch_types=[
            pltpu.VMEM((per_w,), jnp.int32),
            pltpu.VMEM((per_w, d), jnp.float32),
            pltpu.SemaphoreType.DMA,
        ],
        compiler_params=pltpu.CompilerParams(use_tc_tiling_on_sc=False),
    )
    def gk(table_hbm, idx_hbm, out_hbm, idx_v, rows_v, sem):
        wid = lax.axis_index("s") * _NC + lax.axis_index("c")
        base = wid * per_w
        pltpu.sync_copy(idx_hbm.at[pl.ds(base, per_w)], idx_v)
        copies = []
        for j in range(n_ch):
            copies.append(
                pltpu.async_copy(
                    table_hbm.at[idx_v.at[pl.ds(j * _CH, _CH)]],
                    rows_v.at[pl.ds(j * _CH, _CH)],
                    sem,
                )
            )
        for c in copies:
            c.wait()
        pltpu.sync_copy(rows_v, out_hbm.at[pl.ds(base, per_w)])

    return gk(table2d, idx1d)


def _tc_compose(g2, b, t_steps):
    blk = 512
    grid = b // blk

    def body(g_ref, c_ref, s_ref):
        r = lax.broadcasted_iota(jnp.int32, (32, 32), 0)
        j = lax.broadcasted_iota(jnp.int32, (32, 32), 1)
        P = jnp.where(j == 4 * (r % 8) + r // 8, 1.0, 0.0).astype(jnp.float32)
        dn_ext = (((1,), (1,)), ((), ()))
        dn_sto = (((0,), (0,)), ((), ()))
        hi = lax.Precision.HIGHEST

        Cw = jnp.ones((8, blk), jnp.float32)
        Cx = jnp.zeros((8, blk), jnp.float32)
        Cy = jnp.zeros((8, blk), jnp.float32)
        Cz = jnp.zeros((8, blk), jnp.float32)
        for t in range(t_steps):
            gt = g_ref[:, t * 32:(t + 1) * 32]
            R = lax.dot_general(P, gt, dn_ext, precision=hi)
            Gw, Gx, Gy, Gz = R[0:8], R[8:16], R[16:24], R[24:32]
            n2 = Gw * Gw + Gx * Gx + Gy * Gy + Gz * Gz
            inv = 1.0 / jnp.maximum(jnp.sqrt(n2), 1e-12)
            Gw, Gx, Gy, Gz = Gw * inv, Gx * inv, Gy * inv, Gz * inv
            w = Cw * Gw - Cx * Gx - Cy * Gy - Cz * Gz
            x = Cw * Gx + Cx * Gw + Cy * Gz - Cz * Gy
            y = Cw * Gy - Cx * Gz + Cy * Gw + Cz * Gx
            z = Cw * Gz + Cx * Gy - Cy * Gx + Cz * Gw
            n2c = w * w + x * x + y * y + z * z
            invc = 1.0 / jnp.maximum(jnp.sqrt(n2c), 1e-12)
            Cw, Cx, Cy, Cz = w * invc, x * invc, y * invc, z * invc
            a = jnp.minimum(jnp.abs(Cw), 1.0 - 1e-7)
            pf = jnp.sqrt(1.0 - a) * (
                1.5707288
                + a * (-0.2121144 + a * (0.0742610 + a * (-0.0187293)))
            )
            s_ref[:, t] = jnp.mean(pf, axis=0)
        Cstack = jnp.concatenate([Cw, Cx, Cy, Cz], axis=0)
        c_ref[...] = lax.dot_general(Cstack, P, dn_sto, precision=hi)

    return pl.pallas_call(
        body,
        grid=(grid,),
        in_specs=[pl.BlockSpec((blk, t_steps * 32), lambda i: (i, 0))],
        out_specs=[
            pl.BlockSpec((blk, 32), lambda i: (i, 0)),
            pl.BlockSpec((blk, t_steps), lambda i: (i, 0)),
        ],
        out_shape=[
            jax.ShapeDtypeStruct((b, 32), jnp.float32),
            jax.ShapeDtypeStruct((b, t_steps), jnp.float32),
        ],
    )(g2)


def kernel(tokens, embed):
    b, t_steps = tokens.shape
    vocab, m, four = embed.shape
    d = m * four
    bt = b * t_steps
    table2d = embed.reshape(vocab, d)
    idx1d = tokens.astype(jnp.int32).reshape(bt)
    gathered = _sc_gather(table2d, idx1d, bt, d)
    g2 = gathered.reshape(b, t_steps * d)
    c2, sigmas = _tc_compose(g2, b, t_steps)
    return c2.reshape(b, m, four), sigmas

# --- scband reference (transcript-rebuilt; emitter-appended) ---
"""Pipeline reference for scband-s3-pure-6519760355898 (READ-ONLY COPY).

The authoritative reference and input builder live on the scoring server;
editing this copy changes nothing except your own understanding.
"""

import jax, jax.numpy as jnp
import numpy as np

VOCAB = 1000000
M = 8
B = 4096
T = 20


def _normalize(x, axis=-1, eps=1e-12):
    n = jnp.linalg.norm(x, axis=axis, keepdims=True)
    return x / jnp.maximum(n, eps)


def qmul(a, b):
    aw, ax, ay, az = a[..., 0], a[..., 1], a[..., 2], a[..., 3]
    bw, bx, by, bz = b[..., 0], b[..., 1], b[..., 2], b[..., 3]
    w = aw * bw - ax * bx - ay * by - az * bz
    x = aw * bx + ax * bw + ay * bz - az * by
    y = aw * by - ax * bz + ay * bw + az * bx
    z = aw * bz + ax * by - ay * bx + az * bw
    return jnp.stack([w, x, y, z], axis=-1)


def setup_inputs(seed: int = 0) -> dict:
    key = jax.random.key(seed)
    k1, k2 = jax.random.split(key)
    tokens = jax.random.randint(k1, (B, T), 0, VOCAB, dtype=jnp.int64 if jax.config.jax_enable_x64 else jnp.int32)
    embed = jax.random.normal(k2, (VOCAB, M, 4), dtype=jnp.float32) * 0.3
    return {"tokens": tokens, "embed": embed}


def reference(tokens, embed):
    # e = F.normalize(self.embed, dim=-1)
    e = _normalize(embed, axis=-1)
    Bsz = tokens.shape[0]
    C0 = jnp.zeros((Bsz, M, 4), dtype=jnp.float32).at[:, :, 0].set(1.0)

    def step(C, tok_t):
        g = jnp.take(e, tok_t, axis=0)  # [B, M, 4] gather
        C_new = _normalize(qmul(C, g), axis=-1)
        per_factor = jnp.arccos(jnp.minimum(jnp.abs(C_new[:, :, 0]), 1.0 - 1e-07))
        sigma = per_factor.mean(axis=-1)  # [B]
        return C_new, sigma

    C_final, sigmas_tb = jax.lax.scan(step, C0, jnp.transpose(tokens, (1, 0)))
    sigmas = jnp.transpose(sigmas_tb, (1, 0))  # [B, T]
    return (C_final, sigmas)


if False:  # reference __main__ guard neutralized (emitter)
    out = reference(**setup_inputs())
    print(out[0].shape, out[1].shape)

if __name__ == "__main__":
    import jax
    _d = setup_inputs()
    print(jax.jit(kernel)(*tuple(_d.values())))

</pallas_src>

<mosaic_0001>
#map = affine_map<(d0, d1) -> (0, 0)>
#map1 = affine_map<(d0, d1) -> (0)>
module attributes {stable_mosaic.version = 14 : i64} {
  func.func @gk(%arg0: i32, %arg1: i32, %arg2: memref<1000000x32xf32, #tpu.memory_space<hbm>>, %arg3: memref<81920xi32, #tpu.memory_space<hbm>>, %arg4: memref<81920x32xf32, #tpu.memory_space<hbm>>, %arg5: memref<2560xi32, #tpu.memory_space<vmem>>, %arg6: memref<2560x32xf32, #tpu.memory_space<vmem>>, %arg7: memref<!tpu.dma_semaphore, #tpu.memory_space<semaphore_mem>>) attributes {dimension_semantics = [#tpu.dimension_semantics<core_parallel>, #tpu.dimension_semantics<subcore_parallel>], iteration_bounds = array<i64: 2, 16>, scalar_prefetch = 0 : i64, scratch_operands = 3 : i64, tpu.core_type = #tpu.core_type<sc_vector_subcore>, window_params = [{transform_indices = #map}, {transform_indices = #map1}, {transform_indices = #map}]} {
    %mul3A = arith.constant 2 : i32
    %mul3A_0 = arith.muli %arg1, %mul3A : i32
    %add3A = arith.addi %mul3A_0, %arg0 : i32
    %mul3A_1 = arith.constant 2560 : i32
    %mul3A_2 = arith.muli %add3A, %mul3A_1 : i32
    "tpu.region"() ({
      %run_scoped3A = tpu.sem_alloc : memref<!tpu.dma_semaphore, #tpu.memory_space<semaphore_mem>>
      %dma_start3A_321 = tpu.memref_slice %arg3[%mul3A_2] : memref<81920xi32, #tpu.memory_space<hbm>> -> memref<2560xi32, #tpu.memory_space<hbm>>
      %dma_start3A_322 = tpu.memref_slice %arg3[%mul3A_2] : memref<81920xi32, #tpu.memory_space<hbm>> -> memref<2560xi32, #tpu.memory_space<hbm>>
      tpu.enqueue_dma source(%dma_start3A_322 : memref<2560xi32, #tpu.memory_space<hbm>>) target(%arg5 : memref<2560xi32, #tpu.memory_space<vmem>>) target_semaphore(%run_scoped3A : memref<!tpu.dma_semaphore, #tpu.memory_space<semaphore_mem>>)
      %dma_wait3A_323 = tpu.memref_slice %arg3[%mul3A_2] : memref<81920xi32, #tpu.memory_space<hbm>> -> memref<2560xi32, #tpu.memory_space<hbm>>
      %dma_wait3A_324 = tpu.memref_slice %arg3[%mul3A_2] : memref<81920xi32, #tpu.memory_space<hbm>> -> memref<2560xi32, #tpu.memory_space<hbm>>
      tpu.wait_dma2 semaphore(%run_scoped3A : memref<!tpu.dma_semaphore, #tpu.memory_space<semaphore_mem>>) src(%dma_wait3A_324 : memref<2560xi32, #tpu.memory_space<hbm>>) dst(%arg5 : memref<2560xi32, #tpu.memory_space<vmem>>)
      tpu.yield
    }) : () -> ()
    %dma_start3A = arith.constant 0 : i32
    %dma_start3A_3 = arith.constant 0 : i32
    %dma_start3A_4 = tpu.memref_slice %arg6[%dma_start3A, %dma_start3A_3] : memref<2560x32xf32, #tpu.memory_space<vmem>> -> memref<128x32xf32, #tpu.memory_space<vmem>>
    %dma_start3A_5 = arith.constant 0 : i32
    %dma_start3A_6 = tpu.memref_slice %arg5[%dma_start3A_5] : memref<2560xi32, #tpu.memory_space<vmem>> -> memref<128xi32, #tpu.memory_space<vmem>>
    %dma_start3A_7 = arith.constant 0 : i32
    %dma_start3A_8 = arith.constant 0 : i32
    %dma_start3A_9 = tpu.memref_slice %arg2[%dma_start3A_7, %dma_start3A_8] : memref<1000000x32xf32, #tpu.memory_space<hbm>> -> memref<1000000x32xf32, #tpu.memory_space<hbm>>
    tpu.enqueue_indirect_dma source(%dma_start3A_9 : memref<1000000x32xf32, #tpu.memory_space<hbm>>) target(%dma_start3A_4 : memref<128x32xf32, #tpu.memory_space<vmem>>) offsets(%dma_start3A_6 : memref<128xi32, #tpu.memory_space<vmem>>) semaphore(%arg7 : memref<!tpu.dma_semaphore, #tpu.memory_space<semaphore_mem>>)
    %dma_start3A_10 = arith.constant 128 : i32
    %dma_start3A_11 = arith.constant 0 : i32
    %dma_start3A_12 = tpu.memref_slice %arg6[%dma_start3A_10, %dma_start3A_11] : memref<2560x32xf32, #tpu.memory_space<vmem>> -> memref<128x32xf32, #tpu.memory_space<vmem>>
    %dma_start3A_13 = arith.constant 128 : i32
    %dma_start3A_14 = tpu.memref_slice %arg5[%dma_start3A_13] : memref<2560xi32, #tpu.memory_space<vmem>> -> memref<128xi32, #tpu.memory_space<vmem>>
    %dma_start3A_15 = arith.constant 0 : i32
    %dma_start3A_16 = arith.constant 0 : i32
    %dma_start3A_17 = tpu.memref_slice %arg2[%dma_start3A_15, %dma_start3A_16] : memref<1000000x32xf32, #tpu.memory_space<hbm>> -> memref<1000000x32xf32, #tpu.memory_space<hbm>>
    tpu.enqueue_indirect_dma source(%dma_start3A_17 : memref<1000000x32xf32, #tpu.memory_space<hbm>>) target(%dma_start3A_12 : memref<128x32xf32, #tpu.memory_space<vmem>>) offsets(%dma_start3A_14 : memref<128xi32, #tpu.memory_space<vmem>>) semaphore(%arg7 : memref<!tpu.dma_semaphore, #tpu.memory_space<semaphore_mem>>)
    %dma_start3A_18 = arith.constant 256 : i32
    %dma_start3A_19 = arith.constant 0 : i32
    %dma_start3A_20 = tpu.memref_slice %arg6[%dma_start3A_18, %dma_start3A_19] : memref<2560x32xf32, #tpu.memory_space<vmem>> -> memref<128x32xf32, #tpu.memory_space<vmem>>
    %dma_start3A_21 = arith.constant 256 : i32
    %dma_start3A_22 = tpu.memref_slice %arg5[%dma_start3A_21] : memref<2560xi32, #tpu.memory_space<vmem>> -> memref<128xi32, #tpu.memory_space<vmem>>
    %dma_start3A_23 = arith.constant 0 : i32
    %dma_start3A_24 = arith.constant 0 : i32
    %dma_start3A_25 = tpu.memref_slice %arg2[%dma_start3A_23, %dma_start3A_24] : memref<1000000x32xf32, #tpu.memory_space<hbm>> -> memref<1000000x32xf32, #tpu.memory_space<hbm>>
    tpu.enqueue_indirect_dma source(%dma_start3A_25 : memref<1000000x32xf32, #tpu.memory_space<hbm>>) target(%dma_start3A_20 : memref<128x32xf32, #tpu.memory_space<vmem>>) offsets(%dma_start3A_22 : memref<128xi32, #tpu.memory_space<vmem>>) semaphore(%arg7 : memref<!tpu.dma_semaphore, #tpu.memory_space<semaphore_mem>>)
    %dma_start3A_26 = arith.constant 384 : i32
    %dma_start3A_27 = arith.constant 0 : i32
    %dma_start3A_28 = tpu.memref_slice %arg6[%dma_start3A_26, %dma_start3A_27] : memref<2560x32xf32, #tpu.memory_space<vmem>> -> memref<128x32xf32, #tpu.memory_space<vmem>>
    %dma_start3A_29 = arith.constant 384 : i32
    %dma_start3A_30 = tpu.memref_slice %arg5[%dma_start3A_29] : memref<2560xi32, #tpu.memory_space<vmem>> -> memref<128xi32, #tpu.memory_space<vmem>>
    %dma_start3A_31 = arith.constant 0 : i32
    %dma_start3A_32 = arith.constant 0 : i32
    %dma_start3A_33 = tpu.memref_slice %arg2[%dma_start3A_31, %dma_start3A_32] : memref<1000000x32xf32, #tpu.memory_space<hbm>> -> memref<1000000x32xf32, #tpu.memory_space<hbm>>
    tpu.enqueue_indirect_dma source(%dma_start3A_33 : memref<1000000x32xf32, #tpu.memory_space<hbm>>) target(%dma_start3A_28 : memref<128x32xf32, #tpu.memory_space<vmem>>) offsets(%dma_start3A_30 : memref<128xi32, #tpu.memory_space<vmem>>) semaphore(%arg7 : memref<!tpu.dma_semaphore, #tpu.memory_space<semaphore_mem>>)
    %dma_start3A_34 = arith.constant 512 : i32
    %dma_start3A_35 = arith.constant 0 : i32
    %dma_start3A_36 = tpu.memref_slice %arg6[%dma_start3A_34, %dma_start3A_35] : memref<2560x32xf32, #tpu.memory_space<vmem>> -> memref<128x32xf32, #tpu.memory_space<vmem>>
    %dma_start3A_37 = arith.constant 512 : i32
    %dma_start3A_38 = tpu.memref_slice %arg5[%dma_start3A_37] : memref<2560xi32, #tpu.memory_space<vmem>> -> memref<128xi32, #tpu.memory_space<vmem>>
    %dma_start3A_39 = arith.constant 0 : i32
    %dma_start3A_40 = arith.constant 0 : i32
    %dma_start3A_41 = tpu.memref_slice %arg2[%dma_start3A_39, %dma_start3A_40] : memref<1000000x32xf32, #tpu.memory_space<hbm>> -> memref<1000000x32xf32, #tpu.memory_space<hbm>>
    tpu.enqueue_indirect_dma source(%dma_start3A_41 : memref<1000000x32xf32, #tpu.memory_space<hbm>>) target(%dma_start3A_36 : memref<128x32xf32, #tpu.memory_space<vmem>>) offsets(%dma_start3A_38 : memref<128xi32, #tpu.memory_space<vmem>>) semaphore(%arg7 : memref<!tpu.dma_semaphore, #tpu.memory_space<semaphore_mem>>)
    %dma_start3A_42 = arith.constant 640 : i32
    %dma_start3A_43 = arith.constant 0 : i32
    %dma_start3A_44 = tpu.memref_slice %arg6[%dma_start3A_42, %dma_start3A_43] : memref<2560x32xf32, #tpu.memory_space<vmem>> -> memref<128x32xf32, #tpu.memory_space<vmem>>
    %dma_start3A_45 = arith.constant 640 : i32
    %dma_start3A_46 = tpu.memref_slice %arg5[%dma_start3A_45] : memref<2560xi32, #tpu.memory_space<vmem>> -> memref<128xi32, #tpu.memory_space<vmem>>
    %dma_start3A_47 = arith.constant 0 : i32
    %dma_start3A_48 = arith.constant 0 : i32
    %dma_start3A_49 = tpu.memref_slice %arg2[%dma_start3A_47, %dma_start3A_48] : memref<1000000x32xf32, #tpu.memory_space<hbm>> -> memref<1000000x32xf32, #tpu.memory_space<hbm>>
    tpu.enqueue_indirect_dma source(%dma_start3A_49 : memref<1000000x32xf32, #tpu.memory_space<hbm>>) target(%dma_start3A_44 : memref<128x32xf32, #tpu.memory_space<vmem>>) offsets(%dma_start3A_46 : memref<128xi32, #tpu.memory_space<vmem>>) semaphore(%arg7 : memref<!tpu.dma_semaphore, #tpu.memory_space<semaphore_mem>>)
    %dma_start3A_50 = arith.constant 768 : i32
    %dma_start3A_51 = arith.constant 0 : i32
    %dma_start3A_52 = tpu.memref_slice %arg6[%dma_start3A_50, %dma_start3A_51] : memref<2560x32xf32, #tpu.memory_space<vmem>> -> memref<128x32xf32, #tpu.memory_space<vmem>>
    %dma_start3A_53 = arith.constant 768 : i32
    %dma_start3A_54 = tpu.memref_slice %arg5[%dma_start3A_53] : memref<2560xi32, #tpu.memory_space<vmem>> -> memref<128xi32, #tpu.memory_space<vmem>>
    %dma_start3A_55 = arith.constant 0 : i32
    %dma_start3A_56 = arith.constant 0 : i32
    %dma_start3A_57 = tpu.memref_slice %arg2[%dma_start3A_55, %dma_start3A_56] : memref<1000000x32xf32, #tpu.memory_space<hbm>> -> memref<1000000x32xf32, #tpu.memory_space<hbm>>
    tpu.enqueue_indirect_dma source(%dma_start3A_57 : memref<1000000x32xf32, #tpu.memory_space<hbm>>) target(%dma_start3A_52 : memref<128x32xf32, #tpu.memory_space<vmem>>) offsets(%dma_start3A_54 : memref<128xi32, #tpu.memory_space<vmem>>) semaphore(%arg7 : memref<!tpu.dma_semaphore, #tpu.memory_space<semaphore_mem>>)
    %dma_start3A_58 = arith.constant 896 : i32
    %dma_start3A_59 = arith.constant 0 : i32
    %dma_start3A_60 = tpu.memref_slice %arg6[%dma_start3A_58, %dma_start3A_59] : memref<2560x32xf32, #tpu.memory_space<vmem>> -> memref<128x32xf32, #tpu.memory_space<vmem>>
    %dma_start3A_61 = arith.constant 896 : i32
    %dma_start3A_62 = tpu.memref_slice %arg5[%dma_start3A_61] : memref<2560xi32, #tpu.memory_space<vmem>> -> memref<128xi32, #tpu.memory_space<vmem>>
    %dma_start3A_63 = arith.constant 0 : i32
    %dma_start3A_64 = arith.constant 0 : i32
    %dma_start3A_65 = tpu.memref_slice %arg2[%dma_start3A_63, %dma_start3A_64] : memref<1000000x32xf32, #tpu.memory_space<hbm>> -> memref<1000000x32xf32, #tpu.memory_space<hbm>>
    tpu.enqueue_indirect_dma source(%dma_start3A_65 : memref<1000000x32xf32, #tpu.memory_space<hbm>>) target(%dma_start3A_60 : memref<128x32xf32, #tpu.memory_space<vmem>>) offsets(%dma_start3A_62 : memref<128xi32, #tpu.memory_space<vmem>>) semaphore(%arg7 : memref<!tpu.dma_semaphore, #tpu.memory_space<semaphore_mem>>)
    %dma_start3A_66 = arith.constant 1024 : i32
    %dma_start3A_67 = arith.constant 0 : i32
    %dma_start3A_68 = tpu.memref_slice %arg6[%dma_start3A_66, %dma_start3A_67] : memref<2560x32xf32, #tpu.memory_space<vmem>> -> memref<128x32xf32, #tpu.memory_space<vmem>>
    %dma_start3A_69 = arith.constant 1024 : i32
    %dma_start3A_70 = tpu.memref_slice %arg5[%dma_start3A_69] : memref<2560xi32, #tpu.memory_space<vmem>> -> memref<128xi32, #tpu.memory_space<vmem>>
    %dma_start3A_71 = arith.constant 0 : i32
    %dma_start3A_72 = arith.constant 0 : i32
    %dma_start3A_73 = tpu.memref_slice %arg2[%dma_start3A_71, %dma_start3A_72] : memref<1000000x32xf32, #tpu.memory_space<hbm>> -> memref<1000000x32xf32, #tpu.memory_space<hbm>>
    tpu.enqueue_indirect_dma source(%dma_start3A_73 : memref<1000000x32xf32, #tpu.memory_space<hbm>>) target(%dma_start3A_68 : memref<128x32xf32, #tpu.memory_space<vmem>>) offsets(%dma_start3A_70 : memref<128xi32, #tpu.memory_space<vmem>>) semaphore(%arg7 : memref<!tpu.dma_semaphore, #tpu.memory_space<semaphore_mem>>)
    %dma_start3A_74 = arith.constant 1152 : i32
    %dma_start3A_75 = arith.constant 0 : i32
    %dma_start3A_76 = tpu.memref_slice %arg6[%dma_start3A_74, %dma_start3A_75] : memref<2560x32xf32, #tpu.memory_space<vmem>> -> memref<128x32xf32, #tpu.memory_space<vmem>>
    %dma_start3A_77 = arith.constant 1152 : i32
    %dma_start3A_78 = tpu.memref_slice %arg5[%dma_start3A_77] : memref<2560xi32, #tpu.memory_space<vmem>> -> memref<128xi32, #tpu.memory_space<vmem>>
    %dma_start3A_79 = arith.constant 0 : i32
    %dma_start3A_80 = arith.constant 0 : i32
    %dma_start3A_81 = tpu.memref_slice %arg2[%dma_start3A_79, %dma_start3A_80] : memref<1000000x32xf32, #tpu.memory_space<hbm>> -> memref<1000000x32xf32, #tpu.memory_space<hbm>>
    tpu.enqueue_indirect_dma source(%dma_start3A_81 : memref<1000000x32xf32, #tpu.memory_space<hbm>>) target(%dma_start3A_76 : memref<128x32xf32, #tpu.memory_space<vmem>>) offsets(%dma_start3A_78 : memref<128xi32, #tpu.memory_space<vmem>>) semaphore(%arg7 : memref<!tpu.dma_semaphore, #tpu.memory_space<semaphore_mem>>)
    %dma_start3A_82 = arith.constant 1280 : i32
    %dma_start3A_83 = arith.constant 0 : i32
    %dma_start3A_84 = tpu.memref_slice %arg6[%dma_start3A_82, %dma_start3A_83] : memref<2560x32xf32, #tpu.memory_space<vmem>> -> memref<128x32xf32, #tpu.memory_space<vmem>>
    %dma_start3A_85 = arith.constant 1280 : i32
    %dma_start3A_86 = tpu.memref_slice %arg5[%dma_start3A_85] : memref<2560xi32, #tpu.memory_space<vmem>> -> memref<128xi32, #tpu.memory_space<vmem>>
    %dma_start3A_87 = arith.constant 0 : i32
    %dma_start3A_88 = arith.constant 0 : i32
    %dma_start3A_89 = tpu.memref_slice %arg2[%dma_start3A_87, %dma_start3A_88] : memref<1000000x32xf32, #tpu.memory_space<hbm>> -> memref<1000000x32xf32, #tpu.memory_space<hbm>>
    tpu.enqueue_indirect_dma source(%dma_start3A_89 : memref<1000000x32xf32, #tpu.memory_space<hbm>>) target(%dma_start3A_84 : memref<128x32xf32, #tpu.memory_space<vmem>>) offsets(%dma_start3A_86 : memref<128xi32, #tpu.memory_space<vmem>>) semaphore(%arg7 : memref<!tpu.dma_semaphore, #tpu.memory_space<semaphore_mem>>)
    %dma_start3A_90 = arith.constant 1408 : i32
    %dma_start3A_91 = arith.constant 0 : i32
    %dma_start3A_92 = tpu.memref_slice %arg6[%dma_start3A_90, %dma_start3A_91] : memref<2560x32xf32, #tpu.memory_space<vmem>> -> memref<128x32xf32, #tpu.memory_space<vmem>>
    %dma_start3A_93 = arith.constant 1408 : i32
    %dma_start3A_94 = tpu.memref_slice %arg5[%dma_start3A_93] : memref<2560xi32, #tpu.memory_space<vmem>> -> memref<128xi32, #tpu.memory_space<vmem>>
    %dma_start3A_95 = arith.constant 0 : i32
    %dma_start3A_96 = arith.constant 0 : i32
    %dma_start3A_97 = tpu.memref_slice %arg2[%dma_start3A_95, %dma_start3A_96] : memref<1000000x32xf32, #tpu.memory_space<hbm>> -> memref<1000000x32xf32, #tpu.memory_space<hbm>>
    tpu.enqueue_indirect_dma source(%dma_start3A_97 : memref<1000000x32xf32, #tpu.memory_space<hbm>>) target(%dma_start3A_92 : memref<128x32xf32, #tpu.memory_space<vmem>>) offsets(%dma_start3A_94 : memref<128xi32, #tpu.memory_space<vmem>>) semaphore(%arg7 : memref<!tpu.dma_semaphore, #tpu.memory_space<semaphore_mem>>)
    %dma_start3A_98 = arith.constant 1536 : i32
    %dma_start3A_99 = arith.constant 0 : i32
    %dma_start3A_100 = tpu.memref_slice %arg6[%dma_start3A_98, %dma_start3A_99] : memref<2560x32xf32, #tpu.memory_space<vmem>> -> memref<128x32xf32, #tpu.memory_space<vmem>>
    %dma_start3A_101 = arith.constant 1536 : i32
    %dma_start3A_102 = tpu.memref_slice %arg5[%dma_start3A_101] : memref<2560xi32, #tpu.memory_space<vmem>> -> memref<128xi32, #tpu.memory_space<vmem>>
    %dma_start3A_103 = arith.constant 0 : i32
    %dma_start3A_104 = arith.constant 0 : i32
    %dma_start3A_105 = tpu.memref_slice %arg2[%dma_start3A_103, %dma_start3A_104] : memref<1000000x32xf32, #tpu.memory_space<hbm>> -> memref<1000000x32xf32, #tpu.memory_space<hbm>>
    tpu.enqueue_indirect_dma source(%dma_start3A_105 : memref<1000000x32xf32, #tpu.memory_space<hbm>>) target(%dma_start3A_100 : memref<128x32xf32, #tpu.memory_space<vmem>>) offsets(%dma_start3A_102 : memref<128xi32, #tpu.memory_space<vmem>>) semaphore(%arg7 : memref<!tpu.dma_semaphore, #tpu.memory_space<semaphore_mem>>)
    %dma_start3A_106 = arith.constant 1664 : i32
    %dma_start3A_107 = arith.constant 0 : i32
    %dma_start3A_108 = tpu.memref_slice %arg6[%dma_start3A_106, %dma_start3A_107] : memref<2560x32xf32, #tpu.memory_space<vmem>> -> memref<128x32xf32, #tpu.memory_space<vmem>>
    %dma_start3A_109 = arith.constant 1664 : i32
    %dma_start3A_110 = tpu.memref_slice %arg5[%dma_start3A_109] : memref<2560xi32, #tpu.memory_space<vmem>> -> memref<128xi32, #tpu.memory_space<vmem>>
    %dma_start3A_111 = arith.constant 0 : i32
    %dma_start3A_112 = arith.constant 0 : i32
    %dma_start3A_113 = tpu.memref_slice %arg2[%dma_start3A_111, %dma_start3A_112] : memref<1000000x32xf32, #tpu.memory_space<hbm>> -> memref<1000000x32xf32, #tpu.memory_space<hbm>>
    tpu.enqueue_indirect_dma source(%dma_start3A_113 : memref<1000000x32xf32, #tpu.memory_space<hbm>>) target(%dma_start3A_108 : memref<128x32xf32, #tpu.memory_space<vmem>>) offsets(%dma_start3A_110 : memref<128xi32, #tpu.memory_space<vmem>>) semaphore(%arg7 : memref<!tpu.dma_semaphore, #tpu.memory_space<semaphore_mem>>)
    %dma_start3A_114 = arith.constant 1792 : i32
    %dma_start3A_115 = arith.constant 0 : i32
    %dma_start3A_116 = tpu.memref_slice %arg6[%dma_start3A_114, %dma_start3A_115] : memref<2560x32xf32, #tpu.memory_space<vmem>> -> memref<128x32xf32, #tpu.memory_space<vmem>>
    %dma_start3A_117 = arith.constant 1792 : i32
    %dma_start3A_118 = tpu.memref_slice %arg5[%dma_start3A_117] : memref<2560xi32, #tpu.memory_space<vmem>> -> memref<128xi32, #tpu.memory_space<vmem>>
    %dma_start3A_119 = arith.constant 0 : i32
    %dma_start3A_120 = arith.constant 0 : i32
    %dma_start3A_121 = tpu.memref_slice %arg2[%dma_start3A_119, %dma_start3A_120] : memref<1000000x32xf32, #tpu.memory_space<hbm>> -> memref<1000000x32xf32, #tpu.memory_space<hbm>>
    tpu.enqueue_indirect_dma source(%dma_start3A_121 : memref<1000000x32xf32, #tpu.memory_space<hbm>>) target(%dma_start3A_116 : memref<128x32xf32, #tpu.memory_space<vmem>>) offsets(%dma_start3A_118 : memref<128xi32, #tpu.memory_space<vmem>>) semaphore(%arg7 : memref<!tpu.dma_semaphore, #tpu.memory_space<semaphore_mem>>)
    %dma_start3A_122 = arith.constant 1920 : i32
    %dma_start3A_123 = arith.constant 0 : i32
    %dma_start3A_124 = tpu.memref_slice %arg6[%dma_start3A_122, %dma_start3A_123] : memref<2560x32xf32, #tpu.memory_space<vmem>> -> memref<128x32xf32, #tpu.memory_space<vmem>>
    %dma_start3A_125 = arith.constant 1920 : i32
    %dma_start3A_126 = tpu.memref_slice %arg5[%dma_start3A_125] : memref<2560xi32, #tpu.memory_space<vmem>> -> memref<128xi32, #tpu.memory_space<vmem>>
    %dma_start3A_127 = arith.constant 0 : i32
    %dma_start3A_128 = arith.constant 0 : i32
    %dma_start3A_129 = tpu.memref_slice %arg2[%dma_start3A_127, %dma_start3A_128] : memref<1000000x32xf32, #tpu.memory_space<hbm>> -> memref<1000000x32xf32, #tpu.memory_space<hbm>>
    tpu.enqueue_indirect_dma source(%dma_start3A_129 : memref<1000000x32xf32, #tpu.memory_space<hbm>>) target(%dma_start3A_124 : memref<128x32xf32, #tpu.memory_space<vmem>>) offsets(%dma_start3A_126 : memref<128xi32, #tpu.memory_space<vmem>>) semaphore(%arg7 : memref<!tpu.dma_semaphore, #tpu.memory_space<semaphore_mem>>)
    %dma_start3A_130 = arith.constant 2048 : i32
    %dma_start3A_131 = arith.constant 0 : i32
    %dma_start3A_132 = tpu.memref_slice %arg6[%dma_start3A_130, %dma_start3A_131] : memref<2560x32xf32, #tpu.memory_space<vmem>> -> memref<128x32xf32, #tpu.memory_space<vmem>>
    %dma_start3A_133 = arith.constant 2048 : i32
    %dma_start3A_134 = tpu.memref_slice %arg5[%dma_start3A_133] : memref<2560xi32, #tpu.memory_space<vmem>> -> memref<128xi32, #tpu.memory_space<vmem>>
    %dma_start3A_135 = arith.constant 0 : i32
    %dma_start3A_136 = arith.constant 0 : i32
    %dma_start3A_137 = tpu.memref_slice %arg2[%dma_start3A_135, %dma_start3A_136] : memref<1000000x32xf32, #tpu.memory_space<hbm>> -> memref<1000000x32xf32, #tpu.memory_space<hbm>>
    tpu.enqueue_indirect_dma source(%dma_start3A_137 : memref<1000000x32xf32, #tpu.memory_space<hbm>>) target(%dma_start3A_132 : memref<128x32xf32, #tpu.memory_space<vmem>>) offsets(%dma_start3A_134 : memref<128xi32, #tpu.memory_space<vmem>>) semaphore(%arg7 : memref<!tpu.dma_semaphore, #tpu.memory_space<semaphore_mem>>)
    %dma_start3A_138 = arith.constant 2176 : i32
    %dma_start3A_139 = arith.constant 0 : i32
    %dma_start3A_140 = tpu.memref_slice %arg6[%dma_start3A_138, %dma_start3A_139] : memref<2560x32xf32, #tpu.memory_space<vmem>> -> memref<128x32xf32, #tpu.memory_space<vmem>>
    %dma_start3A_141 = arith.constant 2176 : i32
    %dma_start3A_142 = tpu.memref_slice %arg5[%dma_start3A_141] : memref<2560xi32, #tpu.memory_space<vmem>> -> memref<128xi32, #tpu.memory_space<vmem>>
    %dma_start3A_143 = arith.constant 0 : i32
    %dma_start3A_144 = arith.constant 0 : i32
    %dma_start3A_145 = tpu.memref_slice %arg2[%dma_start3A_143, %dma_start3A_144] : memref<1000000x32xf32, #tpu.memory_space<hbm>> -> memref<1000000x32xf32, #tpu.memory_space<hbm>>
    tpu.enqueue_indirect_dma source(%dma_start3A_145 : memref<1000000x32xf32, #tpu.memory_space<hbm>>) target(%dma_start3A_140 : memref<128x32xf32, #tpu.memory_space<vmem>>) offsets(%dma_start3A_142 : memref<128xi32, #tpu.memory_space<vmem>>) semaphore(%arg7 : memref<!tpu.dma_semaphore, #tpu.memory_space<semaphore_mem>>)
    %dma_start3A_146 = arith.constant 2304 : i32
    %dma_start3A_147 = arith.constant 0 : i32
    %dma_start3A_148 = tpu.memref_slice %arg6[%dma_start3A_146, %dma_start3A_147] : memref<2560x32xf32, #tpu.memory_space<vmem>> -> memref<128x32xf32, #tpu.memory_space<vmem>>
    %dma_start3A_149 = arith.constant 2304 : i32
    %dma_start3A_150 = tpu.memref_slice %arg5[%dma_start3A_149] : memref<2560xi32, #tpu.memory_space<vmem>> -> memref<128xi32, #tpu.memory_space<vmem>>
    %dma_start3A_151 = arith.constant 0 : i32
    %dma_start3A_152 = arith.constant 0 : i32
    %dma_start3A_153 = tpu.memref_slice %arg2[%dma_start3A_151, %dma_start3A_152] : memref<1000000x32xf32, #tpu.memory_space<hbm>> -> memref<1000000x32xf32, #tpu.memory_space<hbm>>
    tpu.enqueue_indirect_dma source(%dma_start3A_153 : memref<1000000x32xf32, #tpu.memory_space<hbm>>) target(%dma_start3A_148 : memref<128x32xf32, #tpu.memory_space<vmem>>) offsets(%dma_start3A_150 : memref<128xi32, #tpu.memory_space<vmem>>) semaphore(%arg7 : memref<!tpu.dma_semaphore, #tpu.memory_space<semaphore_mem>>)
    %dma_start3A_154 = arith.constant 2432 : i32
    %dma_start3A_155 = arith.constant 0 : i32
    %dma_start3A_156 = tpu.memref_slice %arg6[%dma_start3A_154, %dma_start3A_155] : memref<2560x32xf32, #tpu.memory_space<vmem>> -> memref<128x32xf32, #tpu.memory_space<vmem>>
    %dma_start3A_157 = arith.constant 2432 : i32
    %dma_start3A_158 = tpu.memref_slice %arg5[%dma_start3A_157] : memref<2560xi32, #tpu.memory_space<vmem>> -> memref<128xi32, #tpu.memory_space<vmem>>
    %dma_start3A_159 = arith.constant 0 : i32
    %dma_start3A_160 = arith.constant 0 : i32
    %dma_start3A_161 = tpu.memref_slice %arg2[%dma_start3A_159, %dma_start3A_160] : memref<1000000x32xf32, #tpu.memory_space<hbm>> -> memref<1000000x32xf32, #tpu.memory_space<hbm>>
    tpu.enqueue_indirect_dma source(%dma_start3A_161 : memref<1000000x32xf32, #tpu.memory_space<hbm>>) target(%dma_start3A_156 : memref<128x32xf32, #tpu.memory_space<vmem>>) offsets(%dma_start3A_158 : memref<128xi32, #tpu.memory_space<vmem>>) semaphore(%arg7 : memref<!tpu.dma_semaphore, #tpu.memory_space<semaphore_mem>>)
    %dma_wait3A = arith.constant 0 : i32
    %dma_wait3A_162 = arith.constant 0 : i32
    %dma_wait3A_163 = tpu.memref_slice %arg6[%dma_wait3A, %dma_wait3A_162] : memref<2560x32xf32, #tpu.memory_space<vmem>> -> memref<128x32xf32, #tpu.memory_space<vmem>>
    %dma_wait3A_164 = arith.constant 0 : i32
    %dma_wait3A_165 = tpu.memref_slice %arg5[%dma_wait3A_164] : memref<2560xi32, #tpu.memory_space<vmem>> -> memref<128xi32, #tpu.memory_space<vmem>>
    %dma_wait3A_166 = arith.constant 0 : i32
    %dma_wait3A_167 = arith.constant 0 : i32
    %dma_wait3A_168 = tpu.memref_slice %arg2[%dma_wait3A_166, %dma_wait3A_167] : memref<1000000x32xf32, #tpu.memory_space<hbm>> -> memref<1000000x32xf32, #tpu.memory_space<hbm>>
    tpu.wait_indirect_dma semaphore(%arg7 : memref<!tpu.dma_semaphore, #tpu.memory_space<semaphore_mem>>) src(%dma_wait3A_168 : memref<1000000x32xf32, #tpu.memory_space<hbm>>) dst(%dma_wait3A_163 : memref<128x32xf32, #tpu.memory_space<vmem>>)
    %dma_wait3A_169 = arith.constant 128 : i32
    %dma_wait3A_170 = arith.constant 0 : i32
    %dma_wait3A_171 = tpu.memref_slice %arg6[%dma_wait3A_169, %dma_wait3A_170] : memref<2560x32xf32, #tpu.memory_space<vmem>> -> memref<128x32xf32, #tpu.memory_space<vmem>>
    %dma_wait3A_172 = arith.constant 128 : i32
    %dma_wait3A_173 = tpu.memref_slice %arg5[%dma_wait3A_172] : memref<2560xi32, #tpu.memory_space<vmem>> -> memref<128xi32, #tpu.memory_space<vmem>>
    %dma_wait3A_174 = arith.constant 0 : i32
    %dma_wait3A_175 = arith.constant 0 : i32
    %dma_wait3A_176 = tpu.memref_slice %arg2[%dma_wait3A_174, %dma_wait3A_175] : memref<1000000x32xf32, #tpu.memory_space<hbm>> -> memref<1000000x32xf32, #tpu.memory_space<hbm>>
    tpu.wait_indirect_dma semaphore(%arg7 : memref<!tpu.dma_semaphore, #tpu.memory_space<semaphore_mem>>) src(%dma_wait3A_176 : memref<1000000x32xf32, #tpu.memory_space<hbm>>) dst(%dma_wait3A_171 : memref<128x32xf32, #tpu.memory_space<vmem>>)
    %dma_wait3A_177 = arith.constant 256 : i32
    %dma_wait3A_178 = arith.constant 0 : i32
    %dma_wait3A_179 = tpu.memref_slice %arg6[%dma_wait3A_177, %dma_wait3A_178] : memref<2560x32xf32, #tpu.memory_space<vmem>> -> memref<128x32xf32, #tpu.memory_space<vmem>>
    %dma_wait3A_180 = arith.constant 256 : i32
    %dma_wait3A_181 = tpu.memref_slice %arg5[%dma_wait3A_180] : memref<2560xi32, #tpu.memory_space<vmem>> -> memref<128xi32, #tpu.memory_space<vmem>>
    %dma_wait3A_182 = arith.constant 0 : i32
    %dma_wait3A_183 = arith.constant 0 : i32
    %dma_wait3A_184 = tpu.memref_slice %arg2[%dma_wait3A_182, %dma_wait3A_183] : memref<1000000x32xf32, #tpu.memory_space<hbm>> -> memref<1000000x32xf32, #tpu.memory_space<hbm>>
    tpu.wait_indirect_dma semaphore(%arg7 : memref<!tpu.dma_semaphore, #tpu.memory_space<semaphore_mem>>) src(%dma_wait3A_184 : memref<1000000x32xf32, #tpu.memory_space<hbm>>) dst(%dma_wait3A_179 : memref<128x32xf32, #tpu.memory_space<vmem>>)
    %dma_wait3A_185 = arith.constant 384 : i32
    %dma_wait3A_186 = arith.constant 0 : i32
    %dma_wait3A_187 = tpu.memref_slice %arg6[%dma_wait3A_185, %dma_wait3A_186] : memref<2560x32xf32, #tpu.memory_space<vmem>> -> memref<128x32xf32, #tpu.memory_space<vmem>>
    %dma_wait3A_188 = arith.constant 384 : i32
    %dma_wait3A_189 = tpu.memref_slice %arg5[%dma_wait3A_188] : memref<2560xi32, #tpu.memory_space<vmem>> -> memref<128xi32, #tpu.memory_space<vmem>>
    %dma_wait3A_190 = arith.constant 0 : i32
    %dma_wait3A_191 = arith.constant 0 : i32
    %dma_wait3A_192 = tpu.memref_slice %arg2[%dma_wait3A_190, %dma_wait3A_191] : memref<1000000x32xf32, #tpu.memory_space<hbm>> -> memref<1000000x32xf32, #tpu.memory_space<hbm>>
    tpu.wait_indirect_dma semaphore(%arg7 : memref<!tpu.dma_semaphore, #tpu.memory_space<semaphore_mem>>) src(%dma_wait3A_192 : memref<1000000x32xf32, #tpu.memory_space<hbm>>) dst(%dma_wait3A_187 : memref<128x32xf32, #tpu.memory_space<vmem>>)
    %dma_wait3A_193 = arith.constant 512 : i32
    %dma_wait3A_194 = arith.constant 0 : i32
    %dma_wait3A_195 = tpu.memref_slice %arg6[%dma_wait3A_193, %dma_wait3A_194] : memref<2560x32xf32, #tpu.memory_space<vmem>> -> memref<128x32xf32, #tpu.memory_space<vmem>>
    %dma_wait3A_196 = arith.constant 512 : i32
    %dma_wait3A_197 = tpu.memref_slice %arg5[%dma_wait3A_196] : memref<2560xi32, #tpu.memory_space<vmem>> -> memref<128xi32, #tpu.memory_space<vmem>>
    %dma_wait3A_198 = arith.constant 0 : i32
    %dma_wait3A_199 = arith.constant 0 : i32
    %dma_wait3A_200 = tpu.memref_slice %arg2[%dma_wait3A_198, %dma_wait3A_199] : memref<1000000x32xf32, #tpu.memory_space<hbm>> -> memref<1000000x32xf32, #tpu.memory_space<hbm>>
    tpu.wait_indirect_dma semaphore(%arg7 : memref<!tpu.dma_semaphore, #tpu.memory_space<semaphore_mem>>) src(%dma_wait3A_200 : memref<1000000x32xf32, #tpu.memory_space<hbm>>) dst(%dma_wait3A_195 : memref<128x32xf32, #tpu.memory_space<vmem>>)
    %dma_wait3A_201 = arith.constant 640 : i32
    %dma_wait3A_202 = arith.constant 0 : i32
    %dma_wait3A_203 = tpu.memref_slice %arg6[%dma_wait3A_201, %dma_wait3A_202] : memref<2560x32xf32, #tpu.memory_space<vmem>> -> memref<128x32xf32, #tpu.memory_space<vmem>>
    %dma_wait3A_204 = arith.constant 640 : i32
    %dma_wait3A_205 = tpu.memref_slice %arg5[%dma_wait3A_204] : memref<2560xi32, #tpu.memory_space<vmem>> -> memref<128xi32, #tpu.memory_space<vmem>>
    %dma_wait3A_206 = arith.constant 0 : i32
    %dma_wait3A_207 = arith.constant 0 : i32
    %dma_wait3A_208 = tpu.memref_slice %arg2[%dma_wait3A_206, %dma_wait3A_207] : memref<1000000x32xf32, #tpu.memory_space<hbm>> -> memref<1000000x32xf32, #tpu.memory_space<hbm>>
    tpu.wait_indirect_dma semaphore(%arg7 : memref<!tpu.dma_semaphore, #tpu.memory_space<semaphore_mem>>) src(%dma_wait3A_208 : memref<1000000x32xf32, #tpu.memory_space<hbm>>) dst(%dma_wait3A_203 : memref<128x32xf32, #tpu.memory_space<vmem>>)
    %dma_wait3A_209 = arith.constant 768 : i32
    %dma_wait3A_210 = arith.constant 0 : i32
    %dma_wait3A_211 = tpu.memref_slice %arg6[%dma_wait3A_209, %dma_wait3A_210] : memref<2560x32xf32, #tpu.memory_space<vmem>> -> memref<128x32xf32, #tpu.memory_space<vmem>>
    %dma_wait3A_212 = arith.constant 768 : i32
    %dma_wait3A_213 = tpu.memref_slice %arg5[%dma_wait3A_212] : memref<2560xi32, #tpu.memory_space<vmem>> -> memref<128xi32, #tpu.memory_space<vmem>>
    %dma_wait3A_214 = arith.constant 0 : i32
    %dma_wait3A_215 = arith.constant 0 : i32
    %dma_wait3A_216 = tpu.memref_slice %arg2[%dma_wait3A_214, %dma_wait3A_215] : memref<1000000x32xf32, #tpu.memory_space<hbm>> -> memref<1000000x32xf32, #tpu.memory_space<hbm>>
    tpu.wait_indirect_dma semaphore(%arg7 : memref<!tpu.dma_semaphore, #tpu.memory_space<semaphore_mem>>) src(%dma_wait3A_216 : memref<1000000x32xf32, #tpu.memory_space<hbm>>) dst(%dma_wait3A_211 : memref<128x32xf32, #tpu.memory_space<vmem>>)
    %dma_wait3A_217 = arith.constant 896 : i32
    %dma_wait3A_218 = arith.constant 0 : i32
    %dma_wait3A_219 = tpu.memref_slice %arg6[%dma_wait3A_217, %dma_wait3A_218] : memref<2560x32xf32, #tpu.memory_space<vmem>> -> memref<128x32xf32, #tpu.memory_space<vmem>>
    %dma_wait3A_220 = arith.constant 896 : i32
    %dma_wait3A_221 = tpu.memref_slice %arg5[%dma_wait3A_220] : memref<2560xi32, #tpu.memory_space<vmem>> -> memref<128xi32, #tpu.memory_space<vmem>>
    %dma_wait3A_222 = arith.constant 0 : i32
    %dma_wait3A_223 = arith.constant 0 : i32
    %dma_wait3A_224 = tpu.memref_slice %arg2[%dma_wait3A_222, %dma_wait3A_223] : memref<1000000x32xf32, #tpu.memory_space<hbm>> -> memref<1000000x32xf32, #tpu.memory_space<hbm>>
    tpu.wait_indirect_dma semaphore(%arg7 : memref<!tpu.dma_semaphore, #tpu.memory_space<semaphore_mem>>) src(%dma_wait3A_224 : memref<1000000x32xf32, #tpu.memory_space<hbm>>) dst(%dma_wait3A_219 : memref<128x32xf32, #tpu.memory_space<vmem>>)
    %dma_wait3A_225 = arith.constant 1024 : i32
    %dma_wait3A_226 = arith.constant 0 : i32
    %dma_wait3A_227 = tpu.memref_slice %arg6[%dma_wait3A_225, %dma_wait3A_226] : memref<2560x32xf32, #tpu.memory_space<vmem>> -> memref<128x32xf32, #tpu.memory_space<vmem>>
    %dma_wait3A_228 = arith.constant 1024 : i32
    %dma_wait3A_229 = tpu.memref_slice %arg5[%dma_wait3A_228] : memref<2560xi32, #tpu.memory_space<vmem>> -> memref<128xi32, #tpu.memory_space<vmem>>
    %dma_wait3A_230 = arith.constant 0 : i32
    %dma_wait3A_231 = arith.constant 0 : i32
    %dma_wait3A_232 = tpu.memref_slice %arg2[%dma_wait3A_230, %dma_wait3A_231] : memref<1000000x32xf32, #tpu.memory_space<hbm>> -> memref<1000000x32xf32, #tpu.memory_space<hbm>>
    tpu.wait_indirect_dma semaphore(%arg7 : memref<!tpu.dma_semaphore, #tpu.memory_space<semaphore_mem>>) src(%dma_wait3A_232 : memref<1000000x32xf32, #tpu.memory_space<hbm>>) dst(%dma_wait3A_227 : memref<128x32xf32, #tpu.memory_space<vmem>>)
    %dma_wait3A_233 = arith.constant 1152 : i32
    %dma_wait3A_234 = arith.constant 0 : i32
    %dma_wait3A_235 = tpu.memref_slice %arg6[%dma_wait3A_233, %dma_wait3A_234] : memref<2560x32xf32, #tpu.memory_space<vmem>> -> memref<128x32xf32, #tpu.memory_space<vmem>>
    %dma_wait3A_236 = arith.constant 1152 : i32
    %dma_wait3A_237 = tpu.memref_slice %arg5[%dma_wait3A_236] : memref<2560xi32, #tpu.memory_space<vmem>> -> memref<128xi32, #tpu.memory_space<vmem>>
    %dma_wait3A_238 = arith.constant 0 : i32
    %dma_wait3A_239 = arith.constant 0 : i32
    %dma_wait3A_240 = tpu.memref_slice %arg2[%dma_wait3A_238, %dma_wait3A_239] : memref<1000000x32xf32, #tpu.memory_space<hbm>> -> memref<1000000x32xf32, #tpu.memory_space<hbm>>
    tpu.wait_indirect_dma semaphore(%arg7 : memref<!tpu.dma_semaphore, #tpu.memory_space<semaphore_mem>>) src(%dma_wait3A_240 : memref<1000000x32xf32, #tpu.memory_space<hbm>>) dst(%dma_wait3A_235 : memref<128x32xf32, #tpu.memory_space<vmem>>)
    %dma_wait3A_241 = arith.constant 1280 : i32
    %dma_wait3A_242 = arith.constant 0 : i32
    %dma_wait3A_243 = tpu.memref_slice %arg6[%dma_wait3A_241, %dma_wait3A_242] : memref<2560x32xf32, #tpu.memory_space<vmem>> -> memref<128x32xf32, #tpu.memory_space<vmem>>
    %dma_wait3A_244 = arith.constant 1280 : i32
    %dma_wait3A_245 = tpu.memref_slice %arg5[%dma_wait3A_244] : memref<2560xi32, #tpu.memory_space<vmem>> -> memref<128xi32, #tpu.memory_space<vmem>>
    %dma_wait3A_246 = arith.constant 0 : i32
    %dma_wait3A_247 = arith.constant 0 : i32
    %dma_wait3A_248 = tpu.memref_slice %arg2[%dma_wait3A_246, %dma_wait3A_247] : memref<1000000x32xf32, #tpu.memory_space<hbm>> -> memref<1000000x32xf32, #tpu.memory_space<hbm>>
    tpu.wait_indirect_dma semaphore(%arg7 : memref<!tpu.dma_semaphore, #tpu.memory_space<semaphore_mem>>) src(%dma_wait3A_248 : memref<1000000x32xf32, #tpu.memory_space<hbm>>) dst(%dma_wait3A_243 : memref<128x32xf32, #tpu.memory_space<vmem>>)
    %dma_wait3A_249 = arith.constant 1408 : i32
    %dma_wait3A_250 = arith.constant 0 : i32
    %dma_wait3A_251 = tpu.memref_slice %arg6[%dma_wait3A_249, %dma_wait3A_250] : memref<2560x32xf32, #tpu.memory_space<vmem>> -> memref<128x32xf32, #tpu.memory_space<vmem>>
    %dma_wait3A_252 = arith.constant 1408 : i32
    %dma_wait3A_253 = tpu.memref_slice %arg5[%dma_wait3A_252] : memref<2560xi32, #tpu.memory_space<vmem>> -> memref<128xi32, #tpu.memory_space<vmem>>
    %dma_wait3A_254 = arith.constant 0 : i32
    %dma_wait3A_255 = arith.constant 0 : i32
    %dma_wait3A_256 = tpu.memref_slice %arg2[%dma_wait3A_254, %dma_wait3A_255] : memref<1000000x32xf32, #tpu.memory_space<hbm>> -> memref<1000000x32xf32, #tpu.memory_space<hbm>>
    tpu.wait_indirect_dma semaphore(%arg7 : memref<!tpu.dma_semaphore, #tpu.memory_space<semaphore_mem>>) src(%dma_wait3A_256 : memref<1000000x32xf32, #tpu.memory_space<hbm>>) dst(%dma_wait3A_251 : memref<128x32xf32, #tpu.memory_space<vmem>>)
    %dma_wait3A_257 = arith.constant 1536 : i32
    %dma_wait3A_258 = arith.constant 0 : i32
    %dma_wait3A_259 = tpu.memref_slice %arg6[%dma_wait3A_257, %dma_wait3A_258] : memref<2560x32xf32, #tpu.memory_space<vmem>> -> memref<128x32xf32, #tpu.memory_space<vmem>>
    %dma_wait3A_260 = arith.constant 1536 : i32
    %dma_wait3A_261 = tpu.memref_slice %arg5[%dma_wait3A_260] : memref<2560xi32, #tpu.memory_space<vmem>> -> memref<128xi32, #tpu.memory_space<vmem>>
    %dma_wait3A_262 = arith.constant 0 : i32
    %dma_wait3A_263 = arith.constant 0 : i32
    %dma_wait3A_264 = tpu.memref_slice %arg2[%dma_wait3A_262, %dma_wait3A_263] : memref<1000000x32xf32, #tpu.memory_space<hbm>> -> memref<1000000x32xf32, #tpu.memory_space<hbm>>
    tpu.wait_indirect_dma semaphore(%arg7 : memref<!tpu.dma_semaphore, #tpu.memory_space<semaphore_mem>>) src(%dma_wait3A_264 : memref<1000000x32xf32, #tpu.memory_space<hbm>>) dst(%dma_wait3A_259 : memref<128x32xf32, #tpu.memory_space<vmem>>)
    %dma_wait3A_265 = arith.constant 1664 : i32
    %dma_wait3A_266 = arith.constant 0 : i32
    %dma_wait3A_267 = tpu.memref_slice %arg6[%dma_wait3A_265, %dma_wait3A_266] : memref<2560x32xf32, #tpu.memory_space<vmem>> -> memref<128x32xf32, #tpu.memory_space<vmem>>
    %dma_wait3A_268 = arith.constant 1664 : i32
    %dma_wait3A_269 = tpu.memref_slice %arg5[%dma_wait3A_268] : memref<2560xi32, #tpu.memory_space<vmem>> -> memref<128xi32, #tpu.memory_space<vmem>>
    %dma_wait3A_270 = arith.constant 0 : i32
    %dma_wait3A_271 = arith.constant 0 : i32
    %dma_wait3A_272 = tpu.memref_slice %arg2[%dma_wait3A_270, %dma_wait3A_271] : memref<1000000x32xf32, #tpu.memory_space<hbm>> -> memref<1000000x32xf32, #tpu.memory_space<hbm>>
    tpu.wait_indirect_dma semaphore(%arg7 : memref<!tpu.dma_semaphore, #tpu.memory_space<semaphore_mem>>) src(%dma_wait3A_272 : memref<1000000x32xf32, #tpu.memory_space<hbm>>) dst(%dma_wait3A_267 : memref<128x32xf32, #tpu.memory_space<vmem>>)
    %dma_wait3A_273 = arith.constant 1792 : i32
    %dma_wait3A_274 = arith.constant 0 : i32
    %dma_wait3A_275 = tpu.memref_slice %arg6[%dma_wait3A_273, %dma_wait3A_274] : memref<2560x32xf32, #tpu.memory_space<vmem>> -> memref<128x32xf32, #tpu.memory_space<vmem>>
    %dma_wait3A_276 = arith.constant 1792 : i32
    %dma_wait3A_277 = tpu.memref_slice %arg5[%dma_wait3A_276] : memref<2560xi32, #tpu.memory_space<vmem>> -> memref<128xi32, #tpu.memory_space<vmem>>
    %dma_wait3A_278 = arith.constant 0 : i32
    %dma_wait3A_279 = arith.constant 0 : i32
    %dma_wait3A_280 = tpu.memref_slice %arg2[%dma_wait3A_278, %dma_wait3A_279] : memref<1000000x32xf32, #tpu.memory_space<hbm>> -> memref<1000000x32xf32, #tpu.memory_space<hbm>>
    tpu.wait_indirect_dma semaphore(%arg7 : memref<!tpu.dma_semaphore, #tpu.memory_space<semaphore_mem>>) src(%dma_wait3A_280 : memref<1000000x32xf32, #tpu.memory_space<hbm>>) dst(%dma_wait3A_275 : memref<128x32xf32, #tpu.memory_space<vmem>>)
    %dma_wait3A_281 = arith.constant 1920 : i32
    %dma_wait3A_282 = arith.constant 0 : i32
    %dma_wait3A_283 = tpu.memref_slice %arg6[%dma_wait3A_281, %dma_wait3A_282] : memref<2560x32xf32, #tpu.memory_space<vmem>> -> memref<128x32xf32, #tpu.memory_space<vmem>>
    %dma_wait3A_284 = arith.constant 1920 : i32
    %dma_wait3A_285 = tpu.memref_slice %arg5[%dma_wait3A_284] : memref<2560xi32, #tpu.memory_space<vmem>> -> memref<128xi32, #tpu.memory_space<vmem>>
    %dma_wait3A_286 = arith.constant 0 : i32
    %dma_wait3A_287 = arith.constant 0 : i32
    %dma_wait3A_288 = tpu.memref_slice %arg2[%dma_wait3A_286, %dma_wait3A_287] : memref<1000000x32xf32, #tpu.memory_space<hbm>> -> memref<1000000x32xf32, #tpu.memory_space<hbm>>
    tpu.wait_indirect_dma semaphore(%arg7 : memref<!tpu.dma_semaphore, #tpu.memory_space<semaphore_mem>>) src(%dma_wait3A_288 : memref<1000000x32xf32, #tpu.memory_space<hbm>>) dst(%dma_wait3A_283 : memref<128x32xf32, #tpu.memory_space<vmem>>)
    %dma_wait3A_289 = arith.constant 2048 : i32
    %dma_wait3A_290 = arith.constant 0 : i32
    %dma_wait3A_291 = tpu.memref_slice %arg6[%dma_wait3A_289, %dma_wait3A_290] : memref<2560x32xf32, #tpu.memory_space<vmem>> -> memref<128x32xf32, #tpu.memory_space<vmem>>
    %dma_wait3A_292 = arith.constant 2048 : i32
    %dma_wait3A_293 = tpu.memref_slice %arg5[%dma_wait3A_292] : memref<2560xi32, #tpu.memory_space<vmem>> -> memref<128xi32, #tpu.memory_space<vmem>>
    %dma_wait3A_294 = arith.constant 0 : i32
    %dma_wait3A_295 = arith.constant 0 : i32
    %dma_wait3A_296 = tpu.memref_slice %arg2[%dma_wait3A_294, %dma_wait3A_295] : memref<1000000x32xf32, #tpu.memory_space<hbm>> -> memref<1000000x32xf32, #tpu.memory_space<hbm>>
    tpu.wait_indirect_dma semaphore(%arg7 : memref<!tpu.dma_semaphore, #tpu.memory_space<semaphore_mem>>) src(%dma_wait3A_296 : memref<1000000x32xf32, #tpu.memory_space<hbm>>) dst(%dma_wait3A_291 : memref<128x32xf32, #tpu.memory_space<vmem>>)
    %dma_wait3A_297 = arith.constant 2176 : i32
    %dma_wait3A_298 = arith.constant 0 : i32
    %dma_wait3A_299 = tpu.memref_slice %arg6[%dma_wait3A_297, %dma_wait3A_298] : memref<2560x32xf32, #tpu.memory_space<vmem>> -> memref<128x32xf32, #tpu.memory_space<vmem>>
    %dma_wait3A_300 = arith.constant 2176 : i32
    %dma_wait3A_301 = tpu.memref_slice %arg5[%dma_wait3A_300] : memref<2560xi32, #tpu.memory_space<vmem>> -> memref<128xi32, #tpu.memory_space<vmem>>
    %dma_wait3A_302 = arith.constant 0 : i32
    %dma_wait3A_303 = arith.constant 0 : i32
    %dma_wait3A_304 = tpu.memref_slice %arg2[%dma_wait3A_302, %dma_wait3A_303] : memref<1000000x32xf32, #tpu.memory_space<hbm>> -> memref<1000000x32xf32, #tpu.memory_space<hbm>>
    tpu.wait_indirect_dma semaphore(%arg7 : memref<!tpu.dma_semaphore, #tpu.memory_space<semaphore_mem>>) src(%dma_wait3A_304 : memref<1000000x32xf32, #tpu.memory_space<hbm>>) dst(%dma_wait3A_299 : memref<128x32xf32, #tpu.memory_space<vmem>>)
    %dma_wait3A_305 = arith.constant 2304 : i32
    %dma_wait3A_306 = arith.constant 0 : i32
    %dma_wait3A_307 = tpu.memref_slice %arg6[%dma_wait3A_305, %dma_wait3A_306] : memref<2560x32xf32, #tpu.memory_space<vmem>> -> memref<128x32xf32, #tpu.memory_space<vmem>>
    %dma_wait3A_308 = arith.constant 2304 : i32
    %dma_wait3A_309 = tpu.memref_slice %arg5[%dma_wait3A_308] : memref<2560xi32, #tpu.memory_space<vmem>> -> memref<128xi32, #tpu.memory_space<vmem>>
    %dma_wait3A_310 = arith.constant 0 : i32
    %dma_wait3A_311 = arith.constant 0 : i32
    %dma_wait3A_312 = tpu.memref_slice %arg2[%dma_wait3A_310, %dma_wait3A_311] : memref<1000000x32xf32, #tpu.memory_space<hbm>> -> memref<1000000x32xf32, #tpu.memory_space<hbm>>
    tpu.wait_indirect_dma semaphore(%arg7 : memref<!tpu.dma_semaphore, #tpu.memory_space<semaphore_mem>>) src(%dma_wait3A_312 : memref<1000000x32xf32, #tpu.memory_space<hbm>>) dst(%dma_wait3A_307 : memref<128x32xf32, #tpu.memory_space<vmem>>)
    %dma_wait3A_313 = arith.constant 2432 : i32
    %dma_wait3A_314 = arith.constant 0 : i32
    %dma_wait3A_315 = tpu.memref_slice %arg6[%dma_wait3A_313, %dma_wait3A_314] : memref<2560x32xf32, #tpu.memory_space<vmem>> -> memref<128x32xf32, #tpu.memory_space<vmem>>
    %dma_wait3A_316 = arith.constant 2432 : i32
    %dma_wait3A_317 = tpu.memref_slice %arg5[%dma_wait3A_316] : memref<2560xi32, #tpu.memory_space<vmem>> -> memref<128xi32, #tpu.memory_space<vmem>>
    %dma_wait3A_318 = arith.constant 0 : i32
    %dma_wait3A_319 = arith.constant 0 : i32
    %dma_wait3A_320 = tpu.memref_slice %arg2[%dma_wait3A_318, %dma_wait3A_319] : memref<1000000x32xf32, #tpu.memory_space<hbm>> -> memref<1000000x32xf32, #tpu.memory_space<hbm>>
    tpu.wait_indirect_dma semaphore(%arg7 : memref<!tpu.dma_semaphore, #tpu.memory_space<semaphore_mem>>) src(%dma_wait3A_320 : memref<1000000x32xf32, #tpu.memory_space<hbm>>) dst(%dma_wait3A_315 : memref<128x32xf32, #tpu.memory_space<vmem>>)
    "tpu.region"() ({
      %run_scoped3A = tpu.sem_alloc : memref<!tpu.dma_semaphore, #tpu.memory_space<semaphore_mem>>
      %dma_start3A_321 = arith.constant 0 : i32
      %dma_start3A_322 = tpu.memref_slice %arg4[%mul3A_2, %dma_start3A_321] : memref<81920x32xf32, #tpu.memory_space<hbm>> -> memref<2560x32xf32, #tpu.memory_space<hbm>>
      %dma_start3A_323 = arith.constant 0 : i32
      %dma_start3A_324 = tpu.memref_slice %arg4[%mul3A_2, %dma_start3A_323] : memref<81920x32xf32, #tpu.memory_space<hbm>> -> memref<2560x32xf32, #tpu.memory_space<hbm>>
      tpu.enqueue_dma source(%arg6 : memref<2560x32xf32, #tpu.memory_space<vmem>>) target(%dma_start3A_324 : memref<2560x32xf32, #tpu.memory_space<hbm>>) target_semaphore(%run_scoped3A : memref<!tpu.dma_semaphore, #tpu.memory_space<semaphore_mem>>)
      %dma_wait3A_325 = arith.constant 0 : i32
      %dma_wait3A_326 = tpu.memref_slice %arg4[%mul3A_2, %dma_wait3A_325] : memref<81920x32xf32, #tpu.memory_space<hbm>> -> memref<2560x32xf32, #tpu.memory_space<hbm>>
      %dma_wait3A_327 = arith.constant 0 : i32
      %dma_wait3A_328 = tpu.memref_slice %arg4[%mul3A_2, %dma_wait3A_327] : memref<81920x32xf32, #tpu.memory_space<hbm>> -> memref<2560x32xf32, #tpu.memory_space<hbm>>
      tpu.wait_dma2 semaphore(%run_scoped3A : memref<!tpu.dma_semaphore, #tpu.memory_space<semaphore_mem>>) src(%arg6 : memref<2560x32xf32, #tpu.memory_space<vmem>>) dst(%dma_wait3A_328 : memref<2560x32xf32, #tpu.memory_space<hbm>>)
      tpu.yield
    }) : () -> ()
    return
  }
}

module attributes {stable_mosaic.version = 14 : i64} {
  func.func @body(%arg0: i32, %arg1: memref<512x640xf32, #tpu.memory_space<vmem>>, %arg2: memref<512x32xf32, #tpu.memory_space<vmem>>, %arg3: memref<512x20xf32, #tpu.memory_space<vmem>>) attributes {dimension_semantics = [#tpu.dimension_semantics<arbitrary>], iteration_bounds = array<i64: 8>, scalar_prefetch = 0 : i64, scratch_operands = 0 : i64, tpu.core_type = #tpu.core_type<tc>, window_params = [{transform_indices = @transform_0, window_bounds = array<i64: 512, 640>}, {transform_indices = @transform_1, window_bounds = array<i64: 512, 32>}, {transform_indices = @transform_2, window_bounds = array<i64: 512, 20>}]} {
    %iota3A = tpu.iota {dimensions = array<i32: 0>} : vector<32x32xi32>
    %iota3A_0 = tpu.iota {dimensions = array<i32: 1>} : vector<32x32xi32>
    %jit3A = arith.constant 8 : i32
    %eq3A = arith.constant 0 : i32
    %eq3A_1 = arith.cmpi eq, %jit3A, %eq3A : i32
    %jit3A_2 = arith.constant 1 : i32
    %select_n3A = arith.select %eq3A_1, %jit3A_2, %jit3A : i32
    %rem3A = vector.broadcast %select_n3A : i32 to vector<32x32xi32>
    %rem3A_3 = arith.remsi %iota3A, %rem3A : vector<32x32xi32>
    %ne3A = arith.constant 0 : i32
    %ne3A_4 = vector.broadcast %ne3A : i32 to vector<32x32xi32>
    %ne3A_5 = arith.cmpi ne, %rem3A_3, %ne3A_4 : vector<32x32xi32>
    %lt3A = arith.constant 0 : i32
    %lt3A_6 = vector.broadcast %lt3A : i32 to vector<32x32xi32>
    %lt3A_7 = arith.cmpi slt, %rem3A_3, %lt3A_6 : vector<32x32xi32>
    %lt3A_8 = arith.constant 0 : i32
    %lt3A_9 = arith.cmpi slt, %select_n3A, %lt3A_8 : i32
    %ne3A_10 = vector.broadcast %lt3A_9 : i1 to vector<32x32xi1>
    %ne3A_11 = vector.broadcast %ne3A_10 : vector<32x32xi1> to vector<32x32xi1>
    %ne3A_12 = arith.xori %lt3A_7, %ne3A_11 : vector<32x32xi1>
    %and3A = arith.andi %ne3A_12, %ne3A_5 : vector<32x32xi1>
    %add3A = vector.broadcast %select_n3A : i32 to vector<32x32xi32>
    %add3A_13 = arith.addi %rem3A_3, %add3A : vector<32x32xi32>
    %select_n3A_14 = arith.select %and3A, %add3A_13, %rem3A_3 : vector<32x32xi1>, vector<32x32xi32>
    %mul3A = arith.constant 4 : i32
    %mul3A_15 = vector.broadcast %mul3A : i32 to vector<32x32xi32>
    %mul3A_16 = arith.muli %mul3A_15, %select_n3A_14 : vector<32x32xi32>
    %jit3A_17 = arith.constant 8 : i32
    %div3A = vector.broadcast %jit3A_17 : i32 to vector<32x32xi32>
    %div3A_18 = arith.divsi %iota3A, %div3A : vector<32x32xi32>
    %sign3A = arith.constant 0 : i32
    %sign3A_19 = vector.broadcast %sign3A : i32 to vector<32x32xi32>
    %sign3A_20 = arith.cmpi sgt, %iota3A, %sign3A_19 : vector<32x32xi32>
    %sign3A_21 = arith.extui %sign3A_20 : vector<32x32xi1> to vector<32x32xi32>
    %sign3A_22 = arith.constant 0 : i32
    %sign3A_23 = vector.broadcast %sign3A_22 : i32 to vector<32x32xi32>
    %sign3A_24 = arith.cmpi slt, %iota3A, %sign3A_23 : vector<32x32xi32>
    %sign3A_25 = arith.extui %sign3A_24 : vector<32x32xi1> to vector<32x32xi32>
    %sign3A_26 = arith.subi %sign3A_21, %sign3A_25 : vector<32x32xi32>
    %sign3A_27 = arith.constant 0 : i32
    %sign3A_28 = arith.cmpi sgt, %jit3A_17, %sign3A_27 : i32
    %sign3A_29 = arith.extui %sign3A_28 : i1 to i32
    %sign3A_30 = arith.constant 0 : i32
    %sign3A_31 = arith.cmpi slt, %jit3A_17, %sign3A_30 : i32
    %sign3A_32 = arith.extui %sign3A_31 : i1 to i32
    %sign3A_33 = arith.subi %sign3A_29, %sign3A_32 : i32
    %ne3A_34 = vector.broadcast %sign3A_33 : i32 to vector<32x32xi32>
    %ne3A_35 = arith.cmpi ne, %sign3A_26, %ne3A_34 : vector<32x32xi32>
    %rem3A_36 = vector.broadcast %jit3A_17 : i32 to vector<32x32xi32>
    %rem3A_37 = arith.remsi %iota3A, %rem3A_36 : vector<32x32xi32>
    %ne3A_38 = arith.constant 0 : i32
    %ne3A_39 = vector.broadcast %ne3A_38 : i32 to vector<32x32xi32>
    %ne3A_40 = arith.cmpi ne, %rem3A_37, %ne3A_39 : vector<32x32xi32>
    %and3A_41 = arith.andi %ne3A_35, %ne3A_40 : vector<32x32xi1>
    %sub3A = arith.constant 1 : i32
    %sub3A_42 = vector.broadcast %sub3A : i32 to vector<32x32xi32>
    %sub3A_43 = arith.subi %div3A_18, %sub3A_42 : vector<32x32xi32>
    %select_n3A_44 = arith.select %and3A_41, %sub3A_43, %div3A_18 : vector<32x32xi1>, vector<32x32xi32>
    %add3A_45 = arith.addi %mul3A_16, %select_n3A_44 : vector<32x32xi32>
    %eq3A_46 = arith.cmpi eq, %iota3A_0, %add3A_45 : vector<32x32xi32>
    %jit3A_47 = arith.constant 1.000000e+00 : f32
    %jit3A_48 = arith.constant 0.000000e+00 : f32
    %broadcast_in_dim3A = vector.broadcast %jit3A_47 : f32 to vector<32x32xf32>
    %broadcast_in_dim3A_49 = vector.broadcast %jit3A_48 : f32 to vector<32x32xf32>
    %select_n3A_50 = arith.select %eq3A_46, %broadcast_in_dim3A, %broadcast_in_dim3A_49 : vector<32x32xi1>, vector<32x32xf32>
    %broadcast_in_dim3A_51 = arith.constant 1.000000e+00 : f32
    %broadcast_in_dim3A_52 = vector.broadcast %broadcast_in_dim3A_51 : f32 to vector<8x512xf32>
    %broadcast_in_dim3A_53 = arith.constant 0.000000e+00 : f32
    %broadcast_in_dim3A_54 = vector.broadcast %broadcast_in_dim3A_53 : f32 to vector<8x512xf32>
    %broadcast_in_dim3A_55 = arith.constant 0.000000e+00 : f32
    %broadcast_in_dim3A_56 = vector.broadcast %broadcast_in_dim3A_55 : f32 to vector<8x512xf32>
    %broadcast_in_dim3A_57 = arith.constant 0.000000e+00 : f32
    %broadcast_in_dim3A_58 = vector.broadcast %broadcast_in_dim3A_57 : f32 to vector<8x512xf32>
    %get3A = arith.constant 0 : index
    %get3A_59 = arith.constant 0 : index
    %get3A_60 = vector.load %arg1[%get3A, %get3A_59] : memref<512x640xf32, #tpu.memory_space<vmem>>, vector<512x32xf32>
    %dot_general3A = arith.constant dense<0.000000e+00> : vector<32x512xf32>
    %dot_general3A_61 = tpu.matmul %select_n3A_50, %get3A_60, %dot_general3A {dimension_numbers = #tpu.dot_dimension_numbers<[1], [1], [0], [0], [0, 0, 1, 0], [], []>, precision = #tpu.contract_precision<fp32>, transpose_lhs_hint = false} : vector<32x32xf32>, vector<512x32xf32>, vector<32x512xf32> -> vector<32x512xf32>
    %slice3A = vector.extract_strided_slice %dot_general3A_61 {offsets = [0, 0], sizes = [8, 512], strides = [1, 1]} : vector<32x512xf32> to vector<8x512xf32>
    %slice3A_62 = vector.extract_strided_slice %dot_general3A_61 {offsets = [8, 0], sizes = [8, 512], strides = [1, 1]} : vector<32x512xf32> to vector<8x512xf32>
    %slice3A_63 = vector.extract_strided_slice %dot_general3A_61 {offsets = [16, 0], sizes = [8, 512], strides = [1, 1]} : vector<32x512xf32> to vector<8x512xf32>
    %slice3A_64 = vector.extract_strided_slice %dot_general3A_61 {offsets = [24, 0], sizes = [8, 512], strides = [1, 1]} : vector<32x512xf32> to vector<8x512xf32>
    %mul3A_65 = arith.mulf %slice3A, %slice3A : vector<8x512xf32>
    %mul3A_66 = arith.mulf %slice3A_62, %slice3A_62 : vector<8x512xf32>
    %add3A_67 = arith.addf %mul3A_65, %mul3A_66 : vector<8x512xf32>
    %mul3A_68 = arith.mulf %slice3A_63, %slice3A_63 : vector<8x512xf32>
    %add3A_69 = arith.addf %add3A_67, %mul3A_68 : vector<8x512xf32>
    %mul3A_70 = arith.mulf %slice3A_64, %slice3A_64 : vector<8x512xf32>
    %add3A_71 = arith.addf %add3A_69, %mul3A_70 : vector<8x512xf32>
    %sqrt3A = math.sqrt %add3A_71 : vector<8x512xf32>
    %max3A = arith.constant 9.99999996E-13 : f32
    %max3A_72 = vector.broadcast %max3A : f32 to vector<8x512xf32>
    %max3A_73 = arith.maximumf %sqrt3A, %max3A_72 : vector<8x512xf32>
    %div3A_74 = arith.constant 1.000000e+00 : f32
    %div3A_75 = vector.broadcast %div3A_74 : f32 to vector<8x512xf32>
    %div3A_76 = arith.divf %div3A_75, %max3A_73 : vector<8x512xf32>
    %mul3A_77 = arith.mulf %slice3A, %div3A_76 : vector<8x512xf32>
    %mul3A_78 = arith.mulf %slice3A_62, %div3A_76 : vector<8x512xf32>
    %mul3A_79 = arith.mulf %slice3A_63, %div3A_76 : vector<8x512xf32>
    %mul3A_80 = arith.mulf %slice3A_64, %div3A_76 : vector<8x512xf32>
    %mul3A_81 = arith.mulf %broadcast_in_dim3A_52, %mul3A_77 : vector<8x512xf32>
    %mul3A_82 = arith.mulf %broadcast_in_dim3A_54, %mul3A_78 : vector<8x512xf32>
    %sub3A_83 = arith.subf %mul3A_81, %mul3A_82 : vector<8x512xf32>
    %mul3A_84 = arith.mulf %broadcast_in_dim3A_56, %mul3A_79 : vector<8x512xf32>
    %sub3A_85 = arith.subf %sub3A_83, %mul3A_84 : vector<8x512xf32>
    %mul3A_86 = arith.mulf %broadcast_in_dim3A_58, %mul3A_80 : vector<8x512xf32>
    %sub3A_87 = arith.subf %sub3A_85, %mul3A_86 : vector<8x512xf32>
    %mul3A_88 = arith.mulf %broadcast_in_dim3A_52, %mul3A_78 : vector<8x512xf32>
    %mul3A_89 = arith.mulf %broadcast_in_dim3A_54, %mul3A_77 : vector<8x512xf32>
    %add3A_90 = arith.addf %mul3A_88, %mul3A_89 : vector<8x512xf32>
    %mul3A_91 = arith.mulf %broadcast_in_dim3A_56, %mul3A_80 : vector<8x512xf32>
    %add3A_92 = arith.addf %add3A_90, %mul3A_91 : vector<8x512xf32>
    %mul3A_93 = arith.mulf %broadcast_in_dim3A_58, %mul3A_79 : vector<8x512xf32>
    %sub3A_94 = arith.subf %add3A_92, %mul3A_93 : vector<8x512xf32>
    %mul3A_95 = arith.mulf %broadcast_in_dim3A_52, %mul3A_79 : vector<8x512xf32>
    %mul3A_96 = arith.mulf %broadcast_in_dim3A_54, %mul3A_80 : vector<8x512xf32>
    %sub3A_97 = arith.subf %mul3A_95, %mul3A_96 : vector<8x512xf32>
    %mul3A_98 = arith.mulf %broadcast_in_dim3A_56, %mul3A_77 : vector<8x512xf32>
    %add3A_99 = arith.addf %sub3A_97, %mul3A_98 : vector<8x512xf32>
    %mul3A_100 = arith.mulf %broadcast_in_dim3A_58, %mul3A_78 : vector<8x512xf32>
    %add3A_101 = arith.addf %add3A_99, %mul3A_100 : vector<8x512xf32>
    %mul3A_102 = arith.mulf %broadcast_in_dim3A_52, %mul3A_80 : vector<8x512xf32>
    %mul3A_103 = arith.mulf %broadcast_in_dim3A_54, %mul3A_79 : vector<8x512xf32>
    %add3A_104 = arith.addf %mul3A_102, %mul3A_103 : vector<8x512xf32>
    %mul3A_105 = arith.mulf %broadcast_in_dim3A_56, %mul3A_78 : vector<8x512xf32>
    %sub3A_106 = arith.subf %add3A_104, %mul3A_105 : vector<8x512xf32>
    %mul3A_107 = arith.mulf %broadcast_in_dim3A_58, %mul3A_77 : vector<8x512xf32>
    %add3A_108 = arith.addf %sub3A_106, %mul3A_107 : vector<8x512xf32>
    %mul3A_109 = arith.mulf %sub3A_87, %sub3A_87 : vector<8x512xf32>
    %mul3A_110 = arith.mulf %sub3A_94, %sub3A_94 : vector<8x512xf32>
    %add3A_111 = arith.addf %mul3A_109, %mul3A_110 : vector<8x512xf32>
    %mul3A_112 = arith.mulf %add3A_101, %add3A_101 : vector<8x512xf32>
    %add3A_113 = arith.addf %add3A_111, %mul3A_112 : vector<8x512xf32>
    %mul3A_114 = arith.mulf %add3A_108, %add3A_108 : vector<8x512xf32>
    %add3A_115 = arith.addf %add3A_113, %mul3A_114 : vector<8x512xf32>
    %sqrt3A_116 = math.sqrt %add3A_115 : vector<8x512xf32>
    %max3A_117 = arith.constant 9.99999996E-13 : f32
    %max3A_118 = vector.broadcast %max3A_117 : f32 to vector<8x512xf32>
    %max3A_119 = arith.maximumf %sqrt3A_116, %max3A_118 : vector<8x512xf32>
    %div3A_120 = arith.constant 1.000000e+00 : f32
    %div3A_121 = vector.broadcast %div3A_120 : f32 to vector<8x512xf32>
    %div3A_122 = arith.divf %div3A_121, %max3A_119 : vector<8x512xf32>
    %mul3A_123 = arith.mulf %sub3A_87, %div3A_122 : vector<8x512xf32>
    %mul3A_124 = arith.mulf %sub3A_94, %div3A_122 : vector<8x512xf32>
    %mul3A_125 = arith.mulf %add3A_101, %div3A_122 : vector<8x512xf32>
    %mul3A_126 = arith.mulf %add3A_108, %div3A_122 : vector<8x512xf32>
    %abs3A = math.absf %mul3A_123 : vector<8x512xf32>
    %min3A = arith.constant 0.99999988 : f32
    %min3A_127 = vector.broadcast %min3A : f32 to vector<8x512xf32>
    %min3A_128 = arith.minimumf %abs3A, %min3A_127 : vector<8x512xf32>
    %sub3A_129 = arith.constant 1.000000e+00 : f32
    %sub3A_130 = vector.broadcast %sub3A_129 : f32 to vector<8x512xf32>
    %sub3A_131 = arith.subf %sub3A_130, %min3A_128 : vector<8x512xf32>
    %sqrt3A_132 = math.sqrt %sub3A_131 : vector<8x512xf32>
    %mul3A_133 = arith.constant -1.872930e-02 : f32
    %mul3A_134 = vector.broadcast %mul3A_133 : f32 to vector<8x512xf32>
    %mul3A_135 = arith.mulf %min3A_128, %mul3A_134 : vector<8x512xf32>
    %add3A_136 = arith.constant 7.426100e-02 : f32
    %add3A_137 = vector.broadcast %add3A_136 : f32 to vector<8x512xf32>
    %add3A_138 = arith.addf %add3A_137, %mul3A_135 : vector<8x512xf32>
    %mul3A_139 = arith.mulf %min3A_128, %add3A_138 : vector<8x512xf32>
    %add3A_140 = arith.constant -0.212114394 : f32
    %add3A_141 = vector.broadcast %add3A_140 : f32 to vector<8x512xf32>
    %add3A_142 = arith.addf %add3A_141, %mul3A_139 : vector<8x512xf32>
    %mul3A_143 = arith.mulf %min3A_128, %add3A_142 : vector<8x512xf32>
    %add3A_144 = arith.constant 1.57072878 : f32
    %add3A_145 = vector.broadcast %add3A_144 : f32 to vector<8x512xf32>
    %add3A_146 = arith.addf %add3A_145, %mul3A_143 : vector<8x512xf32>
    %mul3A_147 = arith.mulf %sqrt3A_132, %add3A_146 : vector<8x512xf32>
    %reduce_sum3A = arith.constant dense<0.000000e+00> : vector<512xf32>
    %reduce_sum3A_148 = vector.multi_reduction <add>, %mul3A_147, %reduce_sum3A [0] : vector<8x512xf32> to vector<512xf32>
    %div3A_149 = arith.constant 8.000000e+00 : f32
    %div3A_150 = vector.broadcast %div3A_149 : f32 to vector<512xf32>
    %div3A_151 = arith.divf %reduce_sum3A_148, %div3A_150 : vector<512xf32>
    %swap3A = arith.constant 0 : index
    %swap3A_152 = arith.constant 0 : index
    %swap3A_153 = vector.load %arg3[%swap3A, %swap3A_152] : memref<512x20xf32, #tpu.memory_space<vmem>>, vector<512x1xf32>
    %swap3A_154 = vector.shape_cast %swap3A_153 : vector<512x1xf32> to vector<512xf32>
    %swap3A_155 = vector.shape_cast %div3A_151 : vector<512xf32> to vector<512x1xf32>
    tpu.vector_store %arg3[%swap3A, %swap3A_152], %swap3A_155 {strides = array<i32>} : memref<512x20xf32, #tpu.memory_space<vmem>>, vector<512x1xf32>,
    %get3A_156 = arith.constant 0 : index
    %get3A_157 = arith.constant 32 : index
    %get3A_158 = vector.load %arg1[%get3A_156, %get3A_157] : memref<512x640xf32, #tpu.memory_space<vmem>>, vector<512x32xf32>
    %dot_general3A_159 = arith.constant dense<0.000000e+00> : vector<32x512xf32>
    %dot_general3A_160 = tpu.matmul %select_n3A_50, %get3A_158, %dot_general3A_159 {dimension_numbers = #tpu.dot_dimension_numbers<[1], [1], [0], [0], [0, 0, 1, 0], [], []>, precision = #tpu.contract_precision<fp32>, transpose_lhs_hint = false} : vector<32x32xf32>, vector<512x32xf32>, vector<32x512xf32> -> vector<32x512xf32>
    %slice3A_161 = vector.extract_strided_slice %dot_general3A_160 {offsets = [0, 0], sizes = [8, 512], strides = [1, 1]} : vector<32x512xf32> to vector<8x512xf32>
    %slice3A_162 = vector.extract_strided_slice %dot_general3A_160 {offsets = [8, 0], sizes = [8, 512], strides = [1, 1]} : vector<32x512xf32> to vector<8x512xf32>
    %slice3A_163 = vector.extract_strided_slice %dot_general3A_160 {offsets = [16, 0], sizes = [8, 512], strides = [1, 1]} : vector<32x512xf32> to vector<8x512xf32>
    %slice3A_164 = vector.extract_strided_slice %dot_general3A_160 {offsets = [24, 0], sizes = [8, 512], strides = [1, 1]} : vector<32x512xf32> to vector<8x512xf32>
    %mul3A_165 = arith.mulf %slice3A_161, %slice3A_161 : vector<8x512xf32>
    %mul3A_166 = arith.mulf %slice3A_162, %slice3A_162 : vector<8x512xf32>
    %add3A_167 = arith.addf %mul3A_165, %mul3A_166 : vector<8x512xf32>
    %mul3A_168 = arith.mulf %slice3A_163, %slice3A_163 : vector<8x512xf32>
    %add3A_169 = arith.addf %add3A_167, %mul3A_168 : vector<8x512xf32>
    %mul3A_170 = arith.mulf %slice3A_164, %slice3A_164 : vector<8x512xf32>
    %add3A_171 = arith.addf %add3A_169, %mul3A_170 : vector<8x512xf32>
    %sqrt3A_172 = math.sqrt %add3A_171 : vector<8x512xf32>
    %max3A_173 = arith.constant 9.99999996E-13 : f32
    %max3A_174 = vector.broadcast %max3A_173 : f32 to vector<8x512xf32>
    %max3A_175 = arith.maximumf %sqrt3A_172, %max3A_174 : vector<8x512xf32>
    %div3A_176 = arith.constant 1.000000e+00 : f32
    %div3A_177 = vector.broadcast %div3A_176 : f32 to vector<8x512xf32>
    %div3A_178 = arith.divf %div3A_177, %max3A_175 : vector<8x512xf32>
    %mul3A_179 = arith.mulf %slice3A_161, %div3A_178 : vector<8x512xf32>
    %mul3A_180 = arith.mulf %slice3A_162, %div3A_178 : vector<8x512xf32>
    %mul3A_181 = arith.mulf %slice3A_163, %div3A_178 : vector<8x512xf32>
    %mul3A_182 = arith.mulf %slice3A_164, %div3A_178 : vector<8x512xf32>
    %mul3A_183 = arith.mulf %mul3A_123, %mul3A_179 : vector<8x512xf32>
    %mul3A_184 = arith.mulf %mul3A_124, %mul3A_180 : vector<8x512xf32>
    %sub3A_185 = arith.subf %mul3A_183, %mul3A_184 : vector<8x512xf32>
    %mul3A_186 = arith.mulf %mul3A_125, %mul3A_181 : vector<8x512xf32>
    %sub3A_187 = arith.subf %sub3A_185, %mul3A_186 : vector<8x512xf32>
    %mul3A_188 = arith.mulf %mul3A_126, %mul3A_182 : vector<8x512xf32>
    %sub3A_189 = arith.subf %sub3A_187, %mul3A_188 : vector<8x512xf32>
    %mul3A_190 = arith.mulf %mul3A_123, %mul3A_180 : vector<8x512xf32>
    %mul3A_191 = arith.mulf %mul3A_124, %mul3A_179 : vector<8x512xf32>
    %add3A_192 = arith.addf %mul3A_190, %mul3A_191 : vector<8x512xf32>
    %mul3A_193 = arith.mulf %mul3A_125, %mul3A_182 : vector<8x512xf32>
    %add3A_194 = arith.addf %add3A_192, %mul3A_193 : vector<8x512xf32>
    %mul3A_195 = arith.mulf %mul3A_126, %mul3A_181 : vector<8x512xf32>
    %sub3A_196 = arith.subf %add3A_194, %mul3A_195 : vector<8x512xf32>
    %mul3A_197 = arith.mulf %mul3A_123, %mul3A_181 : vector<8x512xf32>
    %mul3A_198 = arith.mulf %mul3A_124, %mul3A_182 : vector<8x512xf32>
    %sub3A_199 = arith.subf %mul3A_197, %mul3A_198 : vector<8x512xf32>
    %mul3A_200 = arith.mulf %mul3A_125, %mul3A_179 : vector<8x512xf32>
    %add3A_201 = arith.addf %sub3A_199, %mul3A_200 : vector<8x512xf32>
    %mul3A_202 = arith.mulf %mul3A_126, %mul3A_180 : vector<8x512xf32>
    %add3A_203 = arith.addf %add3A_201, %mul3A_202 : vector<8x512xf32>
    %mul3A_204 = arith.mulf %mul3A_123, %mul3A_182 : vector<8x512xf32>
    %mul3A_205 = arith.mulf %mul3A_124, %mul3A_181 : vector<8x512xf32>
    %add3A_206 = arith.addf %mul3A_204, %mul3A_205 : vector<8x512xf32>
    %mul3A_207 = arith.mulf %mul3A_125, %mul3A_180 : vector<8x512xf32>
    %sub3A_208 = arith.subf %add3A_206, %mul3A_207 : vector<8x512xf32>
    %mul3A_209 = arith.mulf %mul3A_126, %mul3A_179 : vector<8x512xf32>
    %add3A_210 = arith.addf %sub3A_208, %mul3A_209 : vector<8x512xf32>
    %mul3A_211 = arith.mulf %sub3A_189, %sub3A_189 : vector<8x512xf32>
    %mul3A_212 = arith.mulf %sub3A_196, %sub3A_196 : vector<8x512xf32>
    %add3A_213 = arith.addf %mul3A_211, %mul3A_212 : vector<8x512xf32>
    %mul3A_214 = arith.mulf %add3A_203, %add3A_203 : vector<8x512xf32>
    %add3A_215 = arith.addf %add3A_213, %mul3A_214 : vector<8x512xf32>
    %mul3A_216 = arith.mulf %add3A_210, %add3A_210 : vector<8x512xf32>
    %add3A_217 = arith.addf %add3A_215, %mul3A_216 : vector<8x512xf32>
    %sqrt3A_218 = math.sqrt %add3A_217 : vector<8x512xf32>
    %max3A_219 = arith.constant 9.99999996E-13 : f32
    %max3A_220 = vector.broadcast %max3A_219 : f32 to vector<8x512xf32>
    %max3A_221 = arith.maximumf %sqrt3A_218, %max3A_220 : vector<8x512xf32>
    %div3A_222 = arith.constant 1.000000e+00 : f32
    %div3A_223 = vector.broadcast %div3A_222 : f32 to vector<8x512xf32>
    %div3A_224 = arith.divf %div3A_223, %max3A_221 : vector<8x512xf32>
    %mul3A_225 = arith.mulf %sub3A_189, %div3A_224 : vector<8x512xf32>
    %mul3A_226 = arith.mulf %sub3A_196, %div3A_224 : vector<8x512xf32>
    %mul3A_227 = arith.mulf %add3A_203, %div3A_224 : vector<8x512xf32>
    %mul3A_228 = arith.mulf %add3A_210, %div3A_224 : vector<8x512xf32>
    %abs3A_229 = math.absf %mul3A_225 : vector<8x512xf32>
    %min3A_230 = arith.constant 0.99999988 : f32
    %min3A_231 = vector.broadcast %min3A_230 : f32 to vector<8x512xf32>
    %min3A_232 = arith.minimumf %abs3A_229, %min3A_231 : vector<8x512xf32>
    %sub3A_233 = arith.constant 1.000000e+00 : f32
    %sub3A_234 = vector.broadcast %sub3A_233 : f32 to vector<8x512xf32>
    %sub3A_235 = arith.subf %sub3A_234, %min3A_232 : vector<8x512xf32>
    %sqrt3A_236 = math.sqrt %sub3A_235 : vector<8x512xf32>
    %mul3A_237 = arith.constant -1.872930e-02 : f32
    %mul3A_238 = vector.broadcast %mul3A_237 : f32 to vector<8x512xf32>
    %mul3A_239 = arith.mulf %min3A_232, %mul3A_238 : vector<8x512xf32>
    %add3A_240 = arith.constant 7.426100e-02 : f32
    %add3A_241 = vector.broadcast %add3A_240 : f32 to vector<8x512xf32>
    %add3A_242 = arith.addf %add3A_241, %mul3A_239 : vector<8x512xf32>
    %mul3A_243 = arith.mulf %min3A_232, %add3A_242 : vector<8x512xf32>
    %add3A_244 = arith.constant -0.212114394 : f32
    %add3A_245 = vector.broadcast %add3A_244 : f32 to vector<8x512xf32>
    %add3A_246 = arith.addf %add3A_245, %mul3A_243 : vector<8x512xf32>
    %mul3A_247 = arith.mulf %min3A_232, %add3A_246 : vector<8x512xf32>
    %add3A_248 = arith.constant 1.57072878 : f32
    %add3A_249 = vector.broadcast %add3A_248 : f32 to vector<8x512xf32>
    %add3A_250 = arith.addf %add3A_249, %mul3A_247 : vector<8x512xf32>
    %mul3A_251 = arith.mulf %sqrt3A_236, %add3A_250 : vector<8x512xf32>
    %reduce_sum3A_252 = arith.constant dense<0.000000e+00> : vector<512xf32>
    %reduce_sum3A_253 = vector.multi_reduction <add>, %mul3A_251, %reduce_sum3A_252 [0] : vector<8x512xf32> to vector<512xf32>
    %div3A_254 = arith.constant 8.000000e+00 : f32
    %div3A_255 = vector.broadcast %div3A_254 : f32 to vector<512xf32>
    %div3A_256 = arith.divf %reduce_sum3A_253, %div3A_255 : vector<512xf32>
    %swap3A_257 = arith.constant 0 : index
    %swap3A_258 = arith.constant 1 : index
    %swap3A_259 = vector.load %arg3[%swap3A_257, %swap3A_258] : memref<512x20xf32, #tpu.memory_space<vmem>>, vector<512x1xf32>
    %swap3A_260 = vector.shape_cast %swap3A_259 : vector<512x1xf32> to vector<512xf32>
    %swap3A_261 = vector.shape_cast %div3A_256 : vector<512xf32> to vector<512x1xf32>
    tpu.vector_store %arg3[%swap3A_257, %swap3A_258], %swap3A_261 {strides = array<i32>} : memref<512x20xf32, #tpu.memory_space<vmem>>, vector<512x1xf32>,
    %get3A_262 = arith.constant 0 : index
    %get3A_263 = arith.constant 64 : index
    %get3A_264 = vector.load %arg1[%get3A_262, %get3A_263] : memref<512x640xf32, #tpu.memory_space<vmem>>, vector<512x32xf32>
    %dot_general3A_265 = arith.constant dense<0.000000e+00> : vector<32x512xf32>
    %dot_general3A_266 = tpu.matmul %select_n3A_50, %get3A_264, %dot_general3A_265 {dimension_numbers = #tpu.dot_dimension_numbers<[1], [1], [0], [0], [0, 0, 1, 0], [], []>, precision = #tpu.contract_precision<fp32>, transpose_lhs_hint = false} : vector<32x32xf32>, vector<512x32xf32>, vector<32x512xf32> -> vector<32x512xf32>
    %slice3A_267 = vector.extract_strided_slice %dot_general3A_266 {offsets = [0, 0], sizes = [8, 512], strides = [1, 1]} : vector<32x512xf32> to vector<8x512xf32>
    %slice3A_268 = vector.extract_strided_slice %dot_general3A_266 {offsets = [8, 0], sizes = [8, 512], strides = [1, 1]} : vector<32x512xf32> to vector<8x512xf32>
    %slice3A_269 = vector.extract_strided_slice %dot_general3A_266 {offsets = [16, 0], sizes = [8, 512], strides = [1, 1]} : vector<32x512xf32> to vector<8x512xf32>
    %slice3A_270 = vector.extract_strided_slice %dot_general3A_266 {offsets = [24, 0], sizes = [8, 512], strides = [1, 1]} : vector<32x512xf32> to vector<8x512xf32>
    %mul3A_271 = arith.mulf %slice3A_267, %slice3A_267 : vector<8x512xf32>
    %mul3A_272 = arith.mulf %slice3A_268, %slice3A_268 : vector<8x512xf32>
    %add3A_273 = arith.addf %mul3A_271, %mul3A_272 : vector<8x512xf32>
    %mul3A_274 = arith.mulf %slice3A_269, %slice3A_269 : vector<8x512xf32>
    %add3A_275 = arith.addf %add3A_273, %mul3A_274 : vector<8x512xf32>
    %mul3A_276 = arith.mulf %slice3A_270, %slice3A_270 : vector<8x512xf32>
    %add3A_277 = arith.addf %add3A_275, %mul3A_276 : vector<8x512xf32>
    %sqrt3A_278 = math.sqrt %add3A_277 : vector<8x512xf32>
    %max3A_279 = arith.constant 9.99999996E-13 : f32
    %max3A_280 = vector.broadcast %max3A_279 : f32 to vector<8x512xf32>
    %max3A_281 = arith.maximumf %sqrt3A_278, %max3A_280 : vector<8x512xf32>
    %div3A_282 = arith.constant 1.000000e+00 : f32
    %div3A_283 = vector.broadcast %div3A_282 : f32 to vector<8x512xf32>
    %div3A_284 = arith.divf %div3A_283, %max3A_281 : vector<8x512xf32>
    %mul3A_285 = arith.mulf %slice3A_267, %div3A_284 : vector<8x512xf32>
    %mul3A_286 = arith.mulf %slice3A_268, %div3A_284 : vector<8x512xf32>
    %mul3A_287 = arith.mulf %slice3A_269, %div3A_284 : vector<8x512xf32>
    %mul3A_288 = arith.mulf %slice3A_270, %div3A_284 : vector<8x512xf32>
    %mul3A_289 = arith.mulf %mul3A_225, %mul3A_285 : vector<8x512xf32>
    %mul3A_290 = arith.mulf %mul3A_226, %mul3A_286 : vector<8x512xf32>
    %sub3A_291 = arith.subf %mul3A_289, %mul3A_290 : vector<8x512xf32>
    %mul3A_292 = arith.mulf %mul3A_227, %mul3A_287 : vector<8x512xf32>
    %sub3A_293 = arith.subf %sub3A_291, %mul3A_292 : vector<8x512xf32>
    %mul3A_294 = arith.mulf %mul3A_228, %mul3A_288 : vector<8x512xf32>
    %sub3A_295 = arith.subf %sub3A_293, %mul3A_294 : vector<8x512xf32>
    %mul3A_296 = arith.mulf %mul3A_225, %mul3A_286 : vector<8x512xf32>
    %mul3A_297 = arith.mulf %mul3A_226, %mul3A_285 : vector<8x512xf32>
    %add3A_298 = arith.addf %mul3A_296, %mul3A_297 : vector<8x512xf32>
    %mul3A_299 = arith.mulf %mul3A_227, %mul3A_288 : vector<8x512xf32>
    %add3A_300 = arith.addf %add3A_298, %mul3A_299 : vector<8x512xf32>
    %mul3A_301 = arith.mulf %mul3A_228, %mul3A_287 : vector<8x512xf32>
    %sub3A_302 = arith.subf %add3A_300, %mul3A_301 : vector<8x512xf32>
    %mul3A_303 = arith.mulf %mul3A_225, %mul3A_287 : vector<8x512xf32>
    %mul3A_304 = arith.mulf %mul3A_226, %mul3A_288 : vector<8x512xf32>
    %sub3A_305 = arith.subf %mul3A_303, %mul3A_304 : vector<8x512xf32>
    %mul3A_306 = arith.mulf %mul3A_227, %mul3A_285 : vector<8x512xf32>
    %add3A_307 = arith.addf %sub3A_305, %mul3A_306 : vector<8x512xf32>
    %mul3A_308 = arith.mulf %mul3A_228, %mul3A_286 : vector<8x512xf32>
    %add3A_309 = arith.addf %add3A_307, %mul3A_308 : vector<8x512xf32>
    %mul3A_310 = arith.mulf %mul3A_225, %mul3A_288 : vector<8x512xf32>
    %mul3A_311 = arith.mulf %mul3A_226, %mul3A_287 : vector<8x512xf32>
    %add3A_312 = arith.addf %mul3A_310, %mul3A_311 : vector<8x512xf32>
    %mul3A_313 = arith.mulf %mul3A_227, %mul3A_286 : vector<8x512xf32>
    %sub3A_314 = arith.subf %add3A_312, %mul3A_313 : vector<8x512xf32>
    %mul3A_315 = arith.mulf %mul3A_228, %mul3A_285 : vector<8x512xf32>
    %add3A_316 = arith.addf %sub3A_314, %mul3A_315 : vector<8x512xf32>
    %mul3A_317 = arith.mulf %sub3A_295, %sub3A_295 : vector<8x512xf32>
    %mul3A_318 = arith.mulf %sub3A_302, %sub3A_302 : vector<8x512xf32>
    %add3A_319 = arith.addf %mul3A_317, %mul3A_318 : vector<8x512xf32>
    %mul3A_320 = arith.mulf %add3A_309, %add3A_309 : vector<8x512xf32>
    %add3A_321 = arith.addf %add3A_319, %mul3A_320 : vector<8x512xf32>
    %mul3A_322 = arith.mulf %add3A_316, %add3A_316 : vector<8x512xf32>
    %add3A_323 = arith.addf %add3A_321, %mul3A_322 : vector<8x512xf32>
    %sqrt3A_324 = math.sqrt %add3A_323 : vector<8x512xf32>
    %max3A_325 = arith.constant 9.99999996E-13 : f32
    %max3A_326 = vector.broadcast %max3A_325 : f32 to vector<8x512xf32>
    %max3A_327 = arith.maximumf %sqrt3A_324, %max3A_326 : vector<8x512xf32>
    %div3A_328 = arith.constant 1.000000e+00 : f32
    %div3A_329 = vector.broadcast %div3A_328 : f32 to vector<8x512xf32>
    %div3A_330 = arith.divf %div3A_329, %max3A_327 : vector<8x512xf32>
    %mul3A_331 = arith.mulf %sub3A_295, %div3A_330 : vector<8x512xf32>
    %mul3A_332 = arith.mulf %sub3A_302, %div3A_330 : vector<8x512xf32>
    %mul3A_333 = arith.mulf %add3A_309, %div3A_330 : vector<8x512xf32>
    %mul3A_334 = arith.mulf %add3A_316, %div3A_330 : vector<8x512xf32>
    %abs3A_335 = math.absf %mul3A_331 : vector<8x512xf32>
    %min3A_336 = arith.constant 0.99999988 : f32
    %min3A_337 = vector.broadcast %min3A_336 : f32 to vector<8x512xf32>
    %min3A_338 = arith.minimumf %abs3A_335, %min3A_337 : vector<8x512xf32>
    %sub3A_339 = arith.constant 1.000000e+00 : f32
    %sub3A_340 = vector.broadcast %sub3A_339 : f32 to vector<8x512xf32>
    %sub3A_341 = arith.subf %sub3A_340, %min3A_338 : vector<8x512xf32>
    %sqrt3A_342 = math.sqrt %sub3A_341 : vector<8x512xf32>
    %mul3A_343 = arith.constant -1.872930e-02 : f32
    %mul3A_344 = vector.broadcast %mul3A_343 : f32 to vector<8x512xf32>
    %mul3A_345 = arith.mulf %min3A_338, %mul3A_344 : vector<8x512xf32>
    %add3A_346 = arith.constant 7.426100e-02 : f32
    %add3A_347 = vector.broadcast %add3A_346 : f32 to vector<8x512xf32>
    %add3A_348 = arith.addf %add3A_347, %mul3A_345 : vector<8x512xf32>
    %mul3A_349 = arith.mulf %min3A_338, %add3A_348 : vector<8x512xf32>
    %add3A_350 = arith.constant -0.212114394 : f32
    %add3A_351 = vector.broadcast %add3A_350 : f32 to vector<8x512xf32>
    %add3A_352 = arith.addf %add3A_351, %mul3A_349 : vector<8x512xf32>
    %mul3A_353 = arith.mulf %min3A_338, %add3A_352 : vector<8x512xf32>
    %add3A_354 = arith.constant 1.57072878 : f32
    %add3A_355 = vector.broadcast %add3A_354 : f32 to vector<8x512xf32>
    %add3A_356 = arith.addf %add3A_355, %mul3A_353 : vector<8x512xf32>
    %mul3A_357 = arith.mulf %sqrt3A_342, %add3A_356 : vector<8x512xf32>
    %reduce_sum3A_358 = arith.constant dense<0.000000e+00> : vector<512xf32>
    %reduce_sum3A_359 = vector.multi_reduction <add>, %mul3A_357, %reduce_sum3A_358 [0] : vector<8x512xf32> to vector<512xf32>
    %div3A_360 = arith.constant 8.000000e+00 : f32
    %div3A_361 = vector.broadcast %div3A_360 : f32 to vector<512xf32>
    %div3A_362 = arith.divf %reduce_sum3A_359, %div3A_361 : vector<512xf32>
    %swap3A_363 = arith.constant 0 : index
    %swap3A_364 = arith.constant 2 : index
    %swap3A_365 = vector.load %arg3[%swap3A_363, %swap3A_364] : memref<512x20xf32, #tpu.memory_space<vmem>>, vector<512x1xf32>
    %swap3A_366 = vector.shape_cast %swap3A_365 : vector<512x1xf32> to vector<512xf32>
    %swap3A_367 = vector.shape_cast %div3A_362 : vector<512xf32> to vector<512x1xf32>
    tpu.vector_store %arg3[%swap3A_363, %swap3A_364], %swap3A_367 {strides = array<i32>} : memref<512x20xf32, #tpu.memory_space<vmem>>, vector<512x1xf32>,
    %get3A_368 = arith.constant 0 : index
    %get3A_369 = arith.constant 96 : index
    %get3A_370 = vector.load %arg1[%get3A_368, %get3A_369] : memref<512x640xf32, #tpu.memory_space<vmem>>, vector<512x32xf32>
    %dot_general3A_371 = arith.constant dense<0.000000e+00> : vector<32x512xf32>
    %dot_general3A_372 = tpu.matmul %select_n3A_50, %get3A_370, %dot_general3A_371 {dimension_numbers = #tpu.dot_dimension_numbers<[1], [1], [0], [0], [0, 0, 1, 0], [], []>, precision = #tpu.contract_precision<fp32>, transpose_lhs_hint = false} : vector<32x32xf32>, vector<512x32xf32>, vector<32x512xf32> -> vector<32x512xf32>
    %slice3A_373 = vector.extract_strided_slice %dot_general3A_372 {offsets = [0, 0], sizes = [8, 512], strides = [1, 1]} : vector<32x512xf32> to vector<8x512xf32>
    %slice3A_374 = vector.extract_strided_slice %dot_general3A_372 {offsets = [8, 0], sizes = [8, 512], strides = [1, 1]} : vector<32x512xf32> to vector<8x512xf32>
    %slice3A_375 = vector.extract_strided_slice %dot_general3A_372 {offsets = [16, 0], sizes = [8, 512], strides = [1, 1]} : vector<32x512xf32> to vector<8x512xf32>
    %slice3A_376 = vector.extract_strided_slice %dot_general3A_372 {offsets = [24, 0], sizes = [8, 512], strides = [1, 1]} : vector<32x512xf32> to vector<8x512xf32>
    %mul3A_377 = arith.mulf %slice3A_373, %slice3A_373 : vector<8x512xf32>
    %mul3A_378 = arith.mulf %slice3A_374, %slice3A_374 : vector<8x512xf32>
    %add3A_379 = arith.addf %mul3A_377, %mul3A_378 : vector<8x512xf32>
    %mul3A_380 = arith.mulf %slice3A_375, %slice3A_375 : vector<8x512xf32>
    %add3A_381 = arith.addf %add3A_379, %mul3A_380 : vector<8x512xf32>
    %mul3A_382 = arith.mulf %slice3A_376, %slice3A_376 : vector<8x512xf32>
    %add3A_383 = arith.addf %add3A_381, %mul3A_382 : vector<8x512xf32>
    %sqrt3A_384 = math.sqrt %add3A_383 : vector<8x512xf32>
    %max3A_385 = arith.constant 9.99999996E-13 : f32
    %max3A_386 = vector.broadcast %max3A_385 : f32 to vector<8x512xf32>
    %max3A_387 = arith.maximumf %sqrt3A_384, %max3A_386 : vector<8x512xf32>
    %div3A_388 = arith.constant 1.000000e+00 : f32
    %div3A_389 = vector.broadcast %div3A_388 : f32 to vector<8x512xf32>
    %div3A_390 = arith.divf %div3A_389, %max3A_387 : vector<8x512xf32>
    %mul3A_391 = arith.mulf %slice3A_373, %div3A_390 : vector<8x512xf32>
    %mul3A_392 = arith.mulf %slice3A_374, %div3A_390 : vector<8x512xf32>
    %mul3A_393 = arith.mulf %slice3A_375, %div3A_390 : vector<8x512xf32>
    %mul3A_394 = arith.mulf %slice3A_376, %div3A_390 : vector<8x512xf32>
    %mul3A_395 = arith.mulf %mul3A_331, %mul3A_391 : vector<8x512xf32>
    %mul3A_396 = arith.mulf %mul3A_332, %mul3A_392 : vector<8x512xf32>
    %sub3A_397 = arith.subf %mul3A_395, %mul3A_396 : vector<8x512xf32>
    %mul3A_398 = arith.mulf %mul3A_333, %mul3A_393 : vector<8x512xf32>
    %sub3A_399 = arith.subf %sub3A_397, %mul3A_398 : vector<8x512xf32>
    %mul3A_400 = arith.mulf %mul3A_334, %mul3A_394 : vector<8x512xf32>
    %sub3A_401 = arith.subf %sub3A_399, %mul3A_400 : vector<8x512xf32>
    %mul3A_402 = arith.mulf %mul3A_331, %mul3A_392 : vector<8x512xf32>
    %mul3A_403 = arith.mulf %mul3A_332, %mul3A_391 : vector<8x512xf32>
    %add3A_404 = arith.addf %mul3A_402, %mul3A_403 : vector<8x512xf32>
    %mul3A_405 = arith.mulf %mul3A_333, %mul3A_394 : vector<8x512xf32>
    %add3A_406 = arith.addf %add3A_404, %mul3A_405 : vector<8x512xf32>
    %mul3A_407 = arith.mulf %mul3A_334, %mul3A_393 : vector<8x512xf32>
    %sub3A_408 = arith.subf %add3A_406, %mul3A_407 : vector<8x512xf32>
    %mul3A_409 = arith.mulf %mul3A_331, %mul3A_393 : vector<8x512xf32>
    %mul3A_410 = arith.mulf %mul3A_332, %mul3A_394 : vector<8x512xf32>
    %sub3A_411 = arith.subf %mul3A_409, %mul3A_410 : vector<8x512xf32>
    %mul3A_412 = arith.mulf %mul3A_333, %mul3A_391 : vector<8x512xf32>
    %add3A_413 = arith.addf %sub3A_411, %mul3A_412 : vector<8x512xf32>
    %mul3A_414 = arith.mulf %mul3A_334, %mul3A_392 : vector<8x512xf32>
    %add3A_415 = arith.addf %add3A_413, %mul3A_414 : vector<8x512xf32>
    %mul3A_416 = arith.mulf %mul3A_331, %mul3A_394 : vector<8x512xf32>
    %mul3A_417 = arith.mulf %mul3A_332, %mul3A_393 : vector<8x512xf32>
    %add3A_418 = arith.addf %mul3A_416, %mul3A_417 : vector<8x512xf32>
    %mul3A_419 = arith.mulf %mul3A_333, %mul3A_392 : vector<8x512xf32>
    %sub3A_420 = arith.subf %add3A_418, %mul3A_419 : vector<8x512xf32>
    %mul3A_421 = arith.mulf %mul3A_334, %mul3A_391 : vector<8x512xf32>
    %add3A_422 = arith.addf %sub3A_420, %mul3A_421 : vector<8x512xf32>
    %mul3A_423 = arith.mulf %sub3A_401, %sub3A_401 : vector<8x512xf32>
    %mul3A_424 = arith.mulf %sub3A_408, %sub3A_408 : vector<8x512xf32>
    %add3A_425 = arith.addf %mul3A_423, %mul3A_424 : vector<8x512xf32>
    %mul3A_426 = arith.mulf %add3A_415, %add3A_415 : vector<8x512xf32>
    %add3A_427 = arith.addf %add3A_425, %mul3A_426 : vector<8x512xf32>
    %mul3A_428 = arith.mulf %add3A_422, %add3A_422 : vector<8x512xf32>
    %add3A_429 = arith.addf %add3A_427, %mul3A_428 : vector<8x512xf32>
    %sqrt3A_430 = math.sqrt %add3A_429 : vector<8x512xf32>
    %max3A_431 = arith.constant 9.99999996E-13 : f32
    %max3A_432 = vector.broadcast %max3A_431 : f32 to vector<8x512xf32>
    %max3A_433 = arith.maximumf %sqrt3A_430, %max3A_432 : vector<8x512xf32>
    %div3A_434 = arith.constant 1.000000e+00 : f32
    %div3A_435 = vector.broadcast %div3A_434 : f32 to vector<8x512xf32>
    %div3A_436 = arith.divf %div3A_435, %max3A_433 : vector<8x512xf32>
    %mul3A_437 = arith.mulf %sub3A_401, %div3A_436 : vector<8x512xf32>
    %mul3A_438 = arith.mulf %sub3A_408, %div3A_436 : vector<8x512xf32>
    %mul3A_439 = arith.mulf %add3A_415, %div3A_436 : vector<8x512xf32>
    %mul3A_440 = arith.mulf %add3A_422, %div3A_436 : vector<8x512xf32>
    %abs3A_441 = math.absf %mul3A_437 : vector<8x512xf32>
    %min3A_442 = arith.constant 0.99999988 : f32
    %min3A_443 = vector.broadcast %min3A_442 : f32 to vector<8x512xf32>
    %min3A_444 = arith.minimumf %abs3A_441, %min3A_443 : vector<8x512xf32>
    %sub3A_445 = arith.constant 1.000000e+00 : f32
    %sub3A_446 = vector.broadcast %sub3A_445 : f32 to vector<8x512xf32>
    %sub3A_447 = arith.subf %sub3A_446, %min3A_444 : vector<8x512xf32>
    %sqrt3A_448 = math.sqrt %sub3A_447 : vector<8x512xf32>
    %mul3A_449 = arith.constant -1.872930e-02 : f32
    %mul3A_450 = vector.broadcast %mul3A_449 : f32 to vector<8x512xf32>
    %mul3A_451 = arith.mulf %min3A_444, %mul3A_450 : vector<8x512xf32>
    %add3A_452 = arith.constant 7.426100e-02 : f32
    %add3A_453 = vector.broadcast %add3A_452 : f32 to vector<8x512xf32>
    %add3A_454 = arith.addf %add3A_453, %mul3A_451 : vector<8x512xf32>
    %mul3A_455 = arith.mulf %min3A_444, %add3A_454 : vector<8x512xf32>
    %add3A_456 = arith.constant -0.212114394 : f32
    %add3A_457 = vector.broadcast %add3A_456 : f32 to vector<8x512xf32>
    %add3A_458 = arith.addf %add3A_457, %mul3A_455 : vector<8x512xf32>
    %mul3A_459 = arith.mulf %min3A_444, %add3A_458 : vector<8x512xf32>
    %add3A_460 = arith.constant 1.57072878 : f32
    %add3A_461 = vector.broadcast %add3A_460 : f32 to vector<8x512xf32>
    %add3A_462 = arith.addf %add3A_461, %mul3A_459 : vector<8x512xf32>
    %mul3A_463 = arith.mulf %sqrt3A_448, %add3A_462 : vector<8x512xf32>
    %reduce_sum3A_464 = arith.constant dense<0.000000e+00> : vector<512xf32>
    %reduce_sum3A_465 = vector.multi_reduction <add>, %mul3A_463, %reduce_sum3A_464 [0] : vector<8x512xf32> to vector<512xf32>
    %div3A_466 = arith.constant 8.000000e+00 : f32
    %div3A_467 = vector.broadcast %div3A_466 : f32 to vector<512xf32>
    %div3A_468 = arith.divf %reduce_sum3A_465, %div3A_467 : vector<512xf32>
    %swap3A_469 = arith.constant 0 : index
    %swap3A_470 = arith.constant 3 : index
    %swap3A_471 = vector.load %arg3[%swap3A_469, %swap3A_470] : memref<512x20xf32, #tpu.memory_space<vmem>>, vector<512x1xf32>
    %swap3A_472 = vector.shape_cast %swap3A_471 : vector<512x1xf32> to vector<512xf32>
    %swap3A_473 = vector.shape_cast %div3A_468 : vector<512xf32> to vector<512x1xf32>
    tpu.vector_store %arg3[%swap3A_469, %swap3A_470], %swap3A_473 {strides = array<i32>} : memref<512x20xf32, #tpu.memory_space<vmem>>, vector<512x1xf32>,
    %get3A_474 = arith.constant 0 : index
    %get3A_475 = arith.constant 128 : index
    %get3A_476 = vector.load %arg1[%get3A_474, %get3A_475] : memref<512x640xf32, #tpu.memory_space<vmem>>, vector<512x32xf32>
    %dot_general3A_477 = arith.constant dense<0.000000e+00> : vector<32x512xf32>
    %dot_general3A_478 = tpu.matmul %select_n3A_50, %get3A_476, %dot_general3A_477 {dimension_numbers = #tpu.dot_dimension_numbers<[1], [1], [0], [0], [0, 0, 1, 0], [], []>, precision = #tpu.contract_precision<fp32>, transpose_lhs_hint = false} : vector<32x32xf32>, vector<512x32xf32>, vector<32x512xf32> -> vector<32x512xf32>
    %slice3A_479 = vector.extract_strided_slice %dot_general3A_478 {offsets = [0, 0], sizes = [8, 512], strides = [1, 1]} : vector<32x512xf32> to vector<8x512xf32>
    %slice3A_480 = vector.extract_strided_slice %dot_general3A_478 {offsets = [8, 0], sizes = [8, 512], strides = [1, 1]} : vector<32x512xf32> to vector<8x512xf32>
    %slice3A_481 = vector.extract_strided_slice %dot_general3A_478 {offsets = [16, 0], sizes = [8, 512], strides = [1, 1]} : vector<32x512xf32> to vector<8x512xf32>
    %slice3A_482 = vector.extract_strided_slice %dot_general3A_478 {offsets = [24, 0], sizes = [8, 512], strides = [1, 1]} : vector<32x512xf32> to vector<8x512xf32>
    %mul3A_483 = arith.mulf %slice3A_479, %slice3A_479 : vector<8x512xf32>
    %mul3A_484 = arith.mulf %slice3A_480, %slice3A_480 : vector<8x512xf32>
    %add3A_485 = arith.addf %mul3A_483, %mul3A_484 : vector<8x512xf32>
    %mul3A_486 = arith.mulf %slice3A_481, %slice3A_481 : vector<8x512xf32>
    %add3A_487 = arith.addf %add3A_485, %mul3A_486 : vector<8x512xf32>
    %mul3A_488 = arith.mulf %slice3A_482, %slice3A_482 : vector<8x512xf32>
    %add3A_489 = arith.addf %add3A_487, %mul3A_488 : vector<8x512xf32>
    %sqrt3A_490 = math.sqrt %add3A_489 : vector<8x512xf32>
    %max3A_491 = arith.constant 9.99999996E-13 : f32
    %max3A_492 = vector.broadcast %max3A_491 : f32 to vector<8x512xf32>
    %max3A_493 = arith.maximumf %sqrt3A_490, %max3A_492 : vector<8x512xf32>
    %div3A_494 = arith.constant 1.000000e+00 : f32
    %div3A_495 = vector.broadcast %div3A_494 : f32 to vector<8x512xf32>
    %div3A_496 = arith.divf %div3A_495, %max3A_493 : vector<8x512xf32>
    %mul3A_497 = arith.mulf %slice3A_479, %div3A_496 : vector<8x512xf32>
    %mul3A_498 = arith.mulf %slice3A_480, %div3A_496 : vector<8x512xf32>
    %mul3A_499 = arith.mulf %slice3A_481, %div3A_496 : vector<8x512xf32>
    %mul3A_500 = arith.mulf %slice3A_482, %div3A_496 : vector<8x512xf32>
    %mul3A_501 = arith.mulf %mul3A_437, %mul3A_497 : vector<8x512xf32>
    %mul3A_502 = arith.mulf %mul3A_438, %mul3A_498 : vector<8x512xf32>
    %sub3A_503 = arith.subf %mul3A_501, %mul3A_502 : vector<8x512xf32>
    %mul3A_504 = arith.mulf %mul3A_439, %mul3A_499 : vector<8x512xf32>
    %sub3A_505 = arith.subf %sub3A_503, %mul3A_504 : vector<8x512xf32>
    %mul3A_506 = arith.mulf %mul3A_440, %mul3A_500 : vector<8x512xf32>
    %sub3A_507 = arith.subf %sub3A_505, %mul3A_506 : vector<8x512xf32>
    %mul3A_508 = arith.mulf %mul3A_437, %mul3A_498 : vector<8x512xf32>
    %mul3A_509 = arith.mulf %mul3A_438, %mul3A_497 : vector<8x512xf32>
    %add3A_510 = arith.addf %mul3A_508, %mul3A_509 : vector<8x512xf32>
    %mul3A_511 = arith.mulf %mul3A_439, %mul3A_500 : vector<8x512xf32>
    %add3A_512 = arith.addf %add3A_510, %mul3A_511 : vector<8x512xf32>
    %mul3A_513 = arith.mulf %mul3A_440, %mul3A_499 : vector<8x512xf32>
    %sub3A_514 = arith.subf %add3A_512, %mul3A_513 : vector<8x512xf32>
    %mul3A_515 = arith.mulf %mul3A_437, %mul3A_499 : vector<8x512xf32>
    %mul3A_516 = arith.mulf %mul3A_438, %mul3A_500 : vector<8x512xf32>
    %sub3A_517 = arith.subf %mul3A_515, %mul3A_516 : vector<8x512xf32>
    %mul3A_518 = arith.mulf %mul3A_439, %mul3A_497 : vector<8x512xf32>
    %add3A_519 = arith.addf %sub3A_517, %mul3A_518 : vector<8x512xf32>
    %mul3A_520 = arith.mulf %mul3A_440, %mul3A_498 : vector<8x512xf32>
    %add3A_521 = arith.addf %add3A_519, %mul3A_520 : vector<8x512xf32>
    %mul3A_522 = arith.mulf %mul3A_437, %mul3A_500 : vector<8x512xf32>
    %mul3A_523 = arith.mulf %mul3A_438, %mul3A_499 : vector<8x512xf32>
    %add3A_524 = arith.addf %mul3A_522, %mul3A_523 : vector<8x512xf32>
    %mul3A_525 = arith.mulf %mul3A_439, %mul3A_498 : vector<8x512xf32>
    %sub3A_526 = arith.subf %add3A_524, %mul3A_525 : vector<8x512xf32>
    %mul3A_527 = arith.mulf %mul3A_440, %mul3A_497 : vector<8x512xf32>
    %add3A_528 = arith.addf %sub3A_526, %mul3A_527 : vector<8x512xf32>
    %mul3A_529 = arith.mulf %sub3A_507, %sub3A_507 : vector<8x512xf32>
    %mul3A_530 = arith.mulf %sub3A_514, %sub3A_514 : vector<8x512xf32>
    %add3A_531 = arith.addf %mul3A_529, %mul3A_530 : vector<8x512xf32>
    %mul3A_532 = arith.mulf %add3A_521, %add3A_521 : vector<8x512xf32>
    %add3A_533 = arith.addf %add3A_531, %mul3A_532 : vector<8x512xf32>
    %mul3A_534 = arith.mulf %add3A_528, %add3A_528 : vector<8x512xf32>
    %add3A_535 = arith.addf %add3A_533, %mul3A_534 : vector<8x512xf32>
    %sqrt3A_536 = math.sqrt %add3A_535 : vector<8x512xf32>
    %max3A_537 = arith.constant 9.99999996E-13 : f32
    %max3A_538 = vector.broadcast %max3A_537 : f32 to vector<8x512xf32>
    %max3A_539 = arith.maximumf %sqrt3A_536, %max3A_538 : vector<8x512xf32>
    %div3A_540 = arith.constant 1.000000e+00 : f32
    %div3A_541 = vector.broadcast %div3A_540 : f32 to vector<8x512xf32>
    %div3A_542 = arith.divf %div3A_541, %max3A_539 : vector<8x512xf32>
    %mul3A_543 = arith.mulf %sub3A_507, %div3A_542 : vector<8x512xf32>
    %mul3A_544 = arith.mulf %sub3A_514, %div3A_542 : vector<8x512xf32>
    %mul3A_545 = arith.mulf %add3A_521, %div3A_542 : vector<8x512xf32>
    %mul3A_546 = arith.mulf %add3A_528, %div3A_542 : vector<8x512xf32>
    %abs3A_547 = math.absf %mul3A_543 : vector<8x512xf32>
    %min3A_548 = arith.constant 0.99999988 : f32
    %min3A_549 = vector.broadcast %min3A_548 : f32 to vector<8x512xf32>
    %min3A_550 = arith.minimumf %abs3A_547, %min3A_549 : vector<8x512xf32>
    %sub3A_551 = arith.constant 1.000000e+00 : f32
    %sub3A_552 = vector.broadcast %sub3A_551 : f32 to vector<8x512xf32>
    %sub3A_553 = arith.subf %sub3A_552, %min3A_550 : vector<8x512xf32>
    %sqrt3A_554 = math.sqrt %sub3A_553 : vector<8x512xf32>
    %mul3A_555 = arith.constant -1.872930e-02 : f32
    %mul3A_556 = vector.broadcast %mul3A_555 : f32 to vector<8x512xf32>
    %mul3A_557 = arith.mulf %min3A_550, %mul3A_556 : vector<8x512xf32>
    %add3A_558 = arith.constant 7.426100e-02 : f32
    %add3A_559 = vector.broadcast %add3A_558 : f32 to vector<8x512xf32>
    %add3A_560 = arith.addf %add3A_559, %mul3A_557 : vector<8x512xf32>
    %mul3A_561 = arith.mulf %min3A_550, %add3A_560 : vector<8x512xf32>
    %add3A_562 = arith.constant -0.212114394 : f32
    %add3A_563 = vector.broadcast %add3A_562 : f32 to vector<8x512xf32>
    %add3A_564 = arith.addf %add3A_563, %mul3A_561 : vector<8x512xf32>
    %mul3A_565 = arith.mulf %min3A_550, %add3A_564 : vector<8x512xf32>
    %add3A_566 = arith.constant 1.57072878 : f32
    %add3A_567 = vector.broadcast %add3A_566 : f32 to vector<8x512xf32>
    %add3A_568 = arith.addf %add3A_567, %mul3A_565 : vector<8x512xf32>
    %mul3A_569 = arith.mulf %sqrt3A_554, %add3A_568 : vector<8x512xf32>
    %reduce_sum3A_570 = arith.constant dense<0.000000e+00> : vector<512xf32>
    %reduce_sum3A_571 = vector.multi_reduction <add>, %mul3A_569, %reduce_sum3A_570 [0] : vector<8x512xf32> to vector<512xf32>
    %div3A_572 = arith.constant 8.000000e+00 : f32
    %div3A_573 = vector.broadcast %div3A_572 : f32 to vector<512xf32>
    %div3A_574 = arith.divf %reduce_sum3A_571, %div3A_573 : vector<512xf32>
    %swap3A_575 = arith.constant 0 : index
    %swap3A_576 = arith.constant 4 : index
    %swap3A_577 = vector.load %arg3[%swap3A_575, %swap3A_576] : memref<512x20xf32, #tpu.memory_space<vmem>>, vector<512x1xf32>
    %swap3A_578 = vector.shape_cast %swap3A_577 : vector<512x1xf32> to vector<512xf32>
    %swap3A_579 = vector.shape_cast %div3A_574 : vector<512xf32> to vector<512x1xf32>
    tpu.vector_store %arg3[%swap3A_575, %swap3A_576], %swap3A_579 {strides = array<i32>} : memref<512x20xf32, #tpu.memory_space<vmem>>, vector<512x1xf32>,
    %get3A_580 = arith.constant 0 : index
    %get3A_581 = arith.constant 160 : index
    %get3A_582 = vector.load %arg1[%get3A_580, %get3A_581] : memref<512x640xf32, #tpu.memory_space<vmem>>, vector<512x32xf32>
    %dot_general3A_583 = arith.constant dense<0.000000e+00> : vector<32x512xf32>
    %dot_general3A_584 = tpu.matmul %select_n3A_50, %get3A_582, %dot_general3A_583 {dimension_numbers = #tpu.dot_dimension_numbers<[1], [1], [0], [0], [0, 0, 1, 0], [], []>, precision = #tpu.contract_precision<fp32>, transpose_lhs_hint = false} : vector<32x32xf32>, vector<512x32xf32>, vector<32x512xf32> -> vector<32x512xf32>
    %slice3A_585 = vector.extract_strided_slice %dot_general3A_584 {offsets = [0, 0], sizes = [8, 512], strides = [1, 1]} : vector<32x512xf32> to vector<8x512xf32>
    %slice3A_586 = vector.extract_strided_slice %dot_general3A_584 {offsets = [8, 0], sizes = [8, 512], strides = [1, 1]} : vector<32x512xf32> to vector<8x512xf32>
    %slice3A_587 = vector.extract_strided_slice %dot_general3A_584 {offsets = [16, 0], sizes = [8, 512], strides = [1, 1]} : vector<32x512xf32> to vector<8x512xf32>
    %slice3A_588 = vector.extract_strided_slice %dot_general3A_584 {offsets = [24, 0], sizes = [8, 512], strides = [1, 1]} : vector<32x512xf32> to vector<8x512xf32>
    %mul3A_589 = arith.mulf %slice3A_585, %slice3A_585 : vector<8x512xf32>
    %mul3A_590 = arith.mulf %slice3A_586, %slice3A_586 : vector<8x512xf32>
    %add3A_591 = arith.addf %mul3A_589, %mul3A_590 : vector<8x512xf32>
    %mul3A_592 = arith.mulf %slice3A_587, %slice3A_587 : vector<8x512xf32>
    %add3A_593 = arith.addf %add3A_591, %mul3A_592 : vector<8x512xf32>
    %mul3A_594 = arith.mulf %slice3A_588, %slice3A_588 : vector<8x512xf32>
    %add3A_595 = arith.addf %add3A_593, %mul3A_594 : vector<8x512xf32>
    %sqrt3A_596 = math.sqrt %add3A_595 : vector<8x512xf32>
    %max3A_597 = arith.constant 9.99999996E-13 : f32
    %max3A_598 = vector.broadcast %max3A_597 : f32 to vector<8x512xf32>
    %max3A_599 = arith.maximumf %sqrt3A_596, %max3A_598 : vector<8x512xf32>
    %div3A_600 = arith.constant 1.000000e+00 : f32
    %div3A_601 = vector.broadcast %div3A_600 : f32 to vector<8x512xf32>
    %div3A_602 = arith.divf %div3A_601, %max3A_599 : vector<8x512xf32>
    %mul3A_603 = arith.mulf %slice3A_585, %div3A_602 : vector<8x512xf32>
    %mul3A_604 = arith.mulf %slice3A_586, %div3A_602 : vector<8x512xf32>
    %mul3A_605 = arith.mulf %slice3A_587, %div3A_602 : vector<8x512xf32>
    %mul3A_606 = arith.mulf %slice3A_588, %div3A_602 : vector<8x512xf32>
    %mul3A_607 = arith.mulf %mul3A_543, %mul3A_603 : vector<8x512xf32>
    %mul3A_608 = arith.mulf %mul3A_544, %mul3A_604 : vector<8x512xf32>
    %sub3A_609 = arith.subf %mul3A_607, %mul3A_608 : vector<8x512xf32>
    %mul3A_610 = arith.mulf %mul3A_545, %mul3A_605 : vector<8x512xf32>
    %sub3A_611 = arith.subf %sub3A_609, %mul3A_610 : vector<8x512xf32>
    %mul3A_612 = arith.mulf %mul3A_546, %mul3A_606 : vector<8x512xf32>
    %sub3A_613 = arith.subf %sub3A_611, %mul3A_612 : vector<8x512xf32>
    %mul3A_614 = arith.mulf %mul3A_543, %mul3A_604 : vector<8x512xf32>
    %mul3A_615 = arith.mulf %mul3A_544, %mul3A_603 : vector<8x512xf32>
    %add3A_616 = arith.addf %mul3A_614, %mul3A_615 : vector<8x512xf32>
    %mul3A_617 = arith.mulf %mul3A_545, %mul3A_606 : vector<8x512xf32>
    %add3A_618 = arith.addf %add3A_616, %mul3A_617 : vector<8x512xf32>
    %mul3A_619 = arith.mulf %mul3A_546, %mul3A_605 : vector<8x512xf32>
    %sub3A_620 = arith.subf %add3A_618, %mul3A_619 : vector<8x512xf32>
    %mul3A_621 = arith.mulf %mul3A_543, %mul3A_605 : vector<8x512xf32>
    %mul3A_622 = arith.mulf %mul3A_544, %mul3A_606 : vector<8x512xf32>
    %sub3A_623 = arith.subf %mul3A_621, %mul3A_622 : vector<8x512xf32>
    %mul3A_624 = arith.mulf %mul3A_545, %mul3A_603 : vector<8x512xf32>
    %add3A_625 = arith.addf %sub3A_623, %mul3A_624 : vector<8x512xf32>
    %mul3A_626 = arith.mulf %mul3A_546, %mul3A_604 : vector<8x512xf32>
    %add3A_627 = arith.addf %add3A_625, %mul3A_626 : vector<8x512xf32>
    %mul3A_628 = arith.mulf %mul3A_543, %mul3A_606 : vector<8x512xf32>
    %mul3A_629 = arith.mulf %mul3A_544, %mul3A_605 : vector<8x512xf32>
    %add3A_630 = arith.addf %mul3A_628, %mul3A_629 : vector<8x512xf32>
    %mul3A_631 = arith.mulf %mul3A_545, %mul3A_604 : vector<8x512xf32>
    %sub3A_632 = arith.subf %add3A_630, %mul3A_631 : vector<8x512xf32>
    %mul3A_633 = arith.mulf %mul3A_546, %mul3A_603 : vector<8x512xf32>
    %add3A_634 = arith.addf %sub3A_632, %mul3A_633 : vector<8x512xf32>
    %mul3A_635 = arith.mulf %sub3A_613, %sub3A_613 : vector<8x512xf32>
    %mul3A_636 = arith.mulf %sub3A_620, %sub3A_620 : vector<8x512xf32>
    %add3A_637 = arith.addf %mul3A_635, %mul3A_636 : vector<8x512xf32>
    %mul3A_638 = arith.mulf %add3A_627, %add3A_627 : vector<8x512xf32>
    %add3A_639 = arith.addf %add3A_637, %mul3A_638 : vector<8x512xf32>
    %mul3A_640 = arith.mulf %add3A_634, %add3A_634 : vector<8x512xf32>
    %add3A_641 = arith.addf %add3A_639, %mul3A_640 : vector<8x512xf32>
    %sqrt3A_642 = math.sqrt %add3A_641 : vector<8x512xf32>
    %max3A_643 = arith.constant 9.99999996E-13 : f32
    %max3A_644 = vector.broadcast %max3A_643 : f32 to vector<8x512xf32>
    %max3A_645 = arith.maximumf %sqrt3A_642, %max3A_644 : vector<8x512xf32>
    %div3A_646 = arith.constant 1.000000e+00 : f32
    %div3A_647 = vector.broadcast %div3A_646 : f32 to vector<8x512xf32>
    %div3A_648 = arith.divf %div3A_647, %max3A_645 : vector<8x512xf32>
    %mul3A_649 = arith.mulf %sub3A_613, %div3A_648 : vector<8x512xf32>
    %mul3A_650 = arith.mulf %sub3A_620, %div3A_648 : vector<8x512xf32>
    %mul3A_651 = arith.mulf %add3A_627, %div3A_648 : vector<8x512xf32>
    %mul3A_652 = arith.mulf %add3A_634, %div3A_648 : vector<8x512xf32>
    %abs3A_653 = math.absf %mul3A_649 : vector<8x512xf32>
    %min3A_654 = arith.constant 0.99999988 : f32
    %min3A_655 = vector.broadcast %min3A_654 : f32 to vector<8x512xf32>
    %min3A_656 = arith.minimumf %abs3A_653, %min3A_655 : vector<8x512xf32>
    %sub3A_657 = arith.constant 1.000000e+00 : f32
    %sub3A_658 = vector.broadcast %sub3A_657 : f32 to vector<8x512xf32>
    %sub3A_659 = arith.subf %sub3A_658, %min3A_656 : vector<8x512xf32>
    %sqrt3A_660 = math.sqrt %sub3A_659 : vector<8x512xf32>
    %mul3A_661 = arith.constant -1.872930e-02 : f32
    %mul3A_662 = vector.broadcast %mul3A_661 : f32 to vector<8x512xf32>
    %mul3A_663 = arith.mulf %min3A_656, %mul3A_662 : vector<8x512xf32>
    %add3A_664 = arith.constant 7.426100e-02 : f32
    %add3A_665 = vector.broadcast %add3A_664 : f32 to vector<8x512xf32>
    %add3A_666 = arith.addf %add3A_665, %mul3A_663 : vector<8x512xf32>
    %mul3A_667 = arith.mulf %min3A_656, %add3A_666 : vector<8x512xf32>
    %add3A_668 = arith.constant -0.212114394 : f32
    %add3A_669 = vector.broadcast %add3A_668 : f32 to vector<8x512xf32>
    %add3A_670 = arith.addf %add3A_669, %mul3A_667 : vector<8x512xf32>
    %mul3A_671 = arith.mulf %min3A_656, %add3A_670 : vector<8x512xf32>
    %add3A_672 = arith.constant 1.57072878 : f32
    %add3A_673 = vector.broadcast %add3A_672 : f32 to vector<8x512xf32>
    %add3A_674 = arith.addf %add3A_673, %mul3A_671 : vector<8x512xf32>
    %mul3A_675 = arith.mulf %sqrt3A_660, %add3A_674 : vector<8x512xf32>
    %reduce_sum3A_676 = arith.constant dense<0.000000e+00> : vector<512xf32>
    %reduce_sum3A_677 = vector.multi_reduction <add>, %mul3A_675, %reduce_sum3A_676 [0] : vector<8x512xf32> to vector<512xf32>
    %div3A_678 = arith.constant 8.000000e+00 : f32
    %div3A_679 = vector.broadcast %div3A_678 : f32 to vector<512xf32>
    %div3A_680 = arith.divf %reduce_sum3A_677, %div3A_679 : vector<512xf32>
    %swap3A_681 = arith.constant 0 : index
    %swap3A_682 = arith.constant 5 : index
    %swap3A_683 = vector.load %arg3[%swap3A_681, %swap3A_682] : memref<512x20xf32, #tpu.memory_space<vmem>>, vector<512x1xf32>
    %swap3A_684 = vector.shape_cast %swap3A_683 : vector<512x1xf32> to vector<512xf32>
    %swap3A_685 = vector.shape_cast %div3A_680 : vector<512xf32> to vector<512x1xf32>
    tpu.vector_store %arg3[%swap3A_681, %swap3A_682], %swap3A_685 {strides = array<i32>} : memref<512x20xf32, #tpu.memory_space<vmem>>, vector<512x1xf32>,
    %get3A_686 = arith.constant 0 : index
    %get3A_687 = arith.constant 192 : index
    %get3A_688 = vector.load %arg1[%get3A_686, %get3A_687] : memref<512x640xf32, #tpu.memory_space<vmem>>, vector<512x32xf32>
    %dot_general3A_689 = arith.constant dense<0.000000e+00> : vector<32x512xf32>
    %dot_general3A_690 = tpu.matmul %select_n3A_50, %get3A_688, %dot_general3A_689 {dimension_numbers = #tpu.dot_dimension_numbers<[1], [1], [0], [0], [0, 0, 1, 0], [], []>, precision = #tpu.contract_precision<fp32>, transpose_lhs_hint = false} : vector<32x32xf32>, vector<512x32xf32>, vector<32x512xf32> -> vector<32x512xf32>
    %slice3A_691 = vector.extract_strided_slice %dot_general3A_690 {offsets = [0, 0], sizes = [8, 512], strides = [1, 1]} : vector<32x512xf32> to vector<8x512xf32>
    %slice3A_692 = vector.extract_strided_slice %dot_general3A_690 {offsets = [8, 0], sizes = [8, 512], strides = [1, 1]} : vector<32x512xf32> to vector<8x512xf32>
    %slice3A_693 = vector.extract_strided_slice %dot_general3A_690 {offsets = [16, 0], sizes = [8, 512], strides = [1, 1]} : vector<32x512xf32> to vector<8x512xf32>
    %slice3A_694 = vector.extract_strided_slice %dot_general3A_690 {offsets = [24, 0], sizes = [8, 512], strides = [1, 1]} : vector<32x512xf32> to vector<8x512xf32>
    %mul3A_695 = arith.mulf %slice3A_691, %slice3A_691 : vector<8x512xf32>
    %mul3A_696 = arith.mulf %slice3A_692, %slice3A_692 : vector<8x512xf32>
    %add3A_697 = arith.addf %mul3A_695, %mul3A_696 : vector<8x512xf32>
    %mul3A_698 = arith.mulf %slice3A_693, %slice3A_693 : vector<8x512xf32>
    %add3A_699 = arith.addf %add3A_697, %mul3A_698 : vector<8x512xf32>
    %mul3A_700 = arith.mulf %slice3A_694, %slice3A_694 : vector<8x512xf32>
    %add3A_701 = arith.addf %add3A_699, %mul3A_700 : vector<8x512xf32>
    %sqrt3A_702 = math.sqrt %add3A_701 : vector<8x512xf32>
    %max3A_703 = arith.constant 9.99999996E-13 : f32
    %max3A_704 = vector.broadcast %max3A_703 : f32 to vector<8x512xf32>
    %max3A_705 = arith.maximumf %sqrt3A_702, %max3A_704 : vector<8x512xf32>
    %div3A_706 = arith.constant 1.000000e+00 : f32
    %div3A_707 = vector.broadcast %div3A_706 : f32 to vector<8x512xf32>
    %div3A_708 = arith.divf %div3A_707, %max3A_705 : vector<8x512xf32>
    %mul3A_709 = arith.mulf %slice3A_691, %div3A_708 : vector<8x512xf32>
    %mul3A_710 = arith.mulf %slice3A_692, %div3A_708 : vector<8x512xf32>
    %mul3A_711 = arith.mulf %slice3A_693, %div3A_708 : vector<8x512xf32>
    %mul3A_712 = arith.mulf %slice3A_694, %div3A_708 : vector<8x512xf32>
    %mul3A_713 = arith.mulf %mul3A_649, %mul3A_709 : vector<8x512xf32>
    %mul3A_714 = arith.mulf %mul3A_650, %mul3A_710 : vector<8x512xf32>
    %sub3A_715 = arith.subf %mul3A_713, %mul3A_714 : vector<8x512xf32>
    %mul3A_716 = arith.mulf %mul3A_651, %mul3A_711 : vector<8x512xf32>
    %sub3A_717 = arith.subf %sub3A_715, %mul3A_716 : vector<8x512xf32>
    %mul3A_718 = arith.mulf %mul3A_652, %mul3A_712 : vector<8x512xf32>
    %sub3A_719 = arith.subf %sub3A_717, %mul3A_718 : vector<8x512xf32>
    %mul3A_720 = arith.mulf %mul3A_649, %mul3A_710 : vector<8x512xf32>
    %mul3A_721 = arith.mulf %mul3A_650, %mul3A_709 : vector<8x512xf32>
    %add3A_722 = arith.addf %mul3A_720, %mul3A_721 : vector<8x512xf32>
    %mul3A_723 = arith.mulf %mul3A_651, %mul3A_712 : vector<8x512xf32>
    %add3A_724 = arith.addf %add3A_722, %mul3A_723 : vector<8x512xf32>
    %mul3A_725 = arith.mulf %mul3A_652, %mul3A_711 : vector<8x512xf32>
    %sub3A_726 = arith.subf %add3A_724, %mul3A_725 : vector<8x512xf32>
    %mul3A_727 = arith.mulf %mul3A_649, %mul3A_711 : vector<8x512xf32>
    %mul3A_728 = arith.mulf %mul3A_650, %mul3A_712 : vector<8x512xf32>
    %sub3A_729 = arith.subf %mul3A_727, %mul3A_728 : vector<8x512xf32>
    %mul3A_730 = arith.mulf %mul3A_651, %mul3A_709 : vector<8x512xf32>
    %add3A_731 = arith.addf %sub3A_729, %mul3A_730 : vector<8x512xf32>
    %mul3A_732 = arith.mulf %mul3A_652, %mul3A_710 : vector<8x512xf32>
    %add3A_733 = arith.addf %add3A_731, %mul3A_732 : vector<8x512xf32>
    %mul3A_734 = arith.mulf %mul3A_649, %mul3A_712 : vector<8x512xf32>
    %mul3A_735 = arith.mulf %mul3A_650, %mul3A_711 : vector<8x512xf32>
    %add3A_736 = arith.addf %mul3A_734, %mul3A_735 : vector<8x512xf32>
    %mul3A_737 = arith.mulf %mul3A_651, %mul3A_710 : vector<8x512xf32>
    %sub3A_738 = arith.subf %add3A_736, %mul3A_737 : vector<8x512xf32>
    %mul3A_739 = arith.mulf %mul3A_652, %mul3A_709 : vector<8x512xf32>
    %add3A_740 = arith.addf %sub3A_738, %mul3A_739 : vector<8x512xf32>
    %mul3A_741 = arith.mulf %sub3A_719, %sub3A_719 : vector<8x512xf32>
    %mul3A_742 = arith.mulf %sub3A_726, %sub3A_726 : vector<8x512xf32>
    %add3A_743 = arith.addf %mul3A_741, %mul3A_742 : vector<8x512xf32>
    %mul3A_744 = arith.mulf %add3A_733, %add3A_733 : vector<8x512xf32>
    %add3A_745 = arith.addf %add3A_743, %mul3A_744 : vector<8x512xf32>
    %mul3A_746 = arith.mulf %add3A_740, %add3A_740 : vector<8x512xf32>
    %add3A_747 = arith.addf %add3A_745, %mul3A_746 : vector<8x512xf32>
    %sqrt3A_748 = math.sqrt %add3A_747 : vector<8x512xf32>
    %max3A_749 = arith.constant 9.99999996E-13 : f32
    %max3A_750 = vector.broadcast %max3A_749 : f32 to vector<8x512xf32>
    %max3A_751 = arith.maximumf %sqrt3A_748, %max3A_750 : vector<8x512xf32>
    %div3A_752 = arith.constant 1.000000e+00 : f32
    %div3A_753 = vector.broadcast %div3A_752 : f32 to vector<8x512xf32>
    %div3A_754 = arith.divf %div3A_753, %max3A_751 : vector<8x512xf32>
    %mul3A_755 = arith.mulf %sub3A_719, %div3A_754 : vector<8x512xf32>
    %mul3A_756 = arith.mulf %sub3A_726, %div3A_754 : vector<8x512xf32>
    %mul3A_757 = arith.mulf %add3A_733, %div3A_754 : vector<8x512xf32>
    %mul3A_758 = arith.mulf %add3A_740, %div3A_754 : vector<8x512xf32>
    %abs3A_759 = math.absf %mul3A_755 : vector<8x512xf32>
    %min3A_760 = arith.constant 0.99999988 : f32
    %min3A_761 = vector.broadcast %min3A_760 : f32 to vector<8x512xf32>
    %min3A_762 = arith.minimumf %abs3A_759, %min3A_761 : vector<8x512xf32>
    %sub3A_763 = arith.constant 1.000000e+00 : f32
    %sub3A_764 = vector.broadcast %sub3A_763 : f32 to vector<8x512xf32>
    %sub3A_765 = arith.subf %sub3A_764, %min3A_762 : vector<8x512xf32>
    %sqrt3A_766 = math.sqrt %sub3A_765 : vector<8x512xf32>
    %mul3A_767 = arith.constant -1.872930e-02 : f32
    %mul3A_768 = vector.broadcast %mul3A_767 : f32 to vector<8x512xf32>
    %mul3A_769 = arith.mulf %min3A_762, %mul3A_768 : vector<8x512xf32>
    %add3A_770 = arith.constant 7.426100e-02 : f32
    %add3A_771 = vector.broadcast %add3A_770 : f32 to vector<8x512xf32>
    %add3A_772 = arith.addf %add3A_771, %mul3A_769 : vector<8x512xf32>
    %mul3A_773 = arith.mulf %min3A_762, %add3A_772 : vector<8x512xf32>
    %add3A_774 = arith.constant -0.212114394 : f32
    %add3A_775 = vector.broadcast %add3A_774 : f32 to vector<8x512xf32>
    %add3A_776 = arith.addf %add3A_775, %mul3A_773 : vector<8x512xf32>
    %mul3A_777 = arith.mulf %min3A_762, %add3A_776 : vector<8x512xf32>
    %add3A_778 = arith.constant 1.57072878 : f32
    %add3A_779 = vector.broadcast %add3A_778 : f32 to vector<8x512xf32>
    %add3A_780 = arith.addf %add3A_779, %mul3A_777 : vector<8x512xf32>
    %mul3A_781 = arith.mulf %sqrt3A_766, %add3A_780 : vector<8x512xf32>
    %reduce_sum3A_782 = arith.constant dense<0.000000e+00> : vector<512xf32>
    %reduce_sum3A_783 = vector.multi_reduction <add>, %mul3A_781, %reduce_sum3A_782 [0] : vector<8x512xf32> to vector<512xf32>
    %div3A_784 = arith.constant 8.000000e+00 : f32
    %div3A_785 = vector.broadcast %div3A_784 : f32 to vector<512xf32>
    %div3A_786 = arith.divf %reduce_sum3A_783, %div3A_785 : vector<512xf32>
    %swap3A_787 = arith.constant 0 : index
    %swap3A_788 = arith.constant 6 : index
    %swap3A_789 = vector.load %arg3[%swap3A_787, %swap3A_788] : memref<512x20xf32, #tpu.memory_space<vmem>>, vector<512x1xf32>
    %swap3A_790 = vector.shape_cast %swap3A_789 : vector<512x1xf32> to vector<512xf32>
    %swap3A_791 = vector.shape_cast %div3A_786 : vector<512xf32> to vector<512x1xf32>
    tpu.vector_store %arg3[%swap3A_787, %swap3A_788], %swap3A_791 {strides = array<i32>} : memref<512x20xf32, #tpu.memory_space<vmem>>, vector<512x1xf32>,
    %get3A_792 = arith.constant 0 : index
    %get3A_793 = arith.constant 224 : index
    %get3A_794 = vector.load %arg1[%get3A_792, %get3A_793] : memref<512x640xf32, #tpu.memory_space<vmem>>, vector<512x32xf32>
    %dot_general3A_795 = arith.constant dense<0.000000e+00> : vector<32x512xf32>
    %dot_general3A_796 = tpu.matmul %select_n3A_50, %get3A_794, %dot_general3A_795 {dimension_numbers = #tpu.dot_dimension_numbers<[1], [1], [0], [0], [0, 0, 1, 0], [], []>, precision = #tpu.contract_precision<fp32>, transpose_lhs_hint = false} : vector<32x32xf32>, vector<512x32xf32>, vector<32x512xf32> -> vector<32x512xf32>
    %slice3A_797 = vector.extract_strided_slice %dot_general3A_796 {offsets = [0, 0], sizes = [8, 512], strides = [1, 1]} : vector<32x512xf32> to vector<8x512xf32>
    %slice3A_798 = vector.extract_strided_slice %dot_general3A_796 {offsets = [8, 0], sizes = [8, 512], strides = [1, 1]} : vector<32x512xf32> to vector<8x512xf32>
    %slice3A_799 = vector.extract_strided_slice %dot_general3A_796 {offsets = [16, 0], sizes = [8, 512], strides = [1, 1]} : vector<32x512xf32> to vector<8x512xf32>
    %slice3A_800 = vector.extract_strided_slice %dot_general3A_796 {offsets = [24, 0], sizes = [8, 512], strides = [1, 1]} : vector<32x512xf32> to vector<8x512xf32>
    %mul3A_801 = arith.mulf %slice3A_797, %slice3A_797 : vector<8x512xf32>
    %mul3A_802 = arith.mulf %slice3A_798, %slice3A_798 : vector<8x512xf32>
    %add3A_803 = arith.addf %mul3A_801, %mul3A_802 : vector<8x512xf32>
    %mul3A_804 = arith.mulf %slice3A_799, %slice3A_799 : vector<8x512xf32>
    %add3A_805 = arith.addf %add3A_803, %mul3A_804 : vector<8x512xf32>
    %mul3A_806 = arith.mulf %slice3A_800, %slice3A_800 : vector<8x512xf32>
    %add3A_807 = arith.addf %add3A_805, %mul3A_806 : vector<8x512xf32>
    %sqrt3A_808 = math.sqrt %add3A_807 : vector<8x512xf32>
    %max3A_809 = arith.constant 9.99999996E-13 : f32
    %max3A_810 = vector.broadcast %max3A_809 : f32 to vector<8x512xf32>
    %max3A_811 = arith.maximumf %sqrt3A_808, %max3A_810 : vector<8x512xf32>
    %div3A_812 = arith.constant 1.000000e+00 : f32
    %div3A_813 = vector.broadcast %div3A_812 : f32 to vector<8x512xf32>
    %div3A_814 = arith.divf %div3A_813, %max3A_811 : vector<8x512xf32>
    %mul3A_815 = arith.mulf %slice3A_797, %div3A_814 : vector<8x512xf32>
    %mul3A_816 = arith.mulf %slice3A_798, %div3A_814 : vector<8x512xf32>
    %mul3A_817 = arith.mulf %slice3A_799, %div3A_814 : vector<8x512xf32>
    %mul3A_818 = arith.mulf %slice3A_800, %div3A_814 : vector<8x512xf32>
    %mul3A_819 = arith.mulf %mul3A_755, %mul3A_815 : vector<8x512xf32>
    %mul3A_820 = arith.mulf %mul3A_756, %mul3A_816 : vector<8x512xf32>
    %sub3A_821 = arith.subf %mul3A_819, %mul3A_820 : vector<8x512xf32>
    %mul3A_822 = arith.mulf %mul3A_757, %mul3A_817 : vector<8x512xf32>
    %sub3A_823 = arith.subf %sub3A_821, %mul3A_822 : vector<8x512xf32>
    %mul3A_824 = arith.mulf %mul3A_758, %mul3A_818 : vector<8x512xf32>
    %sub3A_825 = arith.subf %sub3A_823, %mul3A_824 : vector<8x512xf32>
    %mul3A_826 = arith.mulf %mul3A_755, %mul3A_816 : vector<8x512xf32>
    %mul3A_827 = arith.mulf %mul3A_756, %mul3A_815 : vector<8x512xf32>
    %add3A_828 = arith.addf %mul3A_826, %mul3A_827 : vector<8x512xf32>
    %mul3A_829 = arith.mulf %mul3A_757, %mul3A_818 : vector<8x512xf32>
    %add3A_830 = arith.addf %add3A_828, %mul3A_829 : vector<8x512xf32>
    %mul3A_831 = arith.mulf %mul3A_758, %mul3A_817 : vector<8x512xf32>
    %sub3A_832 = arith.subf %add3A_830, %mul3A_831 : vector<8x512xf32>
    %mul3A_833 = arith.mulf %mul3A_755, %mul3A_817 : vector<8x512xf32>
    %mul3A_834 = arith.mulf %mul3A_756, %mul3A_818 : vector<8x512xf32>
    %sub3A_835 = arith.subf %mul3A_833, %mul3A_834 : vector<8x512xf32>
    %mul3A_836 = arith.mulf %mul3A_757, %mul3A_815 : vector<8x512xf32>
    %add3A_837 = arith.addf %sub3A_835, %mul3A_836 : vector<8x512xf32>
    %mul3A_838 = arith.mulf %mul3A_758, %mul3A_816 : vector<8x512xf32>
    %add3A_839 = arith.addf %add3A_837, %mul3A_838 : vector<8x512xf32>
    %mul3A_840 = arith.mulf %mul3A_755, %mul3A_818 : vector<8x512xf32>
    %mul3A_841 = arith.mulf %mul3A_756, %mul3A_817 : vector<8x512xf32>
    %add3A_842 = arith.addf %mul3A_840, %mul3A_841 : vector<8x512xf32>
    %mul3A_843 = arith.mulf %mul3A_757, %mul3A_816 : vector<8x512xf32>
    %sub3A_844 = arith.subf %add3A_842, %mul3A_843 : vector<8x512xf32>
    %mul3A_845 = arith.mulf %mul3A_758, %mul3A_815 : vector<8x512xf32>
    %add3A_846 = arith.addf %sub3A_844, %mul3A_845 : vector<8x512xf32>
    %mul3A_847 = arith.mulf %sub3A_825, %sub3A_825 : vector<8x512xf32>
    %mul3A_848 = arith.mulf %sub3A_832, %sub3A_832 : vector<8x512xf32>
    %add3A_849 = arith.addf %mul3A_847, %mul3A_848 : vector<8x512xf32>
    %mul3A_850 = arith.mulf %add3A_839, %add3A_839 : vector<8x512xf32>
    %add3A_851 = arith.addf %add3A_849, %mul3A_850 : vector<8x512xf32>
    %mul3A_852 = arith.mulf %add3A_846, %add3A_846 : vector<8x512xf32>
    %add3A_853 = arith.addf %add3A_851, %mul3A_852 : vector<8x512xf32>
    %sqrt3A_854 = math.sqrt %add3A_853 : vector<8x512xf32>
    %max3A_855 = arith.constant 9.99999996E-13 : f32
    %max3A_856 = vector.broadcast %max3A_855 : f32 to vector<8x512xf32>
    %max3A_857 = arith.maximumf %sqrt3A_854, %max3A_856 : vector<8x512xf32>
    %div3A_858 = arith.constant 1.000000e+00 : f32
    %div3A_859 = vector.broadcast %div3A_858 : f32 to vector<8x512xf32>
    %div3A_860 = arith.divf %div3A_859, %max3A_857 : vector<8x512xf32>
    %mul3A_861 = arith.mulf %sub3A_825, %div3A_860 : vector<8x512xf32>
    %mul3A_862 = arith.mulf %sub3A_832, %div3A_860 : vector<8x512xf32>
    %mul3A_863 = arith.mulf %add3A_839, %div3A_860 : vector<8x512xf32>
    %mul3A_864 = arith.mulf %add3A_846, %div3A_860 : vector<8x512xf32>
    %abs3A_865 = math.absf %mul3A_861 : vector<8x512xf32>
    %min3A_866 = arith.constant 0.99999988 : f32
    %min3A_867 = vector.broadcast %min3A_866 : f32 to vector<8x512xf32>
    %min3A_868 = arith.minimumf %abs3A_865, %min3A_867 : vector<8x512xf32>
    %sub3A_869 = arith.constant 1.000000e+00 : f32
    %sub3A_870 = vector.broadcast %sub3A_869 : f32 to vector<8x512xf32>
    %sub3A_871 = arith.subf %sub3A_870, %min3A_868 : vector<8x512xf32>
    %sqrt3A_872 = math.sqrt %sub3A_871 : vector<8x512xf32>
    %mul3A_873 = arith.constant -1.872930e-02 : f32
    %mul3A_874 = vector.broadcast %mul3A_873 : f32 to vector<8x512xf32>
    %mul3A_875 = arith.mulf %min3A_868, %mul3A_874 : vector<8x512xf32>
    %add3A_876 = arith.constant 7.426100e-02 : f32
    %add3A_877 = vector.broadcast %add3A_876 : f32 to vector<8x512xf32>
    %add3A_878 = arith.addf %add3A_877, %mul3A_875 : vector<8x512xf32>
    %mul3A_879 = arith.mulf %min3A_868, %add3A_878 : vector<8x512xf32>
    %add3A_880 = arith.constant -0.212114394 : f32
    %add3A_881 = vector.broadcast %add3A_880 : f32 to vector<8x512xf32>
    %add3A_882 = arith.addf %add3A_881, %mul3A_879 : vector<8x512xf32>
    %mul3A_883 = arith.mulf %min3A_868, %add3A_882 : vector<8x512xf32>
    %add3A_884 = arith.constant 1.57072878 : f32
    %add3A_885 = vector.broadcast %add3A_884 : f32 to vector<8x512xf32>
    %add3A_886 = arith.addf %add3A_885, %mul3A_883 : vector<8x512xf32>
    %mul3A_887 = arith.mulf %sqrt3A_872, %add3A_886 : vector<8x512xf32>
    %reduce_sum3A_888 = arith.constant dense<0.000000e+00> : vector<512xf32>
    %reduce_sum3A_889 = vector.multi_reduction <add>, %mul3A_887, %reduce_sum3A_888 [0] : vector<8x512xf32> to vector<512xf32>
    %div3A_890 = arith.constant 8.000000e+00 : f32
    %div3A_891 = vector.broadcast %div3A_890 : f32 to vector<512xf32>
    %div3A_892 = arith.divf %reduce_sum3A_889, %div3A_891 : vector<512xf32>
    %swap3A_893 = arith.constant 0 : index
    %swap3A_894 = arith.constant 7 : index
    %swap3A_895 = vector.load %arg3[%swap3A_893, %swap3A_894] : memref<512x20xf32, #tpu.memory_space<vmem>>, vector<512x1xf32>
    %swap3A_896 = vector.shape_cast %swap3A_895 : vector<512x1xf32> to vector<512xf32>
    %swap3A_897 = vector.shape_cast %div3A_892 : vector<512xf32> to vector<512x1xf32>
    tpu.vector_store %arg3[%swap3A_893, %swap3A_894], %swap3A_897 {strides = array<i32>} : memref<512x20xf32, #tpu.memory_space<vmem>>, vector<512x1xf32>,
    %get3A_898 = arith.constant 0 : index
    %get3A_899 = arith.constant 256 : index
    %get3A_900 = vector.load %arg1[%get3A_898, %get3A_899] : memref<512x640xf32, #tpu.memory_space<vmem>>, vector<512x32xf32>
    %dot_general3A_901 = arith.constant dense<0.000000e+00> : vector<32x512xf32>
    %dot_general3A_902 = tpu.matmul %select_n3A_50, %get3A_900, %dot_general3A_901 {dimension_numbers = #tpu.dot_dimension_numbers<[1], [1], [0], [0], [0, 0, 1, 0], [], []>, precision = #tpu.contract_precision<fp32>, transpose_lhs_hint = false} : vector<32x32xf32>, vector<512x32xf32>, vector<32x512xf32> -> vector<32x512xf32>
    %slice3A_903 = vector.extract_strided_slice %dot_general3A_902 {offsets = [0, 0], sizes = [8, 512], strides = [1, 1]} : vector<32x512xf32> to vector<8x512xf32>
    %slice3A_904 = vector.extract_strided_slice %dot_general3A_902 {offsets = [8, 0], sizes = [8, 512], strides = [1, 1]} : vector<32x512xf32> to vector<8x512xf32>
    %slice3A_905 = vector.extract_strided_slice %dot_general3A_902 {offsets = [16, 0], sizes = [8, 512], strides = [1, 1]} : vector<32x512xf32> to vector<8x512xf32>
    %slice3A_906 = vector.extract_strided_slice %dot_general3A_902 {offsets = [24, 0], sizes = [8, 512], strides = [1, 1]} : vector<32x512xf32> to vector<8x512xf32>
    %mul3A_907 = arith.mulf %slice3A_903, %slice3A_903 : vector<8x512xf32>
    %mul3A_908 = arith.mulf %slice3A_904, %slice3A_904 : vector<8x512xf32>
    %add3A_909 = arith.addf %mul3A_907, %mul3A_908 : vector<8x512xf32>
    %mul3A_910 = arith.mulf %slice3A_905, %slice3A_905 : vector<8x512xf32>
    %add3A_911 = arith.addf %add3A_909, %mul3A_910 : vector<8x512xf32>
    %mul3A_912 = arith.mulf %slice3A_906, %slice3A_906 : vector<8x512xf32>
    %add3A_913 = arith.addf %add3A_911, %mul3A_912 : vector<8x512xf32>
    %sqrt3A_914 = math.sqrt %add3A_913 : vector<8x512xf32>
    %max3A_915 = arith.constant 9.99999996E-13 : f32
    %max3A_916 = vector.broadcast %max3A_915 : f32 to vector<8x512xf32>
    %max3A_917 = arith.maximumf %sqrt3A_914, %max3A_916 : vector<8x512xf32>
    %div3A_918 = arith.constant 1.000000e+00 : f32
    %div3A_919 = vector.broadcast %div3A_918 : f32 to vector<8x512xf32>
    %div3A_920 = arith.divf %div3A_919, %max3A_917 : vector<8x512xf32>
    %mul3A_921 = arith.mulf %slice3A_903, %div3A_920 : vector<8x512xf32>
    %mul3A_922 = arith.mulf %slice3A_904, %div3A_920 : vector<8x512xf32>
    %mul3A_923 = arith.mulf %slice3A_905, %div3A_920 : vector<8x512xf32>
    %mul3A_924 = arith.mulf %slice3A_906, %div3A_920 : vector<8x512xf32>
    %mul3A_925 = arith.mulf %mul3A_861, %mul3A_921 : vector<8x512xf32>
    %mul3A_926 = arith.mulf %mul3A_862, %mul3A_922 : vector<8x512xf32>
    %sub3A_927 = arith.subf %mul3A_925, %mul3A_926 : vector<8x512xf32>
    %mul3A_928 = arith.mulf %mul3A_863, %mul3A_923 : vector<8x512xf32>
    %sub3A_929 = arith.subf %sub3A_927, %mul3A_928 : vector<8x512xf32>
    %mul3A_930 = arith.mulf %mul3A_864, %mul3A_924 : vector<8x512xf32>
    %sub3A_931 = arith.subf %sub3A_929, %mul3A_930 : vector<8x512xf32>
    %mul3A_932 = arith.mulf %mul3A_861, %mul3A_922 : vector<8x512xf32>
    %mul3A_933 = arith.mulf %mul3A_862, %mul3A_921 : vector<8x512xf32>
    %add3A_934 = arith.addf %mul3A_932, %mul3A_933 : vector<8x512xf32>
    %mul3A_935 = arith.mulf %mul3A_863, %mul3A_924 : vector<8x512xf32>
    %add3A_936 = arith.addf %add3A_934, %mul3A_935 : vector<8x512xf32>
    %mul3A_937 = arith.mulf %mul3A_864, %mul3A_923 : vector<8x512xf32>
    %sub3A_938 = arith.subf %add3A_936, %mul3A_937 : vector<8x512xf32>
    %mul3A_939 = arith.mulf %mul3A_861, %mul3A_923 : vector<8x512xf32>
    %mul3A_940 = arith.mulf %mul3A_862, %mul3A_924 : vector<8x512xf32>
    %sub3A_941 = arith.subf %mul3A_939, %mul3A_940 : vector<8x512xf32>
    %mul3A_942 = arith.mulf %mul3A_863, %mul3A_921 : vector<8x512xf32>
    %add3A_943 = arith.addf %sub3A_941, %mul3A_942 : vector<8x512xf32>
    %mul3A_944 = arith.mulf %mul3A_864, %mul3A_922 : vector<8x512xf32>
    %add3A_945 = arith.addf %add3A_943, %mul3A_944 : vector<8x512xf32>
    %mul3A_946 = arith.mulf %mul3A_861, %mul3A_924 : vector<8x512xf32>
    %mul3A_947 = arith.mulf %mul3A_862, %mul3A_923 : vector<8x512xf32>
    %add3A_948 = arith.addf %mul3A_946, %mul3A_947 : vector<8x512xf32>
    %mul3A_949 = arith.mulf %mul3A_863, %mul3A_922 : vector<8x512xf32>
    %sub3A_950 = arith.subf %add3A_948, %mul3A_949 : vector<8x512xf32>
    %mul3A_951 = arith.mulf %mul3A_864, %mul3A_921 : vector<8x512xf32>
    %add3A_952 = arith.addf %sub3A_950, %mul3A_951 : vector<8x512xf32>
    %mul3A_953 = arith.mulf %sub3A_931, %sub3A_931 : vector<8x512xf32>
    %mul3A_954 = arith.mulf %sub3A_938, %sub3A_938 : vector<8x512xf32>
    %add3A_955 = arith.addf %mul3A_953, %mul3A_954 : vector<8x512xf32>
    %mul3A_956 = arith.mulf %add3A_945, %add3A_945 : vector<8x512xf32>
    %add3A_957 = arith.addf %add3A_955, %mul3A_956 : vector<8x512xf32>
    %mul3A_958 = arith.mulf %add3A_952, %add3A_952 : vector<8x512xf32>
    %add3A_959 = arith.addf %add3A_957, %mul3A_958 : vector<8x512xf32>
    %sqrt3A_960 = math.sqrt %add3A_959 : vector<8x512xf32>
    %max3A_961 = arith.constant 9.99999996E-13 : f32
    %max3A_962 = vector.broadcast %max3A_961 : f32 to vector<8x512xf32>
    %max3A_963 = arith.maximumf %sqrt3A_960, %max3A_962 : vector<8x512xf32>
    %div3A_964 = arith.constant 1.000000e+00 : f32
    %div3A_965 = vector.broadcast %div3A_964 : f32 to vector<8x512xf32>
    %div3A_966 = arith.divf %div3A_965, %max3A_963 : vector<8x512xf32>
    %mul3A_967 = arith.mulf %sub3A_931, %div3A_966 : vector<8x512xf32>
    %mul3A_968 = arith.mulf %sub3A_938, %div3A_966 : vector<8x512xf32>
    %mul3A_969 = arith.mulf %add3A_945, %div3A_966 : vector<8x512xf32>
    %mul3A_970 = arith.mulf %add3A_952, %div3A_966 : vector<8x512xf32>
    %abs3A_971 = math.absf %mul3A_967 : vector<8x512xf32>
    %min3A_972 = arith.constant 0.99999988 : f32
    %min3A_973 = vector.broadcast %min3A_972 : f32 to vector<8x512xf32>
    %min3A_974 = arith.minimumf %abs3A_971, %min3A_973 : vector<8x512xf32>
    %sub3A_975 = arith.constant 1.000000e+00 : f32
    %sub3A_976 = vector.broadcast %sub3A_975 : f32 to vector<8x512xf32>
    %sub3A_977 = arith.subf %sub3A_976, %min3A_974 : vector<8x512xf32>
    %sqrt3A_978 = math.sqrt %sub3A_977 : vector<8x512xf32>
    %mul3A_979 = arith.constant -1.872930e-02 : f32
    %mul3A_980 = vector.broadcast %mul3A_979 : f32 to vector<8x512xf32>
    %mul3A_981 = arith.mulf %min3A_974, %mul3A_980 : vector<8x512xf32>
    %add3A_982 = arith.constant 7.426100e-02 : f32
    %add3A_983 = vector.broadcast %add3A_982 : f32 to vector<8x512xf32>
    %add3A_984 = arith.addf %add3A_983, %mul3A_981 : vector<8x512xf32>
    %mul3A_985 = arith.mulf %min3A_974, %add3A_984 : vector<8x512xf32>
    %add3A_986 = arith.constant -0.212114394 : f32
    %add3A_987 = vector.broadcast %add3A_986 : f32 to vector<8x512xf32>
    %add3A_988 = arith.addf %add3A_987, %mul3A_985 : vector<8x512xf32>
    %mul3A_989 = arith.mulf %min3A_974, %add3A_988 : vector<8x512xf32>
    %add3A_990 = arith.constant 1.57072878 : f32
    %add3A_991 = vector.broadcast %add3A_990 : f32 to vector<8x512xf32>
    %add3A_992 = arith.addf %add3A_991, %mul3A_989 : vector<8x512xf32>
    %mul3A_993 = arith.mulf %sqrt3A_978, %add3A_992 : vector<8x512xf32>
    %reduce_sum3A_994 = arith.constant dense<0.000000e+00> : vector<512xf32>
    %reduce_sum3A_995 = vector.multi_reduction <add>, %mul3A_993, %reduce_sum3A_994 [0] : vector<8x512xf32> to vector<512xf32>
    %div3A_996 = arith.constant 8.000000e+00 : f32
    %div3A_997 = vector.broadcast %div3A_996 : f32 to vector<512xf32>
    %div3A_998 = arith.divf %reduce_sum3A_995, %div3A_997 : vector<512xf32>
    %swap3A_999 = arith.constant 0 : index
    %swap3A_1000 = arith.constant 8 : index
    %swap3A_1001 = vector.load %arg3[%swap3A_999, %swap3A_1000] : memref<512x20xf32, #tpu.memory_space<vmem>>, vector<512x1xf32>
    %swap3A_1002 = vector.shape_cast %swap3A_1001 : vector<512x1xf32> to vector<512xf32>
    %swap3A_1003 = vector.shape_cast %div3A_998 : vector<512xf32> to vector<512x1xf32>
    tpu.vector_store %arg3[%swap3A_999, %swap3A_1000], %swap3A_1003 {strides = array<i32>} : memref<512x20xf32, #tpu.memory_space<vmem>>, vector<512x1xf32>,
    %get3A_1004 = arith.constant 0 : index
    %get3A_1005 = arith.constant 288 : index
    %get3A_1006 = vector.load %arg1[%get3A_1004, %get3A_1005] : memref<512x640xf32, #tpu.memory_space<vmem>>, vector<512x32xf32>
    %dot_general3A_1007 = arith.constant dense<0.000000e+00> : vector<32x512xf32>
    %dot_general3A_1008 = tpu.matmul %select_n3A_50, %get3A_1006, %dot_general3A_1007 {dimension_numbers = #tpu.dot_dimension_numbers<[1], [1], [0], [0], [0, 0, 1, 0], [], []>, precision = #tpu.contract_precision<fp32>, transpose_lhs_hint = false} : vector<32x32xf32>, vector<512x32xf32>, vector<32x512xf32> -> vector<32x512xf32>
    %slice3A_1009 = vector.extract_strided_slice %dot_general3A_1008 {offsets = [0, 0], sizes = [8, 512], strides = [1, 1]} : vector<32x512xf32> to vector<8x512xf32>
    %slice3A_1010 = vector.extract_strided_slice %dot_general3A_1008 {offsets = [8, 0], sizes = [8, 512], strides = [1, 1]} : vector<32x512xf32> to vector<8x512xf32>
    %slice3A_1011 = vector.extract_strided_slice %dot_general3A_1008 {offsets = [16, 0], sizes = [8, 512], strides = [1, 1]} : vector<32x512xf32> to vector<8x512xf32>
    %slice3A_1012 = vector.extract_strided_slice %dot_general3A_1008 {offsets = [24, 0], sizes = [8, 512], strides = [1, 1]} : vector<32x512xf32> to vector<8x512xf32>
    %mul3A_1013 = arith.mulf %slice3A_1009, %slice3A_1009 : vector<8x512xf32>
    %mul3A_1014 = arith.mulf %slice3A_1010, %slice3A_1010 : vector<8x512xf32>
    %add3A_1015 = arith.addf %mul3A_1013, %mul3A_1014 : vector<8x512xf32>
    %mul3A_1016 = arith.mulf %slice3A_1011, %slice3A_1011 : vector<8x512xf32>
    %add3A_1017 = arith.addf %add3A_1015, %mul3A_1016 : vector<8x512xf32>
    %mul3A_1018 = arith.mulf %slice3A_1012, %slice3A_1012 : vector<8x512xf32>
    %add3A_1019 = arith.addf %add3A_1017, %mul3A_1018 : vector<8x512xf32>
    %sqrt3A_1020 = math.sqrt %add3A_1019 : vector<8x512xf32>
    %max3A_1021 = arith.constant 9.99999996E-13 : f32
    %max3A_1022 = vector.broadcast %max3A_1021 : f32 to vector<8x512xf32>
    %max3A_1023 = arith.maximumf %sqrt3A_1020, %max3A_1022 : vector<8x512xf32>
    %div3A_1024 = arith.constant 1.000000e+00 : f32
    %div3A_1025 = vector.broadcast %div3A_1024 : f32 to vector<8x512xf32>
    %div3A_1026 = arith.divf %div3A_1025, %max3A_1023 : vector<8x512xf32>
    %mul3A_1027 = arith.mulf %slice3A_1009, %div3A_1026 : vector<8x512xf32>
    %mul3A_1028 = arith.mulf %slice3A_1010, %div3A_1026 : vector<8x512xf32>
    %mul3A_1029 = arith.mulf %slice3A_1011, %div3A_1026 : vector<8x512xf32>
    %mul3A_1030 = arith.mulf %slice3A_1012, %div3A_1026 : vector<8x512xf32>
    %mul3A_1031 = arith.mulf %mul3A_967, %mul3A_1027 : vector<8x512xf32>
    %mul3A_1032 = arith.mulf %mul3A_968, %mul3A_1028 : vector<8x512xf32>
    %sub3A_1033 = arith.subf %mul3A_1031, %mul3A_1032 : vector<8x512xf32>
    %mul3A_1034 = arith.mulf %mul3A_969, %mul3A_1029 : vector<8x512xf32>
    %sub3A_1035 = arith.subf %sub3A_1033, %mul3A_1034 : vector<8x512xf32>
    %mul3A_1036 = arith.mulf %mul3A_970, %mul3A_1030 : vector<8x512xf32>
    %sub3A_1037 = arith.subf %sub3A_1035, %mul3A_1036 : vector<8x512xf32>
    %mul3A_1038 = arith.mulf %mul3A_967, %mul3A_1028 : vector<8x512xf32>
    %mul3A_1039 = arith.mulf %mul3A_968, %mul3A_1027 : vector<8x512xf32>
    %add3A_1040 = arith.addf %mul3A_1038, %mul3A_1039 : vector<8x512xf32>
    %mul3A_1041 = arith.mulf %mul3A_969, %mul3A_1030 : vector<8x512xf32>
    %add3A_1042 = arith.addf %add3A_1040, %mul3A_1041 : vector<8x512xf32>
    %mul3A_1043 = arith.mulf %mul3A_970, %mul3A_1029 : vector<8x512xf32>
    %sub3A_1044 = arith.subf %add3A_1042, %mul3A_1043 : vector<8x512xf32>
    %mul3A_1045 = arith.mulf %mul3A_967, %mul3A_1029 : vector<8x512xf32>
    %mul3A_1046 = arith.mulf %mul3A_968, %mul3A_1030 : vector<8x512xf32>
    %sub3A_1047 = arith.subf %mul3A_1045, %mul3A_1046 : vector<8x512xf32>
    %mul3A_1048 = arith.mulf %mul3A_969, %mul3A_1027 : vector<8x512xf32>
    %add3A_1049 = arith.addf %sub3A_1047, %mul3A_1048 : vector<8x512xf32>
    %mul3A_1050 = arith.mulf %mul3A_970, %mul3A_1028 : vector<8x512xf32>
    %add3A_1051 = arith.addf %add3A_1049, %mul3A_1050 : vector<8x512xf32>
    %mul3A_1052 = arith.mulf %mul3A_967, %mul3A_1030 : vector<8x512xf32>
    %mul3A_1053 = arith.mulf %mul3A_968, %mul3A_1029 : vector<8x512xf32>
    %add3A_1054 = arith.addf %mul3A_1052, %mul3A_1053 : vector<8x512xf32>
    %mul3A_1055 = arith.mulf %mul3A_969, %mul3A_1028 : vector<8x512xf32>
    %sub3A_1056 = arith.subf %add3A_1054, %mul3A_1055 : vector<8x512xf32>
    %mul3A_1057 = arith.mulf %mul3A_970, %mul3A_1027 : vector<8x512xf32>
    %add3A_1058 = arith.addf %sub3A_1056, %mul3A_1057 : vector<8x512xf32>
    %mul3A_1059 = arith.mulf %sub3A_1037, %sub3A_1037 : vector<8x512xf32>
    %mul3A_1060 = arith.mulf %sub3A_1044, %sub3A_1044 : vector<8x512xf32>
    %add3A_1061 = arith.addf %mul3A_1059, %mul3A_1060 : vector<8x512xf32>
    %mul3A_1062 = arith.mulf %add3A_1051, %add3A_1051 : vector<8x512xf32>
    %add3A_1063 = arith.addf %add3A_1061, %mul3A_1062 : vector<8x512xf32>
    %mul3A_1064 = arith.mulf %add3A_1058, %add3A_1058 : vector<8x512xf32>
    %add3A_1065 = arith.addf %add3A_1063, %mul3A_1064 : vector<8x512xf32>
    %sqrt3A_1066 = math.sqrt %add3A_1065 : vector<8x512xf32>
    %max3A_1067 = arith.constant 9.99999996E-13 : f32
    %max3A_1068 = vector.broadcast %max3A_1067 : f32 to vector<8x512xf32>
    %max3A_1069 = arith.maximumf %sqrt3A_1066, %max3A_1068 : vector<8x512xf32>
    %div3A_1070 = arith.constant 1.000000e+00 : f32
    %div3A_1071 = vector.broadcast %div3A_1070 : f32 to vector<8x512xf32>
    %div3A_1072 = arith.divf %div3A_1071, %max3A_1069 : vector<8x512xf32>
    %mul3A_1073 = arith.mulf %sub3A_1037, %div3A_1072 : vector<8x512xf32>
    %mul3A_1074 = arith.mulf %sub3A_1044, %div3A_1072 : vector<8x512xf32>
    %mul3A_1075 = arith.mulf %add3A_1051, %div3A_1072 : vector<8x512xf32>
    %mul3A_1076 = arith.mulf %add3A_1058, %div3A_1072 : vector<8x512xf32>
    %abs3A_1077 = math.absf %mul3A_1073 : vector<8x512xf32>
    %min3A_1078 = arith.constant 0.99999988 : f32
    %min3A_1079 = vector.broadcast %min3A_1078 : f32 to vector<8x512xf32>
    %min3A_1080 = arith.minimumf %abs3A_1077, %min3A_1079 : vector<8x512xf32>
    %sub3A_1081 = arith.constant 1.000000e+00 : f32
    %sub3A_1082 = vector.broadcast %sub3A_1081 : f32 to vector<8x512xf32>
    %sub3A_1083 = arith.subf %sub3A_1082, %min3A_1080 : vector<8x512xf32>
    %sqrt3A_1084 = math.sqrt %sub3A_1083 : vector<8x512xf32>
    %mul3A_1085 = arith.constant -1.872930e-02 : f32
    %mul3A_1086 = vector.broadcast %mul3A_1085 : f32 to vector<8x512xf32>
    %mul3A_1087 = arith.mulf %min3A_1080, %mul3A_1086 : vector<8x512xf32>
    %add3A_1088 = arith.constant 7.426100e-02 : f32
    %add3A_1089 = vector.broadcast %add3A_1088 : f32 to vector<8x512xf32>
    %add3A_1090 = arith.addf %add3A_1089, %mul3A_1087 : vector<8x512xf32>
    %mul3A_1091 = arith.mulf %min3A_1080, %add3A_1090 : vector<8x512xf32>
    %add3A_1092 = arith.constant -0.212114394 : f32
    %add3A_1093 = vector.broadcast %add3A_1092 : f32 to vector<8x512xf32>
    %add3A_1094 = arith.addf %add3A_1093, %mul3A_1091 : vector<8x512xf32>
    %mul3A_1095 = arith.mulf %min3A_1080, %add3A_1094 : vector<8x512xf32>
    %add3A_1096 = arith.constant 1.57072878 : f32
    %add3A_1097 = vector.broadcast %add3A_1096 : f32 to vector<8x512xf32>
    %add3A_1098 = arith.addf %add3A_1097, %mul3A_1095 : vector<8x512xf32>
    %mul3A_1099 = arith.mulf %sqrt3A_1084, %add3A_1098 : vector<8x512xf32>
    %reduce_sum3A_1100 = arith.constant dense<0.000000e+00> : vector<512xf32>
    %reduce_sum3A_1101 = vector.multi_reduction <add>, %mul3A_1099, %reduce_sum3A_1100 [0] : vector<8x512xf32> to vector<512xf32>
    %div3A_1102 = arith.constant 8.000000e+00 : f32
    %div3A_1103 = vector.broadcast %div3A_1102 : f32 to vector<512xf32>
    %div3A_1104 = arith.divf %reduce_sum3A_1101, %div3A_1103 : vector<512xf32>
    %swap3A_1105 = arith.constant 0 : index
    %swap3A_1106 = arith.constant 9 : index
    %swap3A_1107 = vector.load %arg3[%swap3A_1105, %swap3A_1106] : memref<512x20xf32, #tpu.memory_space<vmem>>, vector<512x1xf32>
    %swap3A_1108 = vector.shape_cast %swap3A_1107 : vector<512x1xf32> to vector<512xf32>
    %swap3A_1109 = vector.shape_cast %div3A_1104 : vector<512xf32> to vector<512x1xf32>
    tpu.vector_store %arg3[%swap3A_1105, %swap3A_1106], %swap3A_1109 {strides = array<i32>} : memref<512x20xf32, #tpu.memory_space<vmem>>, vector<512x1xf32>,
    %get3A_1110 = arith.constant 0 : index
    %get3A_1111 = arith.constant 320 : index
    %get3A_1112 = vector.load %arg1[%get3A_1110, %get3A_1111] : memref<512x640xf32, #tpu.memory_space<vmem>>, vector<512x32xf32>
    %dot_general3A_1113 = arith.constant dense<0.000000e+00> : vector<32x512xf32>
    %dot_general3A_1114 = tpu.matmul %select_n3A_50, %get3A_1112, %dot_general3A_1113 {dimension_numbers = #tpu.dot_dimension_numbers<[1], [1], [0], [0], [0, 0, 1, 0], [], []>, precision = #tpu.contract_precision<fp32>, transpose_lhs_hint = false} : vector<32x32xf32>, vector<512x32xf32>, vector<32x512xf32> -> vector<32x512xf32>
    %slice3A_1115 = vector.extract_strided_slice %dot_general3A_1114 {offsets = [0, 0], sizes = [8, 512], strides = [1, 1]} : vector<32x512xf32> to vector<8x512xf32>
    %slice3A_1116 = vector.extract_strided_slice %dot_general3A_1114 {offsets = [8, 0], sizes = [8, 512], strides = [1, 1]} : vector<32x512xf32> to vector<8x512xf32>
    %slice3A_1117 = vector.extract_strided_slice %dot_general3A_1114 {offsets = [16, 0], sizes = [8, 512], strides = [1, 1]} : vector<32x512xf32> to vector<8x512xf32>
    %slice3A_1118 = vector.extract_strided_slice %dot_general3A_1114 {offsets = [24, 0], sizes = [8, 512], strides = [1, 1]} : vector<32x512xf32> to vector<8x512xf32>
    %mul3A_1119 = arith.mulf %slice3A_1115, %slice3A_1115 : vector<8x512xf32>
    %mul3A_1120 = arith.mulf %slice3A_1116, %slice3A_1116 : vector<8x512xf32>
    %add3A_1121 = arith.addf %mul3A_1119, %mul3A_1120 : vector<8x512xf32>
    %mul3A_1122 = arith.mulf %slice3A_1117, %slice3A_1117 : vector<8x512xf32>
    %add3A_1123 = arith.addf %add3A_1121, %mul3A_1122 : vector<8x512xf32>
    %mul3A_1124 = arith.mulf %slice3A_1118, %slice3A_1118 : vector<8x512xf32>
    %add3A_1125 = arith.addf %add3A_1123, %mul3A_1124 : vector<8x512xf32>
    %sqrt3A_1126 = math.sqrt %add3A_1125 : vector<8x512xf32>
    %max3A_1127 = arith.constant 9.99999996E-13 : f32
    %max3A_1128 = vector.broadcast %max3A_1127 : f32 to vector<8x512xf32>
    %max3A_1129 = arith.maximumf %sqrt3A_1126, %max3A_1128 : vector<8x512xf32>
    %div3A_1130 = arith.constant 1.000000e+00 : f32
    %div3A_1131 = vector.broadcast %div3A_1130 : f32 to vector<8x512xf32>
    %div3A_1132 = arith.divf %div3A_1131, %max3A_1129 : vector<8x512xf32>
    %mul3A_1133 = arith.mulf %slice3A_1115, %div3A_1132 : vector<8x512xf32>
    %mul3A_1134 = arith.mulf %slice3A_1116, %div3A_1132 : vector<8x512xf32>
    %mul3A_1135 = arith.mulf %slice3A_1117, %div3A_1132 : vector<8x512xf32>
    %mul3A_1136 = arith.mulf %slice3A_1118, %div3A_1132 : vector<8x512xf32>
    %mul3A_1137 = arith.mulf %mul3A_1073, %mul3A_1133 : vector<8x512xf32>
    %mul3A_1138 = arith.mulf %mul3A_1074, %mul3A_1134 : vector<8x512xf32>
    %sub3A_1139 = arith.subf %mul3A_1137, %mul3A_1138 : vector<8x512xf32>
    %mul3A_1140 = arith.mulf %mul3A_1075, %mul3A_1135 : vector<8x512xf32>
    %sub3A_1141 = arith.subf %sub3A_1139, %mul3A_1140 : vector<8x512xf32>
    %mul3A_1142 = arith.mulf %mul3A_1076, %mul3A_1136 : vector<8x512xf32>
    %sub3A_1143 = arith.subf %sub3A_1141, %mul3A_1142 : vector<8x512xf32>
    %mul3A_1144 = arith.mulf %mul3A_1073, %mul3A_1134 : vector<8x512xf32>
    %mul3A_1145 = arith.mulf %mul3A_1074, %mul3A_1133 : vector<8x512xf32>
    %add3A_1146 = arith.addf %mul3A_1144, %mul3A_1145 : vector<8x512xf32>
    %mul3A_1147 = arith.mulf %mul3A_1075, %mul3A_1136 : vector<8x512xf32>
    %add3A_1148 = arith.addf %add3A_1146, %mul3A_1147 : vector<8x512xf32>
    %mul3A_1149 = arith.mulf %mul3A_1076, %mul3A_1135 : vector<8x512xf32>
    %sub3A_1150 = arith.subf %add3A_1148, %mul3A_1149 : vector<8x512xf32>
    %mul3A_1151 = arith.mulf %mul3A_1073, %mul3A_1135 : vector<8x512xf32>
    %mul3A_1152 = arith.mulf %mul3A_1074, %mul3A_1136 : vector<8x512xf32>
    %sub3A_1153 = arith.subf %mul3A_1151, %mul3A_1152 : vector<8x512xf32>
    %mul3A_1154 = arith.mulf %mul3A_1075, %mul3A_1133 : vector<8x512xf32>
    %add3A_1155 = arith.addf %sub3A_1153, %mul3A_1154 : vector<8x512xf32>
    %mul3A_1156 = arith.mulf %mul3A_1076, %mul3A_1134 : vector<8x512xf32>
    %add3A_1157 = arith.addf %add3A_1155, %mul3A_1156 : vector<8x512xf32>
    %mul3A_1158 = arith.mulf %mul3A_1073, %mul3A_1136 : vector<8x512xf32>
    %mul3A_1159 = arith.mulf %mul3A_1074, %mul3A_1135 : vector<8x512xf32>
    %add3A_1160 = arith.addf %mul3A_1158, %mul3A_1159 : vector<8x512xf32>
    %mul3A_1161 = arith.mulf %mul3A_1075, %mul3A_1134 : vector<8x512xf32>
    %sub3A_1162 = arith.subf %add3A_1160, %mul3A_1161 : vector<8x512xf32>
    %mul3A_1163 = arith.mulf %mul3A_1076, %mul3A_1133 : vector<8x512xf32>
    %add3A_1164 = arith.addf %sub3A_1162, %mul3A_1163 : vector<8x512xf32>
    %mul3A_1165 = arith.mulf %sub3A_1143, %sub3A_1143 : vector<8x512xf32>
    %mul3A_1166 = arith.mulf %sub3A_1150, %sub3A_1150 : vector<8x512xf32>
    %add3A_1167 = arith.addf %mul3A_1165, %mul3A_1166 : vector<8x512xf32>
    %mul3A_1168 = arith.mulf %add3A_1157, %add3A_1157 : vector<8x512xf32>
    %add3A_1169 = arith.addf %add3A_1167, %mul3A_1168 : vector<8x512xf32>
    %mul3A_1170 = arith.mulf %add3A_1164, %add3A_1164 : vector<8x512xf32>
    %add3A_1171 = arith.addf %add3A_1169, %mul3A_1170 : vector<8x512xf32>
    %sqrt3A_1172 = math.sqrt %add3A_1171 : vector<8x512xf32>
    %max3A_1173 = arith.constant 9.99999996E-13 : f32
    %max3A_1174 = vector.broadcast %max3A_1173 : f32 to vector<8x512xf32>
    %max3A_1175 = arith.maximumf %sqrt3A_1172, %max3A_1174 : vector<8x512xf32>
    %div3A_1176 = arith.constant 1.000000e+00 : f32
    %div3A_1177 = vector.broadcast %div3A_1176 : f32 to vector<8x512xf32>
    %div3A_1178 = arith.divf %div3A_1177, %max3A_1175 : vector<8x512xf32>
    %mul3A_1179 = arith.mulf %sub3A_1143, %div3A_1178 : vector<8x512xf32>
    %mul3A_1180 = arith.mulf %sub3A_1150, %div3A_1178 : vector<8x512xf32>
    %mul3A_1181 = arith.mulf %add3A_1157, %div3A_1178 : vector<8x512xf32>
    %mul3A_1182 = arith.mulf %add3A_1164, %div3A_1178 : vector<8x512xf32>
    %abs3A_1183 = math.absf %mul3A_1179 : vector<8x512xf32>
    %min3A_1184 = arith.constant 0.99999988 : f32
    %min3A_1185 = vector.broadcast %min3A_1184 : f32 to vector<8x512xf32>
    %min3A_1186 = arith.minimumf %abs3A_1183, %min3A_1185 : vector<8x512xf32>
    %sub3A_1187 = arith.constant 1.000000e+00 : f32
    %sub3A_1188 = vector.broadcast %sub3A_1187 : f32 to vector<8x512xf32>
    %sub3A_1189 = arith.subf %sub3A_1188, %min3A_1186 : vector<8x512xf32>
    %sqrt3A_1190 = math.sqrt %sub3A_1189 : vector<8x512xf32>
    %mul3A_1191 = arith.constant -1.872930e-02 : f32
    %mul3A_1192 = vector.broadcast %mul3A_1191 : f32 to vector<8x512xf32>
    %mul3A_1193 = arith.mulf %min3A_1186, %mul3A_1192 : vector<8x512xf32>
    %add3A_1194 = arith.constant 7.426100e-02 : f32
    %add3A_1195 = vector.broadcast %add3A_1194 : f32 to vector<8x512xf32>
    %add3A_1196 = arith.addf %add3A_1195, %mul3A_1193 : vector<8x512xf32>
    %mul3A_1197 = arith.mulf %min3A_1186, %add3A_1196 : vector<8x512xf32>
    %add3A_1198 = arith.constant -0.212114394 : f32
    %add3A_1199 = vector.broadcast %add3A_1198 : f32 to vector<8x512xf32>
    %add3A_1200 = arith.addf %add3A_1199, %mul3A_1197 : vector<8x512xf32>
    %mul3A_1201 = arith.mulf %min3A_1186, %add3A_1200 : vector<8x512xf32>
    %add3A_1202 = arith.constant 1.57072878 : f32
    %add3A_1203 = vector.broadcast %add3A_1202 : f32 to vector<8x512xf32>
    %add3A_1204 = arith.addf %add3A_1203, %mul3A_1201 : vector<8x512xf32>
    %mul3A_1205 = arith.mulf %sqrt3A_1190, %add3A_1204 : vector<8x512xf32>
    %reduce_sum3A_1206 = arith.constant dense<0.000000e+00> : vector<512xf32>
    %reduce_sum3A_1207 = vector.multi_reduction <add>, %mul3A_1205, %reduce_sum3A_1206 [0] : vector<8x512xf32> to vector<512xf32>
    %div3A_1208 = arith.constant 8.000000e+00 : f32
    %div3A_1209 = vector.broadcast %div3A_1208 : f32 to vector<512xf32>
    %div3A_1210 = arith.divf %reduce_sum3A_1207, %div3A_1209 : vector<512xf32>
    %swap3A_1211 = arith.constant 0 : index
    %swap3A_1212 = arith.constant 10 : index
    %swap3A_1213 = vector.load %arg3[%swap3A_1211, %swap3A_1212] : memref<512x20xf32, #tpu.memory_space<vmem>>, vector<512x1xf32>
    %swap3A_1214 = vector.shape_cast %swap3A_1213 : vector<512x1xf32> to vector<512xf32>
    %swap3A_1215 = vector.shape_cast %div3A_1210 : vector<512xf32> to vector<512x1xf32>
    tpu.vector_store %arg3[%swap3A_1211, %swap3A_1212], %swap3A_1215 {strides = array<i32>} : memref<512x20xf32, #tpu.memory_space<vmem>>, vector<512x1xf32>,
    %get3A_1216 = arith.constant 0 : index
    %get3A_1217 = arith.constant 352 : index
    %get3A_1218 = vector.load %arg1[%get3A_1216, %get3A_1217] : memref<512x640xf32, #tpu.memory_space<vmem>>, vector<512x32xf32>
    %dot_general3A_1219 = arith.constant dense<0.000000e+00> : vector<32x512xf32>
    %dot_general3A_1220 = tpu.matmul %select_n3A_50, %get3A_1218, %dot_general3A_1219 {dimension_numbers = #tpu.dot_dimension_numbers<[1], [1], [0], [0], [0, 0, 1, 0], [], []>, precision = #tpu.contract_precision<fp32>, transpose_lhs_hint = false} : vector<32x32xf32>, vector<512x32xf32>, vector<32x512xf32> -> vector<32x512xf32>
    %slice3A_1221 = vector.extract_strided_slice %dot_general3A_1220 {offsets = [0, 0], sizes = [8, 512], strides = [1, 1]} : vector<32x512xf32> to vector<8x512xf32>
    %slice3A_1222 = vector.extract_strided_slice %dot_general3A_1220 {offsets = [8, 0], sizes = [8, 512], strides = [1, 1]} : vector<32x512xf32> to vector<8x512xf32>
    %slice3A_1223 = vector.extract_strided_slice %dot_general3A_1220 {offsets = [16, 0], sizes = [8, 512], strides = [1, 1]} : vector<32x512xf32> to vector<8x512xf32>
    %slice3A_1224 = vector.extract_strided_slice %dot_general3A_1220 {offsets = [24, 0], sizes = [8, 512], strides = [1, 1]} : vector<32x512xf32> to vector<8x512xf32>
    %mul3A_1225 = arith.mulf %slice3A_1221, %slice3A_1221 : vector<8x512xf32>
    %mul3A_1226 = arith.mulf %slice3A_1222, %slice3A_1222 : vector<8x512xf32>
    %add3A_1227 = arith.addf %mul3A_1225, %mul3A_1226 : vector<8x512xf32>
    %mul3A_1228 = arith.mulf %slice3A_1223, %slice3A_1223 : vector<8x512xf32>
    %add3A_1229 = arith.addf %add3A_1227, %mul3A_1228 : vector<8x512xf32>
    %mul3A_1230 = arith.mulf %slice3A_1224, %slice3A_1224 : vector<8x512xf32>
    %add3A_1231 = arith.addf %add3A_1229, %mul3A_1230 : vector<8x512xf32>
    %sqrt3A_1232 = math.sqrt %add3A_1231 : vector<8x512xf32>
    %max3A_1233 = arith.constant 9.99999996E-13 : f32
    %max3A_1234 = vector.broadcast %max3A_1233 : f32 to vector<8x512xf32>
    %max3A_1235 = arith.maximumf %sqrt3A_1232, %max3A_1234 : vector<8x512xf32>
    %div3A_1236 = arith.constant 1.000000e+00 : f32
    %div3A_1237 = vector.broadcast %div3A_1236 : f32 to vector<8x512xf32>
    %div3A_1238 = arith.divf %div3A_1237, %max3A_1235 : vector<8x512xf32>
    %mul3A_1239 = arith.mulf %slice3A_1221, %div3A_1238 : vector<8x512xf32>
    %mul3A_1240 = arith.mulf %slice3A_1222, %div3A_1238 : vector<8x512xf32>
    %mul3A_1241 = arith.mulf %slice3A_1223, %div3A_1238 : vector<8x512xf32>
    %mul3A_1242 = arith.mulf %slice3A_1224, %div3A_1238 : vector<8x512xf32>
    %mul3A_1243 = arith.mulf %mul3A_1179, %mul3A_1239 : vector<8x512xf32>
    %mul3A_1244 = arith.mulf %mul3A_1180, %mul3A_1240 : vector<8x512xf32>
    %sub3A_1245 = arith.subf %mul3A_1243, %mul3A_1244 : vector<8x512xf32>
    %mul3A_1246 = arith.mulf %mul3A_1181, %mul3A_1241 : vector<8x512xf32>
    %sub3A_1247 = arith.subf %sub3A_1245, %mul3A_1246 : vector<8x512xf32>
    %mul3A_1248 = arith.mulf %mul3A_1182, %mul3A_1242 : vector<8x512xf32>
    %sub3A_1249 = arith.subf %sub3A_1247, %mul3A_1248 : vector<8x512xf32>
    %mul3A_1250 = arith.mulf %mul3A_1179, %mul3A_1240 : vector<8x512xf32>
    %mul3A_1251 = arith.mulf %mul3A_1180, %mul3A_1239 : vector<8x512xf32>
    %add3A_1252 = arith.addf %mul3A_1250, %mul3A_1251 : vector<8x512xf32>
    %mul3A_1253 = arith.mulf %mul3A_1181, %mul3A_1242 : vector<8x512xf32>
    %add3A_1254 = arith.addf %add3A_1252, %mul3A_1253 : vector<8x512xf32>
    %mul3A_1255 = arith.mulf %mul3A_1182, %mul3A_1241 : vector<8x512xf32>
    %sub3A_1256 = arith.subf %add3A_1254, %mul3A_1255 : vector<8x512xf32>
    %mul3A_1257 = arith.mulf %mul3A_1179, %mul3A_1241 : vector<8x512xf32>
    %mul3A_1258 = arith.mulf %mul3A_1180, %mul3A_1242 : vector<8x512xf32>
    %sub3A_1259 = arith.subf %mul3A_1257, %mul3A_1258 : vector<8x512xf32>
    %mul3A_1260 = arith.mulf %mul3A_1181, %mul3A_1239 : vector<8x512xf32>
    %add3A_1261 = arith.addf %sub3A_1259, %mul3A_1260 : vector<8x512xf32>
    %mul3A_1262 = arith.mulf %mul3A_1182, %mul3A_1240 : vector<8x512xf32>
    %add3A_1263 = arith.addf %add3A_1261, %mul3A_1262 : vector<8x512xf32>
    %mul3A_1264 = arith.mulf %mul3A_1179, %mul3A_1242 : vector<8x512xf32>
    %mul3A_1265 = arith.mulf %mul3A_1180, %mul3A_1241 : vector<8x512xf32>
    %add3A_1266 = arith.addf %mul3A_1264, %mul3A_1265 : vector<8x512xf32>
    %mul3A_1267 = arith.mulf %mul3A_1181, %mul3A_1240 : vector<8x512xf32>
    %sub3A_1268 = arith.subf %add3A_1266, %mul3A_1267 : vector<8x512xf32>
    %mul3A_1269 = arith.mulf %mul3A_1182, %mul3A_1239 : vector<8x512xf32>
    %add3A_1270 = arith.addf %sub3A_1268, %mul3A_1269 : vector<8x512xf32>
    %mul3A_1271 = arith.mulf %sub3A_1249, %sub3A_1249 : vector<8x512xf32>
    %mul3A_1272 = arith.mulf %sub3A_1256, %sub3A_1256 : vector<8x512xf32>
    %add3A_1273 = arith.addf %mul3A_1271, %mul3A_1272 : vector<8x512xf32>
    %mul3A_1274 = arith.mulf %add3A_1263, %add3A_1263 : vector<8x512xf32>
    %add3A_1275 = arith.addf %add3A_1273, %mul3A_1274 : vector<8x512xf32>
    %mul3A_1276 = arith.mulf %add3A_1270, %add3A_1270 : vector<8x512xf32>
    %add3A_1277 = arith.addf %add3A_1275, %mul3A_1276 : vector<8x512xf32>
    %sqrt3A_1278 = math.sqrt %add3A_1277 : vector<8x512xf32>
    %max3A_1279 = arith.constant 9.99999996E-13 : f32
    %max3A_1280 = vector.broadcast %max3A_1279 : f32 to vector<8x512xf32>
    %max3A_1281 = arith.maximumf %sqrt3A_1278, %max3A_1280 : vector<8x512xf32>
    %div3A_1282 = arith.constant 1.000000e+00 : f32
    %div3A_1283 = vector.broadcast %div3A_1282 : f32 to vector<8x512xf32>
    %div3A_1284 = arith.divf %div3A_1283, %max3A_1281 : vector<8x512xf32>
    %mul3A_1285 = arith.mulf %sub3A_1249, %div3A_1284 : vector<8x512xf32>
    %mul3A_1286 = arith.mulf %sub3A_1256, %div3A_1284 : vector<8x512xf32>
    %mul3A_1287 = arith.mulf %add3A_1263, %div3A_1284 : vector<8x512xf32>
    %mul3A_1288 = arith.mulf %add3A_1270, %div3A_1284 : vector<8x512xf32>
    %abs3A_1289 = math.absf %mul3A_1285 : vector<8x512xf32>
    %min3A_1290 = arith.constant 0.99999988 : f32
    %min3A_1291 = vector.broadcast %min3A_1290 : f32 to vector<8x512xf32>
    %min3A_1292 = arith.minimumf %abs3A_1289, %min3A_1291 : vector<8x512xf32>
    %sub3A_1293 = arith.constant 1.000000e+00 : f32
    %sub3A_1294 = vector.broadcast %sub3A_1293 : f32 to vector<8x512xf32>
    %sub3A_1295 = arith.subf %sub3A_1294, %min3A_1292 : vector<8x512xf32>
    %sqrt3A_1296 = math.sqrt %sub3A_1295 : vector<8x512xf32>
    %mul3A_1297 = arith.constant -1.872930e-02 : f32
    %mul3A_1298 = vector.broadcast %mul3A_1297 : f32 to vector<8x512xf32>
    %mul3A_1299 = arith.mulf %min3A_1292, %mul3A_1298 : vector<8x512xf32>
    %add3A_1300 = arith.constant 7.426100e-02 : f32
    %add3A_1301 = vector.broadcast %add3A_1300 : f32 to vector<8x512xf32>
    %add3A_1302 = arith.addf %add3A_1301, %mul3A_1299 : vector<8x512xf32>
    %mul3A_1303 = arith.mulf %min3A_1292, %add3A_1302 : vector<8x512xf32>
    %add3A_1304 = arith.constant -0.212114394 : f32
    %add3A_1305 = vector.broadcast %add3A_1304 : f32 to vector<8x512xf32>
    %add3A_1306 = arith.addf %add3A_1305, %mul3A_1303 : vector<8x512xf32>
    %mul3A_1307 = arith.mulf %min3A_1292, %add3A_1306 : vector<8x512xf32>
    %add3A_1308 = arith.constant 1.57072878 : f32
    %add3A_1309 = vector.broadcast %add3A_1308 : f32 to vector<8x512xf32>
    %add3A_1310 = arith.addf %add3A_1309, %mul3A_1307 : vector<8x512xf32>
    %mul3A_1311 = arith.mulf %sqrt3A_1296, %add3A_1310 : vector<8x512xf32>
    %reduce_sum3A_1312 = arith.constant dense<0.000000e+00> : vector<512xf32>
    %reduce_sum3A_1313 = vector.multi_reduction <add>, %mul3A_1311, %reduce_sum3A_1312 [0] : vector<8x512xf32> to vector<512xf32>
    %div3A_1314 = arith.constant 8.000000e+00 : f32
    %div3A_1315 = vector.broadcast %div3A_1314 : f32 to vector<512xf32>
    %div3A_1316 = arith.divf %reduce_sum3A_1313, %div3A_1315 : vector<512xf32>
    %swap3A_1317 = arith.constant 0 : index
    %swap3A_1318 = arith.constant 11 : index
    %swap3A_1319 = vector.load %arg3[%swap3A_1317, %swap3A_1318] : memref<512x20xf32, #tpu.memory_space<vmem>>, vector<512x1xf32>
    %swap3A_1320 = vector.shape_cast %swap3A_1319 : vector<512x1xf32> to vector<512xf32>
    %swap3A_1321 = vector.shape_cast %div3A_1316 : vector<512xf32> to vector<512x1xf32>
    tpu.vector_store %arg3[%swap3A_1317, %swap3A_1318], %swap3A_1321 {strides = array<i32>} : memref<512x20xf32, #tpu.memory_space<vmem>>, vector<512x1xf32>,
    %get3A_1322 = arith.constant 0 : index
    %get3A_1323 = arith.constant 384 : index
    %get3A_1324 = vector.load %arg1[%get3A_1322, %get3A_1323] : memref<512x640xf32, #tpu.memory_space<vmem>>, vector<512x32xf32>
    %dot_general3A_1325 = arith.constant dense<0.000000e+00> : vector<32x512xf32>
    %dot_general3A_1326 = tpu.matmul %select_n3A_50, %get3A_1324, %dot_general3A_1325 {dimension_numbers = #tpu.dot_dimension_numbers<[1], [1], [0], [0], [0, 0, 1, 0], [], []>, precision = #tpu.contract_precision<fp32>, transpose_lhs_hint = false} : vector<32x32xf32>, vector<512x32xf32>, vector<32x512xf32> -> vector<32x512xf32>
    %slice3A_1327 = vector.extract_strided_slice %dot_general3A_1326 {offsets = [0, 0], sizes = [8, 512], strides = [1, 1]} : vector<32x512xf32> to vector<8x512xf32>
    %slice3A_1328 = vector.extract_strided_slice %dot_general3A_1326 {offsets = [8, 0], sizes = [8, 512], strides = [1, 1]} : vector<32x512xf32> to vector<8x512xf32>
    %slice3A_1329 = vector.extract_strided_slice %dot_general3A_1326 {offsets = [16, 0], sizes = [8, 512], strides = [1, 1]} : vector<32x512xf32> to vector<8x512xf32>
    %slice3A_1330 = vector.extract_strided_slice %dot_general3A_1326 {offsets = [24, 0], sizes = [8, 512], strides = [1, 1]} : vector<32x512xf32> to vector<8x512xf32>
    %mul3A_1331 = arith.mulf %slice3A_1327, %slice3A_1327 : vector<8x512xf32>
    %mul3A_1332 = arith.mulf %slice3A_1328, %slice3A_1328 : vector<8x512xf32>
    %add3A_1333 = arith.addf %mul3A_1331, %mul3A_1332 : vector<8x512xf32>
    %mul3A_1334 = arith.mulf %slice3A_1329, %slice3A_1329 : vector<8x512xf32>
    %add3A_1335 = arith.addf %add3A_1333, %mul3A_1334 : vector<8x512xf32>
    %mul3A_1336 = arith.mulf %slice3A_1330, %slice3A_1330 : vector<8x512xf32>
    %add3A_1337 = arith.addf %add3A_1335, %mul3A_1336 : vector<8x512xf32>
    %sqrt3A_1338 = math.sqrt %add3A_1337 : vector<8x512xf32>
    %max3A_1339 = arith.constant 9.99999996E-13 : f32
    %max3A_1340 = vector.broadcast %max3A_1339 : f32 to vector<8x512xf32>
    %max3A_1341 = arith.maximumf %sqrt3A_1338, %max3A_1340 : vector<8x512xf32>
    %div3A_1342 = arith.constant 1.000000e+00 : f32
    %div3A_1343 = vector.broadcast %div3A_1342 : f32 to vector<8x512xf32>
    %div3A_1344 = arith.divf %div3A_1343, %max3A_1341 : vector<8x512xf32>
    %mul3A_1345 = arith.mulf %slice3A_1327, %div3A_1344 : vector<8x512xf32>
    %mul3A_1346 = arith.mulf %slice3A_1328, %div3A_1344 : vector<8x512xf32>
    %mul3A_1347 = arith.mulf %slice3A_1329, %div3A_1344 : vector<8x512xf32>
    %mul3A_1348 = arith.mulf %slice3A_1330, %div3A_1344 : vector<8x512xf32>
    %mul3A_1349 = arith.mulf %mul3A_1285, %mul3A_1345 : vector<8x512xf32>
    %mul3A_1350 = arith.mulf %mul3A_1286, %mul3A_1346 : vector<8x512xf32>
    %sub3A_1351 = arith.subf %mul3A_1349, %mul3A_1350 : vector<8x512xf32>
    %mul3A_1352 = arith.mulf %mul3A_1287, %mul3A_1347 : vector<8x512xf32>
    %sub3A_1353 = arith.subf %sub3A_1351, %mul3A_1352 : vector<8x512xf32>
    %mul3A_1354 = arith.mulf %mul3A_1288, %mul3A_1348 : vector<8x512xf32>
    %sub3A_1355 = arith.subf %sub3A_1353, %mul3A_1354 : vector<8x512xf32>
    %mul3A_1356 = arith.mulf %mul3A_1285, %mul3A_1346 : vector<8x512xf32>
    %mul3A_1357 = arith.mulf %mul3A_1286, %mul3A_1345 : vector<8x512xf32>
    %add3A_1358 = arith.addf %mul3A_1356, %mul3A_1357 : vector<8x512xf32>
    %mul3A_1359 = arith.mulf %mul3A_1287, %mul3A_1348 : vector<8x512xf32>
    %add3A_1360 = arith.addf %add3A_1358, %mul3A_1359 : vector<8x512xf32>
    %mul3A_1361 = arith.mulf %mul3A_1288, %mul3A_1347 : vector<8x512xf32>
    %sub3A_1362 = arith.subf %add3A_1360, %mul3A_1361 : vector<8x512xf32>
    %mul3A_1363 = arith.mulf %mul3A_1285, %mul3A_1347 : vector<8x512xf32>
    %mul3A_1364 = arith.mulf %mul3A_1286, %mul3A_1348 : vector<8x512xf32>
    %sub3A_1365 = arith.subf %mul3A_1363, %mul3A_1364 : vector<8x512xf32>
    %mul3A_1366 = arith.mulf %mul3A_1287, %mul3A_1345 : vector<8x512xf32>
    %add3A_1367 = arith.addf %sub3A_1365, %mul3A_1366 : vector<8x512xf32>
    %mul3A_1368 = arith.mulf %mul3A_1288, %mul3A_1346 : vector<8x512xf32>
    %add3A_1369 = arith.addf %add3A_1367, %mul3A_1368 : vector<8x512xf32>
    %mul3A_1370 = arith.mulf %mul3A_1285, %mul3A_1348 : vector<8x512xf32>
    %mul3A_1371 = arith.mulf %mul3A_1286, %mul3A_1347 : vector<8x512xf32>
    %add3A_1372 = arith.addf %mul3A_1370, %mul3A_1371 : vector<8x512xf32>
    %mul3A_1373 = arith.mulf %mul3A_1287, %mul3A_1346 : vector<8x512xf32>
    %sub3A_1374 = arith.subf %add3A_1372, %mul3A_1373 : vector<8x512xf32>
    %mul3A_1375 = arith.mulf %mul3A_1288, %mul3A_1345 : vector<8x512xf32>
    %add3A_1376 = arith.addf %sub3A_1374, %mul3A_1375 : vector<8x512xf32>
    %mul3A_1377 = arith.mulf %sub3A_1355, %sub3A_1355 : vector<8x512xf32>
    %mul3A_1378 = arith.mulf %sub3A_1362, %sub3A_1362 : vector<8x512xf32>
    %add3A_1379 = arith.addf %mul3A_1377, %mul3A_1378 : vector<8x512xf32>
    %mul3A_1380 = arith.mulf %add3A_1369, %add3A_1369 : vector<8x512xf32>
    %add3A_1381 = arith.addf %add3A_1379, %mul3A_1380 : vector<8x512xf32>
    %mul3A_1382 = arith.mulf %add3A_1376, %add3A_1376 : vector<8x512xf32>
    %add3A_1383 = arith.addf %add3A_1381, %mul3A_1382 : vector<8x512xf32>
    %sqrt3A_1384 = math.sqrt %add3A_1383 : vector<8x512xf32>
    %max3A_1385 = arith.constant 9.99999996E-13 : f32
    %max3A_1386 = vector.broadcast %max3A_1385 : f32 to vector<8x512xf32>
    %max3A_1387 = arith.maximumf %sqrt3A_1384, %max3A_1386 : vector<8x512xf32>
    %div3A_1388 = arith.constant 1.000000e+00 : f32
    %div3A_1389 = vector.broadcast %div3A_1388 : f32 to vector<8x512xf32>
    %div3A_1390 = arith.divf %div3A_1389, %max3A_1387 : vector<8x512xf32>
    %mul3A_1391 = arith.mulf %sub3A_1355, %div3A_1390 : vector<8x512xf32>
    %mul3A_1392 = arith.mulf %sub3A_1362, %div3A_1390 : vector<8x512xf32>
    %mul3A_1393 = arith.mulf %add3A_1369, %div3A_1390 : vector<8x512xf32>
    %mul3A_1394 = arith.mulf %add3A_1376, %div3A_1390 : vector<8x512xf32>
    %abs3A_1395 = math.absf %mul3A_1391 : vector<8x512xf32>
    %min3A_1396 = arith.constant 0.99999988 : f32
    %min3A_1397 = vector.broadcast %min3A_1396 : f32 to vector<8x512xf32>
    %min3A_1398 = arith.minimumf %abs3A_1395, %min3A_1397 : vector<8x512xf32>
    %sub3A_1399 = arith.constant 1.000000e+00 : f32
    %sub3A_1400 = vector.broadcast %sub3A_1399 : f32 to vector<8x512xf32>
    %sub3A_1401 = arith.subf %sub3A_1400, %min3A_1398 : vector<8x512xf32>
    %sqrt3A_1402 = math.sqrt %sub3A_1401 : vector<8x512xf32>
    %mul3A_1403 = arith.constant -1.872930e-02 : f32
    %mul3A_1404 = vector.broadcast %mul3A_1403 : f32 to vector<8x512xf32>
    %mul3A_1405 = arith.mulf %min3A_1398, %mul3A_1404 : vector<8x512xf32>
    %add3A_1406 = arith.constant 7.426100e-02 : f32
    %add3A_1407 = vector.broadcast %add3A_1406 : f32 to vector<8x512xf32>
    %add3A_1408 = arith.addf %add3A_1407, %mul3A_1405 : vector<8x512xf32>
    %mul3A_1409 = arith.mulf %min3A_1398, %add3A_1408 : vector<8x512xf32>
    %add3A_1410 = arith.constant -0.212114394 : f32
    %add3A_1411 = vector.broadcast %add3A_1410 : f32 to vector<8x512xf32>
    %add3A_1412 = arith.addf %add3A_1411, %mul3A_1409 : vector<8x512xf32>
    %mul3A_1413 = arith.mulf %min3A_1398, %add3A_1412 : vector<8x512xf32>
    %add3A_1414 = arith.constant 1.57072878 : f32
    %add3A_1415 = vector.broadcast %add3A_1414 : f32 to vector<8x512xf32>
    %add3A_1416 = arith.addf %add3A_1415, %mul3A_1413 : vector<8x512xf32>
    %mul3A_1417 = arith.mulf %sqrt3A_1402, %add3A_1416 : vector<8x512xf32>
    %reduce_sum3A_1418 = arith.constant dense<0.000000e+00> : vector<512xf32>
    %reduce_sum3A_1419 = vector.multi_reduction <add>, %mul3A_1417, %reduce_sum3A_1418 [0] : vector<8x512xf32> to vector<512xf32>
    %div3A_1420 = arith.constant 8.000000e+00 : f32
    %div3A_1421 = vector.broadcast %div3A_1420 : f32 to vector<512xf32>
    %div3A_1422 = arith.divf %reduce_sum3A_1419, %div3A_1421 : vector<512xf32>
    %swap3A_1423 = arith.constant 0 : index
    %swap3A_1424 = arith.constant 12 : index
    %swap3A_1425 = vector.load %arg3[%swap3A_1423, %swap3A_1424] : memref<512x20xf32, #tpu.memory_space<vmem>>, vector<512x1xf32>
    %swap3A_1426 = vector.shape_cast %swap3A_1425 : vector<512x1xf32> to vector<512xf32>
    %swap3A_1427 = vector.shape_cast %div3A_1422 : vector<512xf32> to vector<512x1xf32>
    tpu.vector_store %arg3[%swap3A_1423, %swap3A_1424], %swap3A_1427 {strides = array<i32>} : memref<512x20xf32, #tpu.memory_space<vmem>>, vector<512x1xf32>,
    %get3A_1428 = arith.constant 0 : index
    %get3A_1429 = arith.constant 416 : index
    %get3A_1430 = vector.load %arg1[%get3A_1428, %get3A_1429] : memref<512x640xf32, #tpu.memory_space<vmem>>, vector<512x32xf32>
    %dot_general3A_1431 = arith.constant dense<0.000000e+00> : vector<32x512xf32>
    %dot_general3A_1432 = tpu.matmul %select_n3A_50, %get3A_1430, %dot_general3A_1431 {dimension_numbers = #tpu.dot_dimension_numbers<[1], [1], [0], [0], [0, 0, 1, 0], [], []>, precision = #tpu.contract_precision<fp32>, transpose_lhs_hint = false} : vector<32x32xf32>, vector<512x32xf32>, vector<32x512xf32> -> vector<32x512xf32>
    %slice3A_1433 = vector.extract_strided_slice %dot_general3A_1432 {offsets = [0, 0], sizes = [8, 512], strides = [1, 1]} : vector<32x512xf32> to vector<8x512xf32>
    %slice3A_1434 = vector.extract_strided_slice %dot_general3A_1432 {offsets = [8, 0], sizes = [8, 512], strides = [1, 1]} : vector<32x512xf32> to vector<8x512xf32>
    %slice3A_1435 = vector.extract_strided_slice %dot_general3A_1432 {offsets = [16, 0], sizes = [8, 512], strides = [1, 1]} : vector<32x512xf32> to vector<8x512xf32>
    %slice3A_1436 = vector.extract_strided_slice %dot_general3A_1432 {offsets = [24, 0], sizes = [8, 512], strides = [1, 1]} : vector<32x512xf32> to vector<8x512xf32>
    %mul3A_1437 = arith.mulf %slice3A_1433, %slice3A_1433 : vector<8x512xf32>
    %mul3A_1438 = arith.mulf %slice3A_1434, %slice3A_1434 : vector<8x512xf32>
    %add3A_1439 = arith.addf %mul3A_1437, %mul3A_1438 : vector<8x512xf32>
    %mul3A_1440 = arith.mulf %slice3A_1435, %slice3A_1435 : vector<8x512xf32>
    %add3A_1441 = arith.addf %add3A_1439, %mul3A_1440 : vector<8x512xf32>
    %mul3A_1442 = arith.mulf %slice3A_1436, %slice3A_1436 : vector<8x512xf32>
    %add3A_1443 = arith.addf %add3A_1441, %mul3A_1442 : vector<8x512xf32>
    %sqrt3A_1444 = math.sqrt %add3A_1443 : vector<8x512xf32>
    %max3A_1445 = arith.constant 9.99999996E-13 : f32
    %max3A_1446 = vector.broadcast %max3A_1445 : f32 to vector<8x512xf32>
    %max3A_1447 = arith.maximumf %sqrt3A_1444, %max3A_1446 : vector<8x512xf32>
    %div3A_1448 = arith.constant 1.000000e+00 : f32
    %div3A_1449 = vector.broadcast %div3A_1448 : f32 to vector<8x512xf32>
    %div3A_1450 = arith.divf %div3A_1449, %max3A_1447 : vector<8x512xf32>
    %mul3A_1451 = arith.mulf %slice3A_1433, %div3A_1450 : vector<8x512xf32>
    %mul3A_1452 = arith.mulf %slice3A_1434, %div3A_1450 : vector<8x512xf32>
    %mul3A_1453 = arith.mulf %slice3A_1435, %div3A_1450 : vector<8x512xf32>
    %mul3A_1454 = arith.mulf %slice3A_1436, %div3A_1450 : vector<8x512xf32>
    %mul3A_1455 = arith.mulf %mul3A_1391, %mul3A_1451 : vector<8x512xf32>
    %mul3A_1456 = arith.mulf %mul3A_1392, %mul3A_1452 : vector<8x512xf32>
    %sub3A_1457 = arith.subf %mul3A_1455, %mul3A_1456 : vector<8x512xf32>
    %mul3A_1458 = arith.mulf %mul3A_1393, %mul3A_1453 : vector<8x512xf32>
    %sub3A_1459 = arith.subf %sub3A_1457, %mul3A_1458 : vector<8x512xf32>
    %mul3A_1460 = arith.mulf %mul3A_1394, %mul3A_1454 : vector<8x512xf32>
    %sub3A_1461 = arith.subf %sub3A_1459, %mul3A_1460 : vector<8x512xf32>
    %mul3A_1462 = arith.mulf %mul3A_1391, %mul3A_1452 : vector<8x512xf32>
    %mul3A_1463 = arith.mulf %mul3A_1392, %mul3A_1451 : vector<8x512xf32>
    %add3A_1464 = arith.addf %mul3A_1462, %mul3A_1463 : vector<8x512xf32>
    %mul3A_1465 = arith.mulf %mul3A_1393, %mul3A_1454 : vector<8x512xf32>
    %add3A_1466 = arith.addf %add3A_1464, %mul3A_1465 : vector<8x512xf32>
    %mul3A_1467 = arith.mulf %mul3A_1394, %mul3A_1453 : vector<8x512xf32>
    %sub3A_1468 = arith.subf %add3A_1466, %mul3A_1467 : vector<8x512xf32>
    %mul3A_1469 = arith.mulf %mul3A_1391, %mul3A_1453 : vector<8x512xf32>
    %mul3A_1470 = arith.mulf %mul3A_1392, %mul3A_1454 : vector<8x512xf32>
    %sub3A_1471 = arith.subf %mul3A_1469, %mul3A_1470 : vector<8x512xf32>
    %mul3A_1472 = arith.mulf %mul3A_1393, %mul3A_1451 : vector<8x512xf32>
    %add3A_1473 = arith.addf %sub3A_1471, %mul3A_1472 : vector<8x512xf32>
    %mul3A_1474 = arith.mulf %mul3A_1394, %mul3A_1452 : vector<8x512xf32>
    %add3A_1475 = arith.addf %add3A_1473, %mul3A_1474 : vector<8x512xf32>
    %mul3A_1476 = arith.mulf %mul3A_1391, %mul3A_1454 : vector<8x512xf32>
    %mul3A_1477 = arith.mulf %mul3A_1392, %mul3A_1453 : vector<8x512xf32>
    %add3A_1478 = arith.addf %mul3A_1476, %mul3A_1477 : vector<8x512xf32>
    %mul3A_1479 = arith.mulf %mul3A_1393, %mul3A_1452 : vector<8x512xf32>
    %sub3A_1480 = arith.subf %add3A_1478, %mul3A_1479 : vector<8x512xf32>
    %mul3A_1481 = arith.mulf %mul3A_1394, %mul3A_1451 : vector<8x512xf32>
    %add3A_1482 = arith.addf %sub3A_1480, %mul3A_1481 : vector<8x512xf32>
    %mul3A_1483 = arith.mulf %sub3A_1461, %sub3A_1461 : vector<8x512xf32>
    %mul3A_1484 = arith.mulf %sub3A_1468, %sub3A_1468 : vector<8x512xf32>
    %add3A_1485 = arith.addf %mul3A_1483, %mul3A_1484 : vector<8x512xf32>
    %mul3A_1486 = arith.mulf %add3A_1475, %add3A_1475 : vector<8x512xf32>
    %add3A_1487 = arith.addf %add3A_1485, %mul3A_1486 : vector<8x512xf32>
    %mul3A_1488 = arith.mulf %add3A_1482, %add3A_1482 : vector<8x512xf32>
    %add3A_1489 = arith.addf %add3A_1487, %mul3A_1488 : vector<8x512xf32>
    %sqrt3A_1490 = math.sqrt %add3A_1489 : vector<8x512xf32>
    %max3A_1491 = arith.constant 9.99999996E-13 : f32
    %max3A_1492 = vector.broadcast %max3A_1491 : f32 to vector<8x512xf32>
    %max3A_1493 = arith.maximumf %sqrt3A_1490, %max3A_1492 : vector<8x512xf32>
    %div3A_1494 = arith.constant 1.000000e+00 : f32
    %div3A_1495 = vector.broadcast %div3A_1494 : f32 to vector<8x512xf32>
    %div3A_1496 = arith.divf %div3A_1495, %max3A_1493 : vector<8x512xf32>
    %mul3A_1497 = arith.mulf %sub3A_1461, %div3A_1496 : vector<8x512xf32>
    %mul3A_1498 = arith.mulf %sub3A_1468, %div3A_1496 : vector<8x512xf32>
    %mul3A_1499 = arith.mulf %add3A_1475, %div3A_1496 : vector<8x512xf32>
    %mul3A_1500 = arith.mulf %add3A_1482, %div3A_1496 : vector<8x512xf32>
    %abs3A_1501 = math.absf %mul3A_1497 : vector<8x512xf32>
    %min3A_1502 = arith.constant 0.99999988 : f32
    %min3A_1503 = vector.broadcast %min3A_1502 : f32 to vector<8x512xf32>
    %min3A_1504 = arith.minimumf %abs3A_1501, %min3A_1503 : vector<8x512xf32>
    %sub3A_1505 = arith.constant 1.000000e+00 : f32
    %sub3A_1506 = vector.broadcast %sub3A_1505 : f32 to vector<8x512xf32>
    %sub3A_1507 = arith.subf %sub3A_1506, %min3A_1504 : vector<8x512xf32>
    %sqrt3A_1508 = math.sqrt %sub3A_1507 : vector<8x512xf32>
    %mul3A_1509 = arith.constant -1.872930e-02 : f32
    %mul3A_1510 = vector.broadcast %mul3A_1509 : f32 to vector<8x512xf32>
    %mul3A_1511 = arith.mulf %min3A_1504, %mul3A_1510 : vector<8x512xf32>
    %add3A_1512 = arith.constant 7.426100e-02 : f32
    %add3A_1513 = vector.broadcast %add3A_1512 : f32 to vector<8x512xf32>
    %add3A_1514 = arith.addf %add3A_1513, %mul3A_1511 : vector<8x512xf32>
    %mul3A_1515 = arith.mulf %min3A_1504, %add3A_1514 : vector<8x512xf32>
    %add3A_1516 = arith.constant -0.212114394 : f32
    %add3A_1517 = vector.broadcast %add3A_1516 : f32 to vector<8x512xf32>
    %add3A_1518 = arith.addf %add3A_1517, %mul3A_1515 : vector<8x512xf32>
    %mul3A_1519 = arith.mulf %min3A_1504, %add3A_1518 : vector<8x512xf32>
    %add3A_1520 = arith.constant 1.57072878 : f32
    %add3A_1521 = vector.broadcast %add3A_1520 : f32 to vector<8x512xf32>
    %add3A_1522 = arith.addf %add3A_1521, %mul3A_1519 : vector<8x512xf32>
    %mul3A_1523 = arith.mulf %sqrt3A_1508, %add3A_1522 : vector<8x512xf32>
    %reduce_sum3A_1524 = arith.constant dense<0.000000e+00> : vector<512xf32>
    %reduce_sum3A_1525 = vector.multi_reduction <add>, %mul3A_1523, %reduce_sum3A_1524 [0] : vector<8x512xf32> to vector<512xf32>
    %div3A_1526 = arith.constant 8.000000e+00 : f32
    %div3A_1527 = vector.broadcast %div3A_1526 : f32 to vector<512xf32>
    %div3A_1528 = arith.divf %reduce_sum3A_1525, %div3A_1527 : vector<512xf32>
    %swap3A_1529 = arith.constant 0 : index
    %swap3A_1530 = arith.constant 13 : index
    %swap3A_1531 = vector.load %arg3[%swap3A_1529, %swap3A_1530] : memref<512x20xf32, #tpu.memory_space<vmem>>, vector<512x1xf32>
    %swap3A_1532 = vector.shape_cast %swap3A_1531 : vector<512x1xf32> to vector<512xf32>
    %swap3A_1533 = vector.shape_cast %div3A_1528 : vector<512xf32> to vector<512x1xf32>
    tpu.vector_store %arg3[%swap3A_1529, %swap3A_1530], %swap3A_1533 {strides = array<i32>} : memref<512x20xf32, #tpu.memory_space<vmem>>, vector<512x1xf32>,
    %get3A_1534 = arith.constant 0 : index
    %get3A_1535 = arith.constant 448 : index
    %get3A_1536 = vector.load %arg1[%get3A_1534, %get3A_1535] : memref<512x640xf32, #tpu.memory_space<vmem>>, vector<512x32xf32>
    %dot_general3A_1537 = arith.constant dense<0.000000e+00> : vector<32x512xf32>
    %dot_general3A_1538 = tpu.matmul %select_n3A_50, %get3A_1536, %dot_general3A_1537 {dimension_numbers = #tpu.dot_dimension_numbers<[1], [1], [0], [0], [0, 0, 1, 0], [], []>, precision = #tpu.contract_precision<fp32>, transpose_lhs_hint = false} : vector<32x32xf32>, vector<512x32xf32>, vector<32x512xf32> -> vector<32x512xf32>
    %slice3A_1539 = vector.extract_strided_slice %dot_general3A_1538 {offsets = [0, 0], sizes = [8, 512], strides = [1, 1]} : vector<32x512xf32> to vector<8x512xf32>
    %slice3A_1540 = vector.extract_strided_slice %dot_general3A_1538 {offsets = [8, 0], sizes = [8, 512], strides = [1, 1]} : vector<32x512xf32> to vector<8x512xf32>
    %slice3A_1541 = vector.extract_strided_slice %dot_general3A_1538 {offsets = [16, 0], sizes = [8, 512], strides = [1, 1]} : vector<32x512xf32> to vector<8x512xf32>
    %slice3A_1542 = vector.extract_strided_slice %dot_general3A_1538 {offsets = [24, 0], sizes = [8, 512], strides = [1, 1]} : vector<32x512xf32> to vector<8x512xf32>
    %mul3A_1543 = arith.mulf %slice3A_1539, %slice3A_1539 : vector<8x512xf32>
    %mul3A_1544 = arith.mulf %slice3A_1540, %slice3A_1540 : vector<8x512xf32>
    %add3A_1545 = arith.addf %mul3A_1543, %mul3A_1544 : vector<8x512xf32>
    %mul3A_1546 = arith.mulf %slice3A_1541, %slice3A_1541 : vector<8x512xf32>
    %add3A_1547 = arith.addf %add3A_1545, %mul3A_1546 : vector<8x512xf32>
    %mul3A_1548 = arith.mulf %slice3A_1542, %slice3A_1542 : vector<8x512xf32>
    %add3A_1549 = arith.addf %add3A_1547, %mul3A_1548 : vector<8x512xf32>
    %sqrt3A_1550 = math.sqrt %add3A_1549 : vector<8x512xf32>
    %max3A_1551 = arith.constant 9.99999996E-13 : f32
    %max3A_1552 = vector.broadcast %max3A_1551 : f32 to vector<8x512xf32>
    %max3A_1553 = arith.maximumf %sqrt3A_1550, %max3A_1552 : vector<8x512xf32>
    %div3A_1554 = arith.constant 1.000000e+00 : f32
    %div3A_1555 = vector.broadcast %div3A_1554 : f32 to vector<8x512xf32>
    %div3A_1556 = arith.divf %div3A_1555, %max3A_1553 : vector<8x512xf32>
    %mul3A_1557 = arith.mulf %slice3A_1539, %div3A_1556 : vector<8x512xf32>
    %mul3A_1558 = arith.mulf %slice3A_1540, %div3A_1556 : vector<8x512xf32>
    %mul3A_1559 = arith.mulf %slice3A_1541, %div3A_1556 : vector<8x512xf32>
    %mul3A_1560 = arith.mulf %slice3A_1542, %div3A_1556 : vector<8x512xf32>
    %mul3A_1561 = arith.mulf %mul3A_1497, %mul3A_1557 : vector<8x512xf32>
    %mul3A_1562 = arith.mulf %mul3A_1498, %mul3A_1558 : vector<8x512xf32>
    %sub3A_1563 = arith.subf %mul3A_1561, %mul3A_1562 : vector<8x512xf32>
    %mul3A_1564 = arith.mulf %mul3A_1499, %mul3A_1559 : vector<8x512xf32>
    %sub3A_1565 = arith.subf %sub3A_1563, %mul3A_1564 : vector<8x512xf32>
    %mul3A_1566 = arith.mulf %mul3A_1500, %mul3A_1560 : vector<8x512xf32>
    %sub3A_1567 = arith.subf %sub3A_1565, %mul3A_1566 : vector<8x512xf32>
    %mul3A_1568 = arith.mulf %mul3A_1497, %mul3A_1558 : vector<8x512xf32>
    %mul3A_1569 = arith.mulf %mul3A_1498, %mul3A_1557 : vector<8x512xf32>
    %add3A_1570 = arith.addf %mul3A_1568, %mul3A_1569 : vector<8x512xf32>
    %mul3A_1571 = arith.mulf %mul3A_1499, %mul3A_1560 : vector<8x512xf32>
    %add3A_1572 = arith.addf %add3A_1570, %mul3A_1571 : vector<8x512xf32>
    %mul3A_1573 = arith.mulf %mul3A_1500, %mul3A_1559 : vector<8x512xf32>
    %sub3A_1574 = arith.subf %add3A_1572, %mul3A_1573 : vector<8x512xf32>
    %mul3A_1575 = arith.mulf %mul3A_1497, %mul3A_1559 : vector<8x512xf32>
    %mul3A_1576 = arith.mulf %mul3A_1498, %mul3A_1560 : vector<8x512xf32>
    %sub3A_1577 = arith.subf %mul3A_1575, %mul3A_1576 : vector<8x512xf32>
    %mul3A_1578 = arith.mulf %mul3A_1499, %mul3A_1557 : vector<8x512xf32>
    %add3A_1579 = arith.addf %sub3A_1577, %mul3A_1578 : vector<8x512xf32>
    %mul3A_1580 = arith.mulf %mul3A_1500, %mul3A_1558 : vector<8x512xf32>
    %add3A_1581 = arith.addf %add3A_1579, %mul3A_1580 : vector<8x512xf32>
    %mul3A_1582 = arith.mulf %mul3A_1497, %mul3A_1560 : vector<8x512xf32>
    %mul3A_1583 = arith.mulf %mul3A_1498, %mul3A_1559 : vector<8x512xf32>
    %add3A_1584 = arith.addf %mul3A_1582, %mul3A_1583 : vector<8x512xf32>
    %mul3A_1585 = arith.mulf %mul3A_1499, %mul3A_1558 : vector<8x512xf32>
    %sub3A_1586 = arith.subf %add3A_1584, %mul3A_1585 : vector<8x512xf32>
    %mul3A_1587 = arith.mulf %mul3A_1500, %mul3A_1557 : vector<8x512xf32>
    %add3A_1588 = arith.addf %sub3A_1586, %mul3A_1587 : vector<8x512xf32>
    %mul3A_1589 = arith.mulf %sub3A_1567, %sub3A_1567 : vector<8x512xf32>
    %mul3A_1590 = arith.mulf %sub3A_1574, %sub3A_1574 : vector<8x512xf32>
    %add3A_1591 = arith.addf %mul3A_1589, %mul3A_1590 : vector<8x512xf32>
    %mul3A_1592 = arith.mulf %add3A_1581, %add3A_1581 : vector<8x512xf32>
    %add3A_1593 = arith.addf %add3A_1591, %mul3A_1592 : vector<8x512xf32>
    %mul3A_1594 = arith.mulf %add3A_1588, %add3A_1588 : vector<8x512xf32>
    %add3A_1595 = arith.addf %add3A_1593, %mul3A_1594 : vector<8x512xf32>
    %sqrt3A_1596 = math.sqrt %add3A_1595 : vector<8x512xf32>
    %max3A_1597 = arith.constant 9.99999996E-13 : f32
    %max3A_1598 = vector.broadcast %max3A_1597 : f32 to vector<8x512xf32>
    %max3A_1599 = arith.maximumf %sqrt3A_1596, %max3A_1598 : vector<8x512xf32>
    %div3A_1600 = arith.constant 1.000000e+00 : f32
    %div3A_1601 = vector.broadcast %div3A_1600 : f32 to vector<8x512xf32>
    %div3A_1602 = arith.divf %div3A_1601, %max3A_1599 : vector<8x512xf32>
    %mul3A_1603 = arith.mulf %sub3A_1567, %div3A_1602 : vector<8x512xf32>
    %mul3A_1604 = arith.mulf %sub3A_1574, %div3A_1602 : vector<8x512xf32>
    %mul3A_1605 = arith.mulf %add3A_1581, %div3A_1602 : vector<8x512xf32>
    %mul3A_1606 = arith.mulf %add3A_1588, %div3A_1602 : vector<8x512xf32>
    %abs3A_1607 = math.absf %mul3A_1603 : vector<8x512xf32>
    %min3A_1608 = arith.constant 0.99999988 : f32
    %min3A_1609 = vector.broadcast %min3A_1608 : f32 to vector<8x512xf32>
    %min3A_1610 = arith.minimumf %abs3A_1607, %min3A_1609 : vector<8x512xf32>
    %sub3A_1611 = arith.constant 1.000000e+00 : f32
    %sub3A_1612 = vector.broadcast %sub3A_1611 : f32 to vector<8x512xf32>
    %sub3A_1613 = arith.subf %sub3A_1612, %min3A_1610 : vector<8x512xf32>
    %sqrt3A_1614 = math.sqrt %sub3A_1613 : vector<8x512xf32>
    %mul3A_1615 = arith.constant -1.872930e-02 : f32
    %mul3A_1616 = vector.broadcast %mul3A_1615 : f32 to vector<8x512xf32>
    %mul3A_1617 = arith.mulf %min3A_1610, %mul3A_1616 : vector<8x512xf32>
    %add3A_1618 = arith.constant 7.426100e-02 : f32
    %add3A_1619 = vector.broadcast %add3A_1618 : f32 to vector<8x512xf32>
    %add3A_1620 = arith.addf %add3A_1619, %mul3A_1617 : vector<8x512xf32>
    %mul3A_1621 = arith.mulf %min3A_1610, %add3A_1620 : vector<8x512xf32>
    %add3A_1622 = arith.constant -0.212114394 : f32
    %add3A_1623 = vector.broadcast %add3A_1622 : f32 to vector<8x512xf32>
    %add3A_1624 = arith.addf %add3A_1623, %mul3A_1621 : vector<8x512xf32>
    %mul3A_1625 = arith.mulf %min3A_1610, %add3A_1624 : vector<8x512xf32>
    %add3A_1626 = arith.constant 1.57072878 : f32
    %add3A_1627 = vector.broadcast %add3A_1626 : f32 to vector<8x512xf32>
    %add3A_1628 = arith.addf %add3A_1627, %mul3A_1625 : vector<8x512xf32>
    %mul3A_1629 = arith.mulf %sqrt3A_1614, %add3A_1628 : vector<8x512xf32>
    %reduce_sum3A_1630 = arith.constant dense<0.000000e+00> : vector<512xf32>
    %reduce_sum3A_1631 = vector.multi_reduction <add>, %mul3A_1629, %reduce_sum3A_1630 [0] : vector<8x512xf32> to vector<512xf32>
    %div3A_1632 = arith.constant 8.000000e+00 : f32
    %div3A_1633 = vector.broadcast %div3A_1632 : f32 to vector<512xf32>
    %div3A_1634 = arith.divf %reduce_sum3A_1631, %div3A_1633 : vector<512xf32>
    %swap3A_1635 = arith.constant 0 : index
    %swap3A_1636 = arith.constant 14 : index
    %swap3A_1637 = vector.load %arg3[%swap3A_1635, %swap3A_1636] : memref<512x20xf32, #tpu.memory_space<vmem>>, vector<512x1xf32>
    %swap3A_1638 = vector.shape_cast %swap3A_1637 : vector<512x1xf32> to vector<512xf32>
    %swap3A_1639 = vector.shape_cast %div3A_1634 : vector<512xf32> to vector<512x1xf32>
    tpu.vector_store %arg3[%swap3A_1635, %swap3A_1636], %swap3A_1639 {strides = array<i32>} : memref<512x20xf32, #tpu.memory_space<vmem>>, vector<512x1xf32>,
    %get3A_1640 = arith.constant 0 : index
    %get3A_1641 = arith.constant 480 : index
    %get3A_1642 = vector.load %arg1[%get3A_1640, %get3A_1641] : memref<512x640xf32, #tpu.memory_space<vmem>>, vector<512x32xf32>
    %dot_general3A_1643 = arith.constant dense<0.000000e+00> : vector<32x512xf32>
    %dot_general3A_1644 = tpu.matmul %select_n3A_50, %get3A_1642, %dot_general3A_1643 {dimension_numbers = #tpu.dot_dimension_numbers<[1], [1], [0], [0], [0, 0, 1, 0], [], []>, precision = #tpu.contract_precision<fp32>, transpose_lhs_hint = false} : vector<32x32xf32>, vector<512x32xf32>, vector<32x512xf32> -> vector<32x512xf32>
    %slice3A_1645 = vector.extract_strided_slice %dot_general3A_1644 {offsets = [0, 0], sizes = [8, 512], strides = [1, 1]} : vector<32x512xf32> to vector<8x512xf32>
    %slice3A_1646 = vector.extract_strided_slice %dot_general3A_1644 {offsets = [8, 0], sizes = [8, 512], strides = [1, 1]} : vector<32x512xf32> to vector<8x512xf32>
    %slice3A_1647 = vector.extract_strided_slice %dot_general3A_1644 {offsets = [16, 0], sizes = [8, 512], strides = [1, 1]} : vector<32x512xf32> to vector<8x512xf32>
    %slice3A_1648 = vector.extract_strided_slice %dot_general3A_1644 {offsets = [24, 0], sizes = [8, 512], strides = [1, 1]} : vector<32x512xf32> to vector<8x512xf32>
    %mul3A_1649 = arith.mulf %slice3A_1645, %slice3A_1645 : vector<8x512xf32>
    %mul3A_1650 = arith.mulf %slice3A_1646, %slice3A_1646 : vector<8x512xf32>
    %add3A_1651 = arith.addf %mul3A_1649, %mul3A_1650 : vector<8x512xf32>
    %mul3A_1652 = arith.mulf %slice3A_1647, %slice3A_1647 : vector<8x512xf32>
    %add3A_1653 = arith.addf %add3A_1651, %mul3A_1652 : vector<8x512xf32>
    %mul3A_1654 = arith.mulf %slice3A_1648, %slice3A_1648 : vector<8x512xf32>
    %add3A_1655 = arith.addf %add3A_1653, %mul3A_1654 : vector<8x512xf32>
    %sqrt3A_1656 = math.sqrt %add3A_1655 : vector<8x512xf32>
    %max3A_1657 = arith.constant 9.99999996E-13 : f32
    %max3A_1658 = vector.broadcast %max3A_1657 : f32 to vector<8x512xf32>
    %max3A_1659 = arith.maximumf %sqrt3A_1656, %max3A_1658 : vector<8x512xf32>
    %div3A_1660 = arith.constant 1.000000e+00 : f32
    %div3A_1661 = vector.broadcast %div3A_1660 : f32 to vector<8x512xf32>
    %div3A_1662 = arith.divf %div3A_1661, %max3A_1659 : vector<8x512xf32>
    %mul3A_1663 = arith.mulf %slice3A_1645, %div3A_1662 : vector<8x512xf32>
    %mul3A_1664 = arith.mulf %slice3A_1646, %div3A_1662 : vector<8x512xf32>
    %mul3A_1665 = arith.mulf %slice3A_1647, %div3A_1662 : vector<8x512xf32>
    %mul3A_1666 = arith.mulf %slice3A_1648, %div3A_1662 : vector<8x512xf32>
    %mul3A_1667 = arith.mulf %mul3A_1603, %mul3A_1663 : vector<8x512xf32>
    %mul3A_1668 = arith.mulf %mul3A_1604, %mul3A_1664 : vector<8x512xf32>
    %sub3A_1669 = arith.subf %mul3A_1667, %mul3A_1668 : vector<8x512xf32>
    %mul3A_1670 = arith.mulf %mul3A_1605, %mul3A_1665 : vector<8x512xf32>
    %sub3A_1671 = arith.subf %sub3A_1669, %mul3A_1670 : vector<8x512xf32>
    %mul3A_1672 = arith.mulf %mul3A_1606, %mul3A_1666 : vector<8x512xf32>
    %sub3A_1673 = arith.subf %sub3A_1671, %mul3A_1672 : vector<8x512xf32>
    %mul3A_1674 = arith.mulf %mul3A_1603, %mul3A_1664 : vector<8x512xf32>
    %mul3A_1675 = arith.mulf %mul3A_1604, %mul3A_1663 : vector<8x512xf32>
    %add3A_1676 = arith.addf %mul3A_1674, %mul3A_1675 : vector<8x512xf32>
    %mul3A_1677 = arith.mulf %mul3A_1605, %mul3A_1666 : vector<8x512xf32>
    %add3A_1678 = arith.addf %add3A_1676, %mul3A_1677 : vector<8x512xf32>
    %mul3A_1679 = arith.mulf %mul3A_1606, %mul3A_1665 : vector<8x512xf32>
    %sub3A_1680 = arith.subf %add3A_1678, %mul3A_1679 : vector<8x512xf32>
    %mul3A_1681 = arith.mulf %mul3A_1603, %mul3A_1665 : vector<8x512xf32>
    %mul3A_1682 = arith.mulf %mul3A_1604, %mul3A_1666 : vector<8x512xf32>
    %sub3A_1683 = arith.subf %mul3A_1681, %mul3A_1682 : vector<8x512xf32>
    %mul3A_1684 = arith.mulf %mul3A_1605, %mul3A_1663 : vector<8x512xf32>
    %add3A_1685 = arith.addf %sub3A_1683, %mul3A_1684 : vector<8x512xf32>
    %mul3A_1686 = arith.mulf %mul3A_1606, %mul3A_1664 : vector<8x512xf32>
    %add3A_1687 = arith.addf %add3A_1685, %mul3A_1686 : vector<8x512xf32>
    %mul3A_1688 = arith.mulf %mul3A_1603, %mul3A_1666 : vector<8x512xf32>
    %mul3A_1689 = arith.mulf %mul3A_1604, %mul3A_1665 : vector<8x512xf32>
    %add3A_1690 = arith.addf %mul3A_1688, %mul3A_1689 : vector<8x512xf32>
    %mul3A_1691 = arith.mulf %mul3A_1605, %mul3A_1664 : vector<8x512xf32>
    %sub3A_1692 = arith.subf %add3A_1690, %mul3A_1691 : vector<8x512xf32>
    %mul3A_1693 = arith.mulf %mul3A_1606, %mul3A_1663 : vector<8x512xf32>
    %add3A_1694 = arith.addf %sub3A_1692, %mul3A_1693 : vector<8x512xf32>
    %mul3A_1695 = arith.mulf %sub3A_1673, %sub3A_1673 : vector<8x512xf32>
    %mul3A_1696 = arith.mulf %sub3A_1680, %sub3A_1680 : vector<8x512xf32>
    %add3A_1697 = arith.addf %mul3A_1695, %mul3A_1696 : vector<8x512xf32>
    %mul3A_1698 = arith.mulf %add3A_1687, %add3A_1687 : vector<8x512xf32>
    %add3A_1699 = arith.addf %add3A_1697, %mul3A_1698 : vector<8x512xf32>
    %mul3A_1700 = arith.mulf %add3A_1694, %add3A_1694 : vector<8x512xf32>
    %add3A_1701 = arith.addf %add3A_1699, %mul3A_1700 : vector<8x512xf32>
    %sqrt3A_1702 = math.sqrt %add3A_1701 : vector<8x512xf32>
    %max3A_1703 = arith.constant 9.99999996E-13 : f32
    %max3A_1704 = vector.broadcast %max3A_1703 : f32 to vector<8x512xf32>
    %max3A_1705 = arith.maximumf %sqrt3A_1702, %max3A_1704 : vector<8x512xf32>
    %div3A_1706 = arith.constant 1.000000e+00 : f32
    %div3A_1707 = vector.broadcast %div3A_1706 : f32 to vector<8x512xf32>
    %div3A_1708 = arith.divf %div3A_1707, %max3A_1705 : vector<8x512xf32>
    %mul3A_1709 = arith.mulf %sub3A_1673, %div3A_1708 : vector<8x512xf32>
    %mul3A_1710 = arith.mulf %sub3A_1680, %div3A_1708 : vector<8x512xf32>
    %mul3A_1711 = arith.mulf %add3A_1687, %div3A_1708 : vector<8x512xf32>
    %mul3A_1712 = arith.mulf %add3A_1694, %div3A_1708 : vector<8x512xf32>
    %abs3A_1713 = math.absf %mul3A_1709 : vector<8x512xf32>
    %min3A_1714 = arith.constant 0.99999988 : f32
    %min3A_1715 = vector.broadcast %min3A_1714 : f32 to vector<8x512xf32>
    %min3A_1716 = arith.minimumf %abs3A_1713, %min3A_1715 : vector<8x512xf32>
    %sub3A_1717 = arith.constant 1.000000e+00 : f32
    %sub3A_1718 = vector.broadcast %sub3A_1717 : f32 to vector<8x512xf32>
    %sub3A_1719 = arith.subf %sub3A_1718, %min3A_1716 : vector<8x512xf32>
    %sqrt3A_1720 = math.sqrt %sub3A_1719 : vector<8x512xf32>
    %mul3A_1721 = arith.constant -1.872930e-02 : f32
    %mul3A_1722 = vector.broadcast %mul3A_1721 : f32 to vector<8x512xf32>
    %mul3A_1723 = arith.mulf %min3A_1716, %mul3A_1722 : vector<8x512xf32>
    %add3A_1724 = arith.constant 7.426100e-02 : f32
    %add3A_1725 = vector.broadcast %add3A_1724 : f32 to vector<8x512xf32>
    %add3A_1726 = arith.addf %add3A_1725, %mul3A_1723 : vector<8x512xf32>
    %mul3A_1727 = arith.mulf %min3A_1716, %add3A_1726 : vector<8x512xf32>
    %add3A_1728 = arith.constant -0.212114394 : f32
    %add3A_1729 = vector.broadcast %add3A_1728 : f32 to vector<8x512xf32>
    %add3A_1730 = arith.addf %add3A_1729, %mul3A_1727 : vector<8x512xf32>
    %mul3A_1731 = arith.mulf %min3A_1716, %add3A_1730 : vector<8x512xf32>
    %add3A_1732 = arith.constant 1.57072878 : f32
    %add3A_1733 = vector.broadcast %add3A_1732 : f32 to vector<8x512xf32>
    %add3A_1734 = arith.addf %add3A_1733, %mul3A_1731 : vector<8x512xf32>
    %mul3A_1735 = arith.mulf %sqrt3A_1720, %add3A_1734 : vector<8x512xf32>
    %reduce_sum3A_1736 = arith.constant dense<0.000000e+00> : vector<512xf32>
    %reduce_sum3A_1737 = vector.multi_reduction <add>, %mul3A_1735, %reduce_sum3A_1736 [0] : vector<8x512xf32> to vector<512xf32>
    %div3A_1738 = arith.constant 8.000000e+00 : f32
    %div3A_1739 = vector.broadcast %div3A_1738 : f32 to vector<512xf32>
    %div3A_1740 = arith.divf %reduce_sum3A_1737, %div3A_1739 : vector<512xf32>
    %swap3A_1741 = arith.constant 0 : index
    %swap3A_1742 = arith.constant 15 : index
    %swap3A_1743 = vector.load %arg3[%swap3A_1741, %swap3A_1742] : memref<512x20xf32, #tpu.memory_space<vmem>>, vector<512x1xf32>
    %swap3A_1744 = vector.shape_cast %swap3A_1743 : vector<512x1xf32> to vector<512xf32>
    %swap3A_1745 = vector.shape_cast %div3A_1740 : vector<512xf32> to vector<512x1xf32>
    tpu.vector_store %arg3[%swap3A_1741, %swap3A_1742], %swap3A_1745 {strides = array<i32>} : memref<512x20xf32, #tpu.memory_space<vmem>>, vector<512x1xf32>,
    %get3A_1746 = arith.constant 0 : index
    %get3A_1747 = arith.constant 512 : index
    %get3A_1748 = vector.load %arg1[%get3A_1746, %get3A_1747] : memref<512x640xf32, #tpu.memory_space<vmem>>, vector<512x32xf32>
    %dot_general3A_1749 = arith.constant dense<0.000000e+00> : vector<32x512xf32>
    %dot_general3A_1750 = tpu.matmul %select_n3A_50, %get3A_1748, %dot_general3A_1749 {dimension_numbers = #tpu.dot_dimension_numbers<[1], [1], [0], [0], [0, 0, 1, 0], [], []>, precision = #tpu.contract_precision<fp32>, transpose_lhs_hint = false} : vector<32x32xf32>, vector<512x32xf32>, vector<32x512xf32> -> vector<32x512xf32>
    %slice3A_1751 = vector.extract_strided_slice %dot_general3A_1750 {offsets = [0, 0], sizes = [8, 512], strides = [1, 1]} : vector<32x512xf32> to vector<8x512xf32>
    %slice3A_1752 = vector.extract_strided_slice %dot_general3A_1750 {offsets = [8, 0], sizes = [8, 512], strides = [1, 1]} : vector<32x512xf32> to vector<8x512xf32>
    %slice3A_1753 = vector.extract_strided_slice %dot_general3A_1750 {offsets = [16, 0], sizes = [8, 512], strides = [1, 1]} : vector<32x512xf32> to vector<8x512xf32>
    %slice3A_1754 = vector.extract_strided_slice %dot_general3A_1750 {offsets = [24, 0], sizes = [8, 512], strides = [1, 1]} : vector<32x512xf32> to vector<8x512xf32>
    %mul3A_1755 = arith.mulf %slice3A_1751, %slice3A_1751 : vector<8x512xf32>
    %mul3A_1756 = arith.mulf %slice3A_1752, %slice3A_1752 : vector<8x512xf32>
    %add3A_1757 = arith.addf %mul3A_1755, %mul3A_1756 : vector<8x512xf32>
    %mul3A_1758 = arith.mulf %slice3A_1753, %slice3A_1753 : vector<8x512xf32>
    %add3A_1759 = arith.addf %add3A_1757, %mul3A_1758 : vector<8x512xf32>
    %mul3A_1760 = arith.mulf %slice3A_1754, %slice3A_1754 : vector<8x512xf32>
    %add3A_1761 = arith.addf %add3A_1759, %mul3A_1760 : vector<8x512xf32>
    %sqrt3A_1762 = math.sqrt %add3A_1761 : vector<8x512xf32>
    %max3A_1763 = arith.constant 9.99999996E-13 : f32
    %max3A_1764 = vector.broadcast %max3A_1763 : f32 to vector<8x512xf32>
    %max3A_1765 = arith.maximumf %sqrt3A_1762, %max3A_1764 : vector<8x512xf32>
    %div3A_1766 = arith.constant 1.000000e+00 : f32
    %div3A_1767 = vector.broadcast %div3A_1766 : f32 to vector<8x512xf32>
    %div3A_1768 = arith.divf %div3A_1767, %max3A_1765 : vector<8x512xf32>
    %mul3A_1769 = arith.mulf %slice3A_1751, %div3A_1768 : vector<8x512xf32>
    %mul3A_1770 = arith.mulf %slice3A_1752, %div3A_1768 : vector<8x512xf32>
    %mul3A_1771 = arith.mulf %slice3A_1753, %div3A_1768 : vector<8x512xf32>
    %mul3A_1772 = arith.mulf %slice3A_1754, %div3A_1768 : vector<8x512xf32>
    %mul3A_1773 = arith.mulf %mul3A_1709, %mul3A_1769 : vector<8x512xf32>
    %mul3A_1774 = arith.mulf %mul3A_1710, %mul3A_1770 : vector<8x512xf32>
    %sub3A_1775 = arith.subf %mul3A_1773, %mul3A_1774 : vector<8x512xf32>
    %mul3A_1776 = arith.mulf %mul3A_1711, %mul3A_1771 : vector<8x512xf32>
    %sub3A_1777 = arith.subf %sub3A_1775, %mul3A_1776 : vector<8x512xf32>
    %mul3A_1778 = arith.mulf %mul3A_1712, %mul3A_1772 : vector<8x512xf32>
    %sub3A_1779 = arith.subf %sub3A_1777, %mul3A_1778 : vector<8x512xf32>
    %mul3A_1780 = arith.mulf %mul3A_1709, %mul3A_1770 : vector<8x512xf32>
    %mul3A_1781 = arith.mulf %mul3A_1710, %mul3A_1769 : vector<8x512xf32>
    %add3A_1782 = arith.addf %mul3A_1780, %mul3A_1781 : vector<8x512xf32>
    %mul3A_1783 = arith.mulf %mul3A_1711, %mul3A_1772 : vector<8x512xf32>
    %add3A_1784 = arith.addf %add3A_1782, %mul3A_1783 : vector<8x512xf32>
    %mul3A_1785 = arith.mulf %mul3A_1712, %mul3A_1771 : vector<8x512xf32>
    %sub3A_1786 = arith.subf %add3A_1784, %mul3A_1785 : vector<8x512xf32>
    %mul3A_1787 = arith.mulf %mul3A_1709, %mul3A_1771 : vector<8x512xf32>
    %mul3A_1788 = arith.mulf %mul3A_1710, %mul3A_1772 : vector<8x512xf32>
    %sub3A_1789 = arith.subf %mul3A_1787, %mul3A_1788 : vector<8x512xf32>
    %mul3A_1790 = arith.mulf %mul3A_1711, %mul3A_1769 : vector<8x512xf32>
    %add3A_1791 = arith.addf %sub3A_1789, %mul3A_1790 : vector<8x512xf32>
    %mul3A_1792 = arith.mulf %mul3A_1712, %mul3A_1770 : vector<8x512xf32>
    %add3A_1793 = arith.addf %add3A_1791, %mul3A_1792 : vector<8x512xf32>
    %mul3A_1794 = arith.mulf %mul3A_1709, %mul3A_1772 : vector<8x512xf32>
    %mul3A_1795 = arith.mulf %mul3A_1710, %mul3A_1771 : vector<8x512xf32>
    %add3A_1796 = arith.addf %mul3A_1794, %mul3A_1795 : vector<8x512xf32>
    %mul3A_1797 = arith.mulf %mul3A_1711, %mul3A_1770 : vector<8x512xf32>
    %sub3A_1798 = arith.subf %add3A_1796, %mul3A_1797 : vector<8x512xf32>
    %mul3A_1799 = arith.mulf %mul3A_1712, %mul3A_1769 : vector<8x512xf32>
    %add3A_1800 = arith.addf %sub3A_1798, %mul3A_1799 : vector<8x512xf32>
    %mul3A_1801 = arith.mulf %sub3A_1779, %sub3A_1779 : vector<8x512xf32>
    %mul3A_1802 = arith.mulf %sub3A_1786, %sub3A_1786 : vector<8x512xf32>
    %add3A_1803 = arith.addf %mul3A_1801, %mul3A_1802 : vector<8x512xf32>
    %mul3A_1804 = arith.mulf %add3A_1793, %add3A_1793 : vector<8x512xf32>
    %add3A_1805 = arith.addf %add3A_1803, %mul3A_1804 : vector<8x512xf32>
    %mul3A_1806 = arith.mulf %add3A_1800, %add3A_1800 : vector<8x512xf32>
    %add3A_1807 = arith.addf %add3A_1805, %mul3A_1806 : vector<8x512xf32>
    %sqrt3A_1808 = math.sqrt %add3A_1807 : vector<8x512xf32>
    %max3A_1809 = arith.constant 9.99999996E-13 : f32
    %max3A_1810 = vector.broadcast %max3A_1809 : f32 to vector<8x512xf32>
    %max3A_1811 = arith.maximumf %sqrt3A_1808, %max3A_1810 : vector<8x512xf32>
    %div3A_1812 = arith.constant 1.000000e+00 : f32
    %div3A_1813 = vector.broadcast %div3A_1812 : f32 to vector<8x512xf32>
    %div3A_1814 = arith.divf %div3A_1813, %max3A_1811 : vector<8x512xf32>
    %mul3A_1815 = arith.mulf %sub3A_1779, %div3A_1814 : vector<8x512xf32>
    %mul3A_1816 = arith.mulf %sub3A_1786, %div3A_1814 : vector<8x512xf32>
    %mul3A_1817 = arith.mulf %add3A_1793, %div3A_1814 : vector<8x512xf32>
    %mul3A_1818 = arith.mulf %add3A_1800, %div3A_1814 : vector<8x512xf32>
    %abs3A_1819 = math.absf %mul3A_1815 : vector<8x512xf32>
    %min3A_1820 = arith.constant 0.99999988 : f32
    %min3A_1821 = vector.broadcast %min3A_1820 : f32 to vector<8x512xf32>
    %min3A_1822 = arith.minimumf %abs3A_1819, %min3A_1821 : vector<8x512xf32>
    %sub3A_1823 = arith.constant 1.000000e+00 : f32
    %sub3A_1824 = vector.broadcast %sub3A_1823 : f32 to vector<8x512xf32>
    %sub3A_1825 = arith.subf %sub3A_1824, %min3A_1822 : vector<8x512xf32>
    %sqrt3A_1826 = math.sqrt %sub3A_1825 : vector<8x512xf32>
    %mul3A_1827 = arith.constant -1.872930e-02 : f32
    %mul3A_1828 = vector.broadcast %mul3A_1827 : f32 to vector<8x512xf32>
    %mul3A_1829 = arith.mulf %min3A_1822, %mul3A_1828 : vector<8x512xf32>
    %add3A_1830 = arith.constant 7.426100e-02 : f32
    %add3A_1831 = vector.broadcast %add3A_1830 : f32 to vector<8x512xf32>
    %add3A_1832 = arith.addf %add3A_1831, %mul3A_1829 : vector<8x512xf32>
    %mul3A_1833 = arith.mulf %min3A_1822, %add3A_1832 : vector<8x512xf32>
    %add3A_1834 = arith.constant -0.212114394 : f32
    %add3A_1835 = vector.broadcast %add3A_1834 : f32 to vector<8x512xf32>
    %add3A_1836 = arith.addf %add3A_1835, %mul3A_1833 : vector<8x512xf32>
    %mul3A_1837 = arith.mulf %min3A_1822, %add3A_1836 : vector<8x512xf32>
    %add3A_1838 = arith.constant 1.57072878 : f32
    %add3A_1839 = vector.broadcast %add3A_1838 : f32 to vector<8x512xf32>
    %add3A_1840 = arith.addf %add3A_1839, %mul3A_1837 : vector<8x512xf32>
    %mul3A_1841 = arith.mulf %sqrt3A_1826, %add3A_1840 : vector<8x512xf32>
    %reduce_sum3A_1842 = arith.constant dense<0.000000e+00> : vector<512xf32>
    %reduce_sum3A_1843 = vector.multi_reduction <add>, %mul3A_1841, %reduce_sum3A_1842 [0] : vector<8x512xf32> to vector<512xf32>
    %div3A_1844 = arith.constant 8.000000e+00 : f32
    %div3A_1845 = vector.broadcast %div3A_1844 : f32 to vector<512xf32>
    %div3A_1846 = arith.divf %reduce_sum3A_1843, %div3A_1845 : vector<512xf32>
    %swap3A_1847 = arith.constant 0 : index
    %swap3A_1848 = arith.constant 16 : index
    %swap3A_1849 = vector.load %arg3[%swap3A_1847, %swap3A_1848] : memref<512x20xf32, #tpu.memory_space<vmem>>, vector<512x1xf32>
    %swap3A_1850 = vector.shape_cast %swap3A_1849 : vector<512x1xf32> to vector<512xf32>
    %swap3A_1851 = vector.shape_cast %div3A_1846 : vector<512xf32> to vector<512x1xf32>
    tpu.vector_store %arg3[%swap3A_1847, %swap3A_1848], %swap3A_1851 {strides = array<i32>} : memref<512x20xf32, #tpu.memory_space<vmem>>, vector<512x1xf32>,
    %get3A_1852 = arith.constant 0 : index
    %get3A_1853 = arith.constant 544 : index
    %get3A_1854 = vector.load %arg1[%get3A_1852, %get3A_1853] : memref<512x640xf32, #tpu.memory_space<vmem>>, vector<512x32xf32>
    %dot_general3A_1855 = arith.constant dense<0.000000e+00> : vector<32x512xf32>
    %dot_general3A_1856 = tpu.matmul %select_n3A_50, %get3A_1854, %dot_general3A_1855 {dimension_numbers = #tpu.dot_dimension_numbers<[1], [1], [0], [0], [0, 0, 1, 0], [], []>, precision = #tpu.contract_precision<fp32>, transpose_lhs_hint = false} : vector<32x32xf32>, vector<512x32xf32>, vector<32x512xf32> -> vector<32x512xf32>
    %slice3A_1857 = vector.extract_strided_slice %dot_general3A_1856 {offsets = [0, 0], sizes = [8, 512], strides = [1, 1]} : vector<32x512xf32> to vector<8x512xf32>
    %slice3A_1858 = vector.extract_strided_slice %dot_general3A_1856 {offsets = [8, 0], sizes = [8, 512], strides = [1, 1]} : vector<32x512xf32> to vector<8x512xf32>
    %slice3A_1859 = vector.extract_strided_slice %dot_general3A_1856 {offsets = [16, 0], sizes = [8, 512], strides = [1, 1]} : vector<32x512xf32> to vector<8x512xf32>
    %slice3A_1860 = vector.extract_strided_slice %dot_general3A_1856 {offsets = [24, 0], sizes = [8, 512], strides = [1, 1]} : vector<32x512xf32> to vector<8x512xf32>
    %mul3A_1861 = arith.mulf %slice3A_1857, %slice3A_1857 : vector<8x512xf32>
    %mul3A_1862 = arith.mulf %slice3A_1858, %slice3A_1858 : vector<8x512xf32>
    %add3A_1863 = arith.addf %mul3A_1861, %mul3A_1862 : vector<8x512xf32>
    %mul3A_1864 = arith.mulf %slice3A_1859, %slice3A_1859 : vector<8x512xf32>
    %add3A_1865 = arith.addf %add3A_1863, %mul3A_1864 : vector<8x512xf32>
    %mul3A_1866 = arith.mulf %slice3A_1860, %slice3A_1860 : vector<8x512xf32>
    %add3A_1867 = arith.addf %add3A_1865, %mul3A_1866 : vector<8x512xf32>
    %sqrt3A_1868 = math.sqrt %add3A_1867 : vector<8x512xf32>
    %max3A_1869 = arith.constant 9.99999996E-13 : f32
    %max3A_1870 = vector.broadcast %max3A_1869 : f32 to vector<8x512xf32>
    %max3A_1871 = arith.maximumf %sqrt3A_1868, %max3A_1870 : vector<8x512xf32>
    %div3A_1872 = arith.constant 1.000000e+00 : f32
    %div3A_1873 = vector.broadcast %div3A_1872 : f32 to vector<8x512xf32>
    %div3A_1874 = arith.divf %div3A_1873, %max3A_1871 : vector<8x512xf32>
    %mul3A_1875 = arith.mulf %slice3A_1857, %div3A_1874 : vector<8x512xf32>
    %mul3A_1876 = arith.mulf %slice3A_1858, %div3A_1874 : vector<8x512xf32>
    %mul3A_1877 = arith.mulf %slice3A_1859, %div3A_1874 : vector<8x512xf32>
    %mul3A_1878 = arith.mulf %slice3A_1860, %div3A_1874 : vector<8x512xf32>
    %mul3A_1879 = arith.mulf %mul3A_1815, %mul3A_1875 : vector<8x512xf32>
    %mul3A_1880 = arith.mulf %mul3A_1816, %mul3A_1876 : vector<8x512xf32>
    %sub3A_1881 = arith.subf %mul3A_1879, %mul3A_1880 : vector<8x512xf32>
    %mul3A_1882 = arith.mulf %mul3A_1817, %mul3A_1877 : vector<8x512xf32>
    %sub3A_1883 = arith.subf %sub3A_1881, %mul3A_1882 : vector<8x512xf32>
    %mul3A_1884 = arith.mulf %mul3A_1818, %mul3A_1878 : vector<8x512xf32>
    %sub3A_1885 = arith.subf %sub3A_1883, %mul3A_1884 : vector<8x512xf32>
    %mul3A_1886 = arith.mulf %mul3A_1815, %mul3A_1876 : vector<8x512xf32>
    %mul3A_1887 = arith.mulf %mul3A_1816, %mul3A_1875 : vector<8x512xf32>
    %add3A_1888 = arith.addf %mul3A_1886, %mul3A_1887 : vector<8x512xf32>
    %mul3A_1889 = arith.mulf %mul3A_1817, %mul3A_1878 : vector<8x512xf32>
    %add3A_1890 = arith.addf %add3A_1888, %mul3A_1889 : vector<8x512xf32>
    %mul3A_1891 = arith.mulf %mul3A_1818, %mul3A_1877 : vector<8x512xf32>
    %sub3A_1892 = arith.subf %add3A_1890, %mul3A_1891 : vector<8x512xf32>
    %mul3A_1893 = arith.mulf %mul3A_1815, %mul3A_1877 : vector<8x512xf32>
    %mul3A_1894 = arith.mulf %mul3A_1816, %mul3A_1878 : vector<8x512xf32>
    %sub3A_1895 = arith.subf %mul3A_1893, %mul3A_1894 : vector<8x512xf32>
    %mul3A_1896 = arith.mulf %mul3A_1817, %mul3A_1875 : vector<8x512xf32>
    %add3A_1897 = arith.addf %sub3A_1895, %mul3A_1896 : vector<8x512xf32>
    %mul3A_1898 = arith.mulf %mul3A_1818, %mul3A_1876 : vector<8x512xf32>
    %add3A_1899 = arith.addf %add3A_1897, %mul3A_1898 : vector<8x512xf32>
    %mul3A_1900 = arith.mulf %mul3A_1815, %mul3A_1878 : vector<8x512xf32>
    %mul3A_1901 = arith.mulf %mul3A_1816, %mul3A_1877 : vector<8x512xf32>
    %add3A_1902 = arith.addf %mul3A_1900, %mul3A_1901 : vector<8x512xf32>
    %mul3A_1903 = arith.mulf %mul3A_1817, %mul3A_1876 : vector<8x512xf32>
    %sub3A_1904 = arith.subf %add3A_1902, %mul3A_1903 : vector<8x512xf32>
    %mul3A_1905 = arith.mulf %mul3A_1818, %mul3A_1875 : vector<8x512xf32>
    %add3A_1906 = arith.addf %sub3A_1904, %mul3A_1905 : vector<8x512xf32>
    %mul3A_1907 = arith.mulf %sub3A_1885, %sub3A_1885 : vector<8x512xf32>
    %mul3A_1908 = arith.mulf %sub3A_1892, %sub3A_1892 : vector<8x512xf32>
    %add3A_1909 = arith.addf %mul3A_1907, %mul3A_1908 : vector<8x512xf32>
    %mul3A_1910 = arith.mulf %add3A_1899, %add3A_1899 : vector<8x512xf32>
    %add3A_1911 = arith.addf %add3A_1909, %mul3A_1910 : vector<8x512xf32>
    %mul3A_1912 = arith.mulf %add3A_1906, %add3A_1906 : vector<8x512xf32>
    %add3A_1913 = arith.addf %add3A_1911, %mul3A_1912 : vector<8x512xf32>
    %sqrt3A_1914 = math.sqrt %add3A_1913 : vector<8x512xf32>
    %max3A_1915 = arith.constant 9.99999996E-13 : f32
    %max3A_1916 = vector.broadcast %max3A_1915 : f32 to vector<8x512xf32>
    %max3A_1917 = arith.maximumf %sqrt3A_1914, %max3A_1916 : vector<8x512xf32>
    %div3A_1918 = arith.constant 1.000000e+00 : f32
    %div3A_1919 = vector.broadcast %div3A_1918 : f32 to vector<8x512xf32>
    %div3A_1920 = arith.divf %div3A_1919, %max3A_1917 : vector<8x512xf32>
    %mul3A_1921 = arith.mulf %sub3A_1885, %div3A_1920 : vector<8x512xf32>
    %mul3A_1922 = arith.mulf %sub3A_1892, %div3A_1920 : vector<8x512xf32>
    %mul3A_1923 = arith.mulf %add3A_1899, %div3A_1920 : vector<8x512xf32>
    %mul3A_1924 = arith.mulf %add3A_1906, %div3A_1920 : vector<8x512xf32>
    %abs3A_1925 = math.absf %mul3A_1921 : vector<8x512xf32>
    %min3A_1926 = arith.constant 0.99999988 : f32
    %min3A_1927 = vector.broadcast %min3A_1926 : f32 to vector<8x512xf32>
    %min3A_1928 = arith.minimumf %abs3A_1925, %min3A_1927 : vector<8x512xf32>
    %sub3A_1929 = arith.constant 1.000000e+00 : f32
    %sub3A_1930 = vector.broadcast %sub3A_1929 : f32 to vector<8x512xf32>
    %sub3A_1931 = arith.subf %sub3A_1930, %min3A_1928 : vector<8x512xf32>
    %sqrt3A_1932 = math.sqrt %sub3A_1931 : vector<8x512xf32>
    %mul3A_1933 = arith.constant -1.872930e-02 : f32
    %mul3A_1934 = vector.broadcast %mul3A_1933 : f32 to vector<8x512xf32>
    %mul3A_1935 = arith.mulf %min3A_1928, %mul3A_1934 : vector<8x512xf32>
    %add3A_1936 = arith.constant 7.426100e-02 : f32
    %add3A_1937 = vector.broadcast %add3A_1936 : f32 to vector<8x512xf32>
    %add3A_1938 = arith.addf %add3A_1937, %mul3A_1935 : vector<8x512xf32>
    %mul3A_1939 = arith.mulf %min3A_1928, %add3A_1938 : vector<8x512xf32>
    %add3A_1940 = arith.constant -0.212114394 : f32
    %add3A_1941 = vector.broadcast %add3A_1940 : f32 to vector<8x512xf32>
    %add3A_1942 = arith.addf %add3A_1941, %mul3A_1939 : vector<8x512xf32>
    %mul3A_1943 = arith.mulf %min3A_1928, %add3A_1942 : vector<8x512xf32>
    %add3A_1944 = arith.constant 1.57072878 : f32
    %add3A_1945 = vector.broadcast %add3A_1944 : f32 to vector<8x512xf32>
    %add3A_1946 = arith.addf %add3A_1945, %mul3A_1943 : vector<8x512xf32>
    %mul3A_1947 = arith.mulf %sqrt3A_1932, %add3A_1946 : vector<8x512xf32>
    %reduce_sum3A_1948 = arith.constant dense<0.000000e+00> : vector<512xf32>
    %reduce_sum3A_1949 = vector.multi_reduction <add>, %mul3A_1947, %reduce_sum3A_1948 [0] : vector<8x512xf32> to vector<512xf32>
    %div3A_1950 = arith.constant 8.000000e+00 : f32
    %div3A_1951 = vector.broadcast %div3A_1950 : f32 to vector<512xf32>
    %div3A_1952 = arith.divf %reduce_sum3A_1949, %div3A_1951 : vector<512xf32>
    %swap3A_1953 = arith.constant 0 : index
    %swap3A_1954 = arith.constant 17 : index
    %swap3A_1955 = vector.load %arg3[%swap3A_1953, %swap3A_1954] : memref<512x20xf32, #tpu.memory_space<vmem>>, vector<512x1xf32>
    %swap3A_1956 = vector.shape_cast %swap3A_1955 : vector<512x1xf32> to vector<512xf32>
    %swap3A_1957 = vector.shape_cast %div3A_1952 : vector<512xf32> to vector<512x1xf32>
    tpu.vector_store %arg3[%swap3A_1953, %swap3A_1954], %swap3A_1957 {strides = array<i32>} : memref<512x20xf32, #tpu.memory_space<vmem>>, vector<512x1xf32>,
    %get3A_1958 = arith.constant 0 : index
    %get3A_1959 = arith.constant 576 : index
    %get3A_1960 = vector.load %arg1[%get3A_1958, %get3A_1959] : memref<512x640xf32, #tpu.memory_space<vmem>>, vector<512x32xf32>
    %dot_general3A_1961 = arith.constant dense<0.000000e+00> : vector<32x512xf32>
    %dot_general3A_1962 = tpu.matmul %select_n3A_50, %get3A_1960, %dot_general3A_1961 {dimension_numbers = #tpu.dot_dimension_numbers<[1], [1], [0], [0], [0, 0, 1, 0], [], []>, precision = #tpu.contract_precision<fp32>, transpose_lhs_hint = false} : vector<32x32xf32>, vector<512x32xf32>, vector<32x512xf32> -> vector<32x512xf32>
    %slice3A_1963 = vector.extract_strided_slice %dot_general3A_1962 {offsets = [0, 0], sizes = [8, 512], strides = [1, 1]} : vector<32x512xf32> to vector<8x512xf32>
    %slice3A_1964 = vector.extract_strided_slice %dot_general3A_1962 {offsets = [8, 0], sizes = [8, 512], strides = [1, 1]} : vector<32x512xf32> to vector<8x512xf32>
    %slice3A_1965 = vector.extract_strided_slice %dot_general3A_1962 {offsets = [16, 0], sizes = [8, 512], strides = [1, 1]} : vector<32x512xf32> to vector<8x512xf32>
    %slice3A_1966 = vector.extract_strided_slice %dot_general3A_1962 {offsets = [24, 0], sizes = [8, 512], strides = [1, 1]} : vector<32x512xf32> to vector<8x512xf32>
    %mul3A_1967 = arith.mulf %slice3A_1963, %slice3A_1963 : vector<8x512xf32>
    %mul3A_1968 = arith.mulf %slice3A_1964, %slice3A_1964 : vector<8x512xf32>
    %add3A_1969 = arith.addf %mul3A_1967, %mul3A_1968 : vector<8x512xf32>
    %mul3A_1970 = arith.mulf %slice3A_1965, %slice3A_1965 : vector<8x512xf32>
    %add3A_1971 = arith.addf %add3A_1969, %mul3A_1970 : vector<8x512xf32>
    %mul3A_1972 = arith.mulf %slice3A_1966, %slice3A_1966 : vector<8x512xf32>
    %add3A_1973 = arith.addf %add3A_1971, %mul3A_1972 : vector<8x512xf32>
    %sqrt3A_1974 = math.sqrt %add3A_1973 : vector<8x512xf32>
    %max3A_1975 = arith.constant 9.99999996E-13 : f32
    %max3A_1976 = vector.broadcast %max3A_1975 : f32 to vector<8x512xf32>
    %max3A_1977 = arith.maximumf %sqrt3A_1974, %max3A_1976 : vector<8x512xf32>
    %div3A_1978 = arith.constant 1.000000e+00 : f32
    %div3A_1979 = vector.broadcast %div3A_1978 : f32 to vector<8x512xf32>
    %div3A_1980 = arith.divf %div3A_1979, %max3A_1977 : vector<8x512xf32>
    %mul3A_1981 = arith.mulf %slice3A_1963, %div3A_1980 : vector<8x512xf32>
    %mul3A_1982 = arith.mulf %slice3A_1964, %div3A_1980 : vector<8x512xf32>
    %mul3A_1983 = arith.mulf %slice3A_1965, %div3A_1980 : vector<8x512xf32>
    %mul3A_1984 = arith.mulf %slice3A_1966, %div3A_1980 : vector<8x512xf32>
    %mul3A_1985 = arith.mulf %mul3A_1921, %mul3A_1981 : vector<8x512xf32>
    %mul3A_1986 = arith.mulf %mul3A_1922, %mul3A_1982 : vector<8x512xf32>
    %sub3A_1987 = arith.subf %mul3A_1985, %mul3A_1986 : vector<8x512xf32>
    %mul3A_1988 = arith.mulf %mul3A_1923, %mul3A_1983 : vector<8x512xf32>
    %sub3A_1989 = arith.subf %sub3A_1987, %mul3A_1988 : vector<8x512xf32>
    %mul3A_1990 = arith.mulf %mul3A_1924, %mul3A_1984 : vector<8x512xf32>
    %sub3A_1991 = arith.subf %sub3A_1989, %mul3A_1990 : vector<8x512xf32>
    %mul3A_1992 = arith.mulf %mul3A_1921, %mul3A_1982 : vector<8x512xf32>
    %mul3A_1993 = arith.mulf %mul3A_1922, %mul3A_1981 : vector<8x512xf32>
    %add3A_1994 = arith.addf %mul3A_1992, %mul3A_1993 : vector<8x512xf32>
    %mul3A_1995 = arith.mulf %mul3A_1923, %mul3A_1984 : vector<8x512xf32>
    %add3A_1996 = arith.addf %add3A_1994, %mul3A_1995 : vector<8x512xf32>
    %mul3A_1997 = arith.mulf %mul3A_1924, %mul3A_1983 : vector<8x512xf32>
    %sub3A_1998 = arith.subf %add3A_1996, %mul3A_1997 : vector<8x512xf32>
    %mul3A_1999 = arith.mulf %mul3A_1921, %mul3A_1983 : vector<8x512xf32>
    %mul3A_2000 = arith.mulf %mul3A_1922, %mul3A_1984 : vector<8x512xf32>
    %sub3A_2001 = arith.subf %mul3A_1999, %mul3A_2000 : vector<8x512xf32>
    %mul3A_2002 = arith.mulf %mul3A_1923, %mul3A_1981 : vector<8x512xf32>
    %add3A_2003 = arith.addf %sub3A_2001, %mul3A_2002 : vector<8x512xf32>
    %mul3A_2004 = arith.mulf %mul3A_1924, %mul3A_1982 : vector<8x512xf32>
    %add3A_2005 = arith.addf %add3A_2003, %mul3A_2004 : vector<8x512xf32>
    %mul3A_2006 = arith.mulf %mul3A_1921, %mul3A_1984 : vector<8x512xf32>
    %mul3A_2007 = arith.mulf %mul3A_1922, %mul3A_1983 : vector<8x512xf32>
    %add3A_2008 = arith.addf %mul3A_2006, %mul3A_2007 : vector<8x512xf32>
    %mul3A_2009 = arith.mulf %mul3A_1923, %mul3A_1982 : vector<8x512xf32>
    %sub3A_2010 = arith.subf %add3A_2008, %mul3A_2009 : vector<8x512xf32>
    %mul3A_2011 = arith.mulf %mul3A_1924, %mul3A_1981 : vector<8x512xf32>
    %add3A_2012 = arith.addf %sub3A_2010, %mul3A_2011 : vector<8x512xf32>
    %mul3A_2013 = arith.mulf %sub3A_1991, %sub3A_1991 : vector<8x512xf32>
    %mul3A_2014 = arith.mulf %sub3A_1998, %sub3A_1998 : vector<8x512xf32>
    %add3A_2015 = arith.addf %mul3A_2013, %mul3A_2014 : vector<8x512xf32>
    %mul3A_2016 = arith.mulf %add3A_2005, %add3A_2005 : vector<8x512xf32>
    %add3A_2017 = arith.addf %add3A_2015, %mul3A_2016 : vector<8x512xf32>
    %mul3A_2018 = arith.mulf %add3A_2012, %add3A_2012 : vector<8x512xf32>
    %add3A_2019 = arith.addf %add3A_2017, %mul3A_2018 : vector<8x512xf32>
    %sqrt3A_2020 = math.sqrt %add3A_2019 : vector<8x512xf32>
    %max3A_2021 = arith.constant 9.99999996E-13 : f32
    %max3A_2022 = vector.broadcast %max3A_2021 : f32 to vector<8x512xf32>
    %max3A_2023 = arith.maximumf %sqrt3A_2020, %max3A_2022 : vector<8x512xf32>
    %div3A_2024 = arith.constant 1.000000e+00 : f32
    %div3A_2025 = vector.broadcast %div3A_2024 : f32 to vector<8x512xf32>
    %div3A_2026 = arith.divf %div3A_2025, %max3A_2023 : vector<8x512xf32>
    %mul3A_2027 = arith.mulf %sub3A_1991, %div3A_2026 : vector<8x512xf32>
    %mul3A_2028 = arith.mulf %sub3A_1998, %div3A_2026 : vector<8x512xf32>
    %mul3A_2029 = arith.mulf %add3A_2005, %div3A_2026 : vector<8x512xf32>
    %mul3A_2030 = arith.mulf %add3A_2012, %div3A_2026 : vector<8x512xf32>
    %abs3A_2031 = math.absf %mul3A_2027 : vector<8x512xf32>
    %min3A_2032 = arith.constant 0.99999988 : f32
    %min3A_2033 = vector.broadcast %min3A_2032 : f32 to vector<8x512xf32>
    %min3A_2034 = arith.minimumf %abs3A_2031, %min3A_2033 : vector<8x512xf32>
    %sub3A_2035 = arith.constant 1.000000e+00 : f32
    %sub3A_2036 = vector.broadcast %sub3A_2035 : f32 to vector<8x512xf32>
    %sub3A_2037 = arith.subf %sub3A_2036, %min3A_2034 : vector<8x512xf32>
    %sqrt3A_2038 = math.sqrt %sub3A_2037 : vector<8x512xf32>
    %mul3A_2039 = arith.constant -1.872930e-02 : f32
    %mul3A_2040 = vector.broadcast %mul3A_2039 : f32 to vector<8x512xf32>
    %mul3A_2041 = arith.mulf %min3A_2034, %mul3A_2040 : vector<8x512xf32>
    %add3A_2042 = arith.constant 7.426100e-02 : f32
    %add3A_2043 = vector.broadcast %add3A_2042 : f32 to vector<8x512xf32>
    %add3A_2044 = arith.addf %add3A_2043, %mul3A_2041 : vector<8x512xf32>
    %mul3A_2045 = arith.mulf %min3A_2034, %add3A_2044 : vector<8x512xf32>
    %add3A_2046 = arith.constant -0.212114394 : f32
    %add3A_2047 = vector.broadcast %add3A_2046 : f32 to vector<8x512xf32>
    %add3A_2048 = arith.addf %add3A_2047, %mul3A_2045 : vector<8x512xf32>
    %mul3A_2049 = arith.mulf %min3A_2034, %add3A_2048 : vector<8x512xf32>
    %add3A_2050 = arith.constant 1.57072878 : f32
    %add3A_2051 = vector.broadcast %add3A_2050 : f32 to vector<8x512xf32>
    %add3A_2052 = arith.addf %add3A_2051, %mul3A_2049 : vector<8x512xf32>
    %mul3A_2053 = arith.mulf %sqrt3A_2038, %add3A_2052 : vector<8x512xf32>
    %reduce_sum3A_2054 = arith.constant dense<0.000000e+00> : vector<512xf32>
    %reduce_sum3A_2055 = vector.multi_reduction <add>, %mul3A_2053, %reduce_sum3A_2054 [0] : vector<8x512xf32> to vector<512xf32>
    %div3A_2056 = arith.constant 8.000000e+00 : f32
    %div3A_2057 = vector.broadcast %div3A_2056 : f32 to vector<512xf32>
    %div3A_2058 = arith.divf %reduce_sum3A_2055, %div3A_2057 : vector<512xf32>
    %swap3A_2059 = arith.constant 0 : index
    %swap3A_2060 = arith.constant 18 : index
    %swap3A_2061 = vector.load %arg3[%swap3A_2059, %swap3A_2060] : memref<512x20xf32, #tpu.memory_space<vmem>>, vector<512x1xf32>
    %swap3A_2062 = vector.shape_cast %swap3A_2061 : vector<512x1xf32> to vector<512xf32>
    %swap3A_2063 = vector.shape_cast %div3A_2058 : vector<512xf32> to vector<512x1xf32>
    tpu.vector_store %arg3[%swap3A_2059, %swap3A_2060], %swap3A_2063 {strides = array<i32>} : memref<512x20xf32, #tpu.memory_space<vmem>>, vector<512x1xf32>,
    %get3A_2064 = arith.constant 0 : index
    %get3A_2065 = arith.constant 608 : index
    %get3A_2066 = vector.load %arg1[%get3A_2064, %get3A_2065] : memref<512x640xf32, #tpu.memory_space<vmem>>, vector<512x32xf32>
    %dot_general3A_2067 = arith.constant dense<0.000000e+00> : vector<32x512xf32>
    %dot_general3A_2068 = tpu.matmul %select_n3A_50, %get3A_2066, %dot_general3A_2067 {dimension_numbers = #tpu.dot_dimension_numbers<[1], [1], [0], [0], [0, 0, 1, 0], [], []>, precision = #tpu.contract_precision<fp32>, transpose_lhs_hint = false} : vector<32x32xf32>, vector<512x32xf32>, vector<32x512xf32> -> vector<32x512xf32>
    %slice3A_2069 = vector.extract_strided_slice %dot_general3A_2068 {offsets = [0, 0], sizes = [8, 512], strides = [1, 1]} : vector<32x512xf32> to vector<8x512xf32>
    %slice3A_2070 = vector.extract_strided_slice %dot_general3A_2068 {offsets = [8, 0], sizes = [8, 512], strides = [1, 1]} : vector<32x512xf32> to vector<8x512xf32>
    %slice3A_2071 = vector.extract_strided_slice %dot_general3A_2068 {offsets = [16, 0], sizes = [8, 512], strides = [1, 1]} : vector<32x512xf32> to vector<8x512xf32>
    %slice3A_2072 = vector.extract_strided_slice %dot_general3A_2068 {offsets = [24, 0], sizes = [8, 512], strides = [1, 1]} : vector<32x512xf32> to vector<8x512xf32>
    %mul3A_2073 = arith.mulf %slice3A_2069, %slice3A_2069 : vector<8x512xf32>
    %mul3A_2074 = arith.mulf %slice3A_2070, %slice3A_2070 : vector<8x512xf32>
    %add3A_2075 = arith.addf %mul3A_2073, %mul3A_2074 : vector<8x512xf32>
    %mul3A_2076 = arith.mulf %slice3A_2071, %slice3A_2071 : vector<8x512xf32>
    %add3A_2077 = arith.addf %add3A_2075, %mul3A_2076 : vector<8x512xf32>
    %mul3A_2078 = arith.mulf %slice3A_2072, %slice3A_2072 : vector<8x512xf32>
    %add3A_2079 = arith.addf %add3A_2077, %mul3A_2078 : vector<8x512xf32>
    %sqrt3A_2080 = math.sqrt %add3A_2079 : vector<8x512xf32>
    %max3A_2081 = arith.constant 9.99999996E-13 : f32
    %max3A_2082 = vector.broadcast %max3A_2081 : f32 to vector<8x512xf32>
    %max3A_2083 = arith.maximumf %sqrt3A_2080, %max3A_2082 : vector<8x512xf32>
    %div3A_2084 = arith.constant 1.000000e+00 : f32
    %div3A_2085 = vector.broadcast %div3A_2084 : f32 to vector<8x512xf32>
    %div3A_2086 = arith.divf %div3A_2085, %max3A_2083 : vector<8x512xf32>
    %mul3A_2087 = arith.mulf %slice3A_2069, %div3A_2086 : vector<8x512xf32>
    %mul3A_2088 = arith.mulf %slice3A_2070, %div3A_2086 : vector<8x512xf32>
    %mul3A_2089 = arith.mulf %slice3A_2071, %div3A_2086 : vector<8x512xf32>
    %mul3A_2090 = arith.mulf %slice3A_2072, %div3A_2086 : vector<8x512xf32>
    %mul3A_2091 = arith.mulf %mul3A_2027, %mul3A_2087 : vector<8x512xf32>
    %mul3A_2092 = arith.mulf %mul3A_2028, %mul3A_2088 : vector<8x512xf32>
    %sub3A_2093 = arith.subf %mul3A_2091, %mul3A_2092 : vector<8x512xf32>
    %mul3A_2094 = arith.mulf %mul3A_2029, %mul3A_2089 : vector<8x512xf32>
    %sub3A_2095 = arith.subf %sub3A_2093, %mul3A_2094 : vector<8x512xf32>
    %mul3A_2096 = arith.mulf %mul3A_2030, %mul3A_2090 : vector<8x512xf32>
    %sub3A_2097 = arith.subf %sub3A_2095, %mul3A_2096 : vector<8x512xf32>
    %mul3A_2098 = arith.mulf %mul3A_2027, %mul3A_2088 : vector<8x512xf32>
    %mul3A_2099 = arith.mulf %mul3A_2028, %mul3A_2087 : vector<8x512xf32>
    %add3A_2100 = arith.addf %mul3A_2098, %mul3A_2099 : vector<8x512xf32>
    %mul3A_2101 = arith.mulf %mul3A_2029, %mul3A_2090 : vector<8x512xf32>
    %add3A_2102 = arith.addf %add3A_2100, %mul3A_2101 : vector<8x512xf32>
    %mul3A_2103 = arith.mulf %mul3A_2030, %mul3A_2089 : vector<8x512xf32>
    %sub3A_2104 = arith.subf %add3A_2102, %mul3A_2103 : vector<8x512xf32>
    %mul3A_2105 = arith.mulf %mul3A_2027, %mul3A_2089 : vector<8x512xf32>
    %mul3A_2106 = arith.mulf %mul3A_2028, %mul3A_2090 : vector<8x512xf32>
    %sub3A_2107 = arith.subf %mul3A_2105, %mul3A_2106 : vector<8x512xf32>
    %mul3A_2108 = arith.mulf %mul3A_2029, %mul3A_2087 : vector<8x512xf32>
    %add3A_2109 = arith.addf %sub3A_2107, %mul3A_2108 : vector<8x512xf32>
    %mul3A_2110 = arith.mulf %mul3A_2030, %mul3A_2088 : vector<8x512xf32>
    %add3A_2111 = arith.addf %add3A_2109, %mul3A_2110 : vector<8x512xf32>
    %mul3A_2112 = arith.mulf %mul3A_2027, %mul3A_2090 : vector<8x512xf32>
    %mul3A_2113 = arith.mulf %mul3A_2028, %mul3A_2089 : vector<8x512xf32>
    %add3A_2114 = arith.addf %mul3A_2112, %mul3A_2113 : vector<8x512xf32>
    %mul3A_2115 = arith.mulf %mul3A_2029, %mul3A_2088 : vector<8x512xf32>
    %sub3A_2116 = arith.subf %add3A_2114, %mul3A_2115 : vector<8x512xf32>
    %mul3A_2117 = arith.mulf %mul3A_2030, %mul3A_2087 : vector<8x512xf32>
    %add3A_2118 = arith.addf %sub3A_2116, %mul3A_2117 : vector<8x512xf32>
    %mul3A_2119 = arith.mulf %sub3A_2097, %sub3A_2097 : vector<8x512xf32>
    %mul3A_2120 = arith.mulf %sub3A_2104, %sub3A_2104 : vector<8x512xf32>
    %add3A_2121 = arith.addf %mul3A_2119, %mul3A_2120 : vector<8x512xf32>
    %mul3A_2122 = arith.mulf %add3A_2111, %add3A_2111 : vector<8x512xf32>
    %add3A_2123 = arith.addf %add3A_2121, %mul3A_2122 : vector<8x512xf32>
    %mul3A_2124 = arith.mulf %add3A_2118, %add3A_2118 : vector<8x512xf32>
    %add3A_2125 = arith.addf %add3A_2123, %mul3A_2124 : vector<8x512xf32>
    %sqrt3A_2126 = math.sqrt %add3A_2125 : vector<8x512xf32>
    %max3A_2127 = arith.constant 9.99999996E-13 : f32
    %max3A_2128 = vector.broadcast %max3A_2127 : f32 to vector<8x512xf32>
    %max3A_2129 = arith.maximumf %sqrt3A_2126, %max3A_2128 : vector<8x512xf32>
    %div3A_2130 = arith.constant 1.000000e+00 : f32
    %div3A_2131 = vector.broadcast %div3A_2130 : f32 to vector<8x512xf32>
    %div3A_2132 = arith.divf %div3A_2131, %max3A_2129 : vector<8x512xf32>
    %mul3A_2133 = arith.mulf %sub3A_2097, %div3A_2132 : vector<8x512xf32>
    %mul3A_2134 = arith.mulf %sub3A_2104, %div3A_2132 : vector<8x512xf32>
    %mul3A_2135 = arith.mulf %add3A_2111, %div3A_2132 : vector<8x512xf32>
    %mul3A_2136 = arith.mulf %add3A_2118, %div3A_2132 : vector<8x512xf32>
    %abs3A_2137 = math.absf %mul3A_2133 : vector<8x512xf32>
    %min3A_2138 = arith.constant 0.99999988 : f32
    %min3A_2139 = vector.broadcast %min3A_2138 : f32 to vector<8x512xf32>
    %min3A_2140 = arith.minimumf %abs3A_2137, %min3A_2139 : vector<8x512xf32>
    %sub3A_2141 = arith.constant 1.000000e+00 : f32
    %sub3A_2142 = vector.broadcast %sub3A_2141 : f32 to vector<8x512xf32>
    %sub3A_2143 = arith.subf %sub3A_2142, %min3A_2140 : vector<8x512xf32>
    %sqrt3A_2144 = math.sqrt %sub3A_2143 : vector<8x512xf32>
    %mul3A_2145 = arith.constant -1.872930e-02 : f32
    %mul3A_2146 = vector.broadcast %mul3A_2145 : f32 to vector<8x512xf32>
    %mul3A_2147 = arith.mulf %min3A_2140, %mul3A_2146 : vector<8x512xf32>
    %add3A_2148 = arith.constant 7.426100e-02 : f32
    %add3A_2149 = vector.broadcast %add3A_2148 : f32 to vector<8x512xf32>
    %add3A_2150 = arith.addf %add3A_2149, %mul3A_2147 : vector<8x512xf32>
    %mul3A_2151 = arith.mulf %min3A_2140, %add3A_2150 : vector<8x512xf32>
    %add3A_2152 = arith.constant -0.212114394 : f32
    %add3A_2153 = vector.broadcast %add3A_2152 : f32 to vector<8x512xf32>
    %add3A_2154 = arith.addf %add3A_2153, %mul3A_2151 : vector<8x512xf32>
    %mul3A_2155 = arith.mulf %min3A_2140, %add3A_2154 : vector<8x512xf32>
    %add3A_2156 = arith.constant 1.57072878 : f32
    %add3A_2157 = vector.broadcast %add3A_2156 : f32 to vector<8x512xf32>
    %add3A_2158 = arith.addf %add3A_2157, %mul3A_2155 : vector<8x512xf32>
    %mul3A_2159 = arith.mulf %sqrt3A_2144, %add3A_2158 : vector<8x512xf32>
    %reduce_sum3A_2160 = arith.constant dense<0.000000e+00> : vector<512xf32>
    %reduce_sum3A_2161 = vector.multi_reduction <add>, %mul3A_2159, %reduce_sum3A_2160 [0] : vector<8x512xf32> to vector<512xf32>
    %div3A_2162 = arith.constant 8.000000e+00 : f32
    %div3A_2163 = vector.broadcast %div3A_2162 : f32 to vector<512xf32>
    %div3A_2164 = arith.divf %reduce_sum3A_2161, %div3A_2163 : vector<512xf32>
    %swap3A_2165 = arith.constant 0 : index
    %swap3A_2166 = arith.constant 19 : index
    %swap3A_2167 = vector.load %arg3[%swap3A_2165, %swap3A_2166] : memref<512x20xf32, #tpu.memory_space<vmem>>, vector<512x1xf32>
    %swap3A_2168 = vector.shape_cast %swap3A_2167 : vector<512x1xf32> to vector<512xf32>
    %swap3A_2169 = vector.shape_cast %div3A_2164 : vector<512xf32> to vector<512x1xf32>
    tpu.vector_store %arg3[%swap3A_2165, %swap3A_2166], %swap3A_2169 {strides = array<i32>} : memref<512x20xf32, #tpu.memory_space<vmem>>, vector<512x1xf32>,
    %concatenate3A = tpu.concatenate %mul3A_2133, %mul3A_2134, %mul3A_2135, %mul3A_2136 in 0 : vector<8x512xf32>, vector<8x512xf32>, vector<8x512xf32>, vector<8x512xf32> -> vector<32x512xf32>
    %dot_general3A_2170 = arith.constant dense<0.000000e+00> : vector<512x32xf32>
    %dot_general3A_2171 = tpu.matmul %concatenate3A, %select_n3A_50, %dot_general3A_2170 {dimension_numbers = #tpu.dot_dimension_numbers<[0], [0], [1], [1], [0, 1, 1, 1], [], []>, precision = #tpu.contract_precision<fp32>, transpose_lhs_hint = false} : vector<32x512xf32>, vector<32x32xf32>, vector<512x32xf32> -> vector<512x32xf32>
    %swap3A_2172 = arith.constant 0 : index
    %swap3A_2173 = arith.constant 0 : index
    %swap3A_2174 = vector.load %arg2[%swap3A_2172, %swap3A_2173] : memref<512x32xf32, #tpu.memory_space<vmem>>, vector<512x32xf32>
    tpu.vector_store %arg2[%swap3A_2172, %swap3A_2173], %dot_general3A_2171 {strides = array<i32>} : memref<512x32xf32, #tpu.memory_space<vmem>>, vector<512x32xf32>,
    return
  }
  func.func @transform_0(%arg0: i32) -> (i32, i32) {
    %c0_i32 = arith.constant 0 : i32
    %c0_i32_0 = arith.constant 0 : i32
    return %arg0, %c0_i32 : i32, i32
  }
  func.func @transform_1(%arg0: i32) -> (i32, i32) {
    %c0_i32 = arith.constant 0 : i32
    %c0_i32_0 = arith.constant 0 : i32
    return %arg0, %c0_i32 : i32, i32
  }
  func.func @transform_2(%arg0: i32) -> (i32, i32) {
    %c0_i32 = arith.constant 0 : i32
    %c0_i32_0 = arith.constant 0 : i32
    return %arg0, %c0_i32 : i32, i32
  }
}

</mosaic_0001>

<sc_bundles>
// kernel: kernel.4.cloned.1.call-start
scs
__scs_entry_jumppad:
0x0: {  	(pc) =	sbr.rel $0x88, $3  }
0x1: {  	(tag) =	ssettag $0x0;
	lr =	simm.s32 $0x1  }
0x2: {  	[smem:$0x3F9F] =	sst lr;
	_ =	strace $0xD0000000  }
0x3: {  	_ = 	snop  }
0x4: {  	_ = 	snop  }
0x5: {  	_ = 	snop  }
0x6: {  	_ = 	snop  }
0x7: {  	_ = 	snop  }
__scs_overlays_trampoline_lowered:
0x8: {  	[smem:$0x3FAE] =	sst s0  }
0x9: {  	[smem:$0x3FAF] =	sst s1  }
0xa: {  	[smem:$0x3FB0] =	sst s2  }
0xb: {  	[smem:$0x3FB1] =	sst s3  }
0xc: {  	[smem:$0x3FB2] =	sst s4  }
0xd: {  	[smem:$0x3FB3] =	sst s5  }
0xe: {  	[smem:$0x3FB4] =	sst s6  }
0xf: {  	[smem:$0x3FB5] =	sst s7  }
0x10: {  	[smem:$0x3FB6] =	sst s8  }
0x11: {  	[smem:$0x3FB7] =	sst s9;
	s0 =	simm.s32 @!p0 $0x0  }
0x12: {  	s1 =	sld [smem:$0x3F9D];
	s0 =	simm.s32 @p0 $0x1  }
0x13: {  	[smem:$0x3FB8] =	sst s0;
	s0 =	simm.s32 @!p1 $0x0  }
0x14: {  	s2 =	sld [smem:$0x3F9C];
	s0 =	simm.s32 @p1 $0x1  }
0x15: {  	[smem:$0x3FB9] =	sst s0;
	s0 =	simm.s32 @!p2 $0x0  }
0x16: {  	s3 =	sld [smem:$0x3FDB];
	s0 =	simm.s32 @p2 $0x1  }
0x17: {  	s4 =	simm.s32 $0x1BF5;
	[smem:$0x3FBB] =	sst s0  }
0x18: {  	s0 =	sld [smem:$0x3F9E];
	_ =	swait.ge [sflag:s4], $0x0  }
0x19: {  	s7 =	sld [smem:$0x3F9F]  }
0x1a: {  	s8 =	sadd.s32 $0xFFFFE003, lr  }
0x1b: {  	s9 =	sadd.s32 $0xFFFFFEF7, lr;
	s5 =	simm.s32 $0xFFFFFFFF;
	p2 =	slt.u32 s8, $0xFFFFF086  }
0x1c: {  	p1 =	slt.u32 s9, $0xF7A;
	s5 =	simm.s32 @!p2 $0x0  }
0x1d: {  	s5 =	simm.s32 @p1 $0x1;
	p0 =	seq.s32 s7, s2  }
0x1e: {  	s7 =	smul.u32 @!p0 $0xF7A, s2;
	p2 =	seq.s32 @!p0 s5, $0x0  }
0x1f: {  	s9 =	smul.u32 $0xF7A, s1;
	s8 =	simm.s32 @!p0 $0x1BF5;
	p2 =	por !p2, p0  }
0x20: {  	[sflag:s8] =	ssyncset.s32 @!p0 $0xFFFFF086;
	s6 =	sadd.s32 @!p0 s3, s7;
	s7 =	simm.s32 @!p0 $0x108  }
0x21: {  	s3 =	sadd.s32 s3, s9;
	s6 =	sadd.s32 @!p0 $0x88, s6;
	s7 =	simm.s32 @p2 $0x1082  }
0x22: {  	[simem:s7], [sflag:s8] =	dma.local @!p0 [hbm:s6], $0xF7A  }
0x23: {  	s9 =	sor.u32 $0xD0000000, s2;
	s6 =	simm.s32 $0x108;
	_ =	swait.ge @!p0 [sflag:s8], $0x0  }
0x24: {  	s3 =	sadd.s32 $0x88, s3;
	s6 =	simm.s32 @!p1 $0x1082;
	[sflag:s4] =	ssyncset.s32 $0xFFFFF086  }
0x25: {  	[simem:s6], [sflag:s4] =	dma.local [hbm:s3], $0xF7A  }
0x26: {  	[smem:$0x3F9F] =	sst s1;
	(tag) =	ssettag s2;
	_ =	strace s9  }
0x27: {  	s1 =	sld [smem:$0x3FAF]  }
0x28: {  	s2 =	sld [smem:$0x3FB0]  }
0x29: {  	s4 =	sld [smem:$0x3FB2]  }
0x2a: {  	p0 =	seq.s32 s5, $0x0;
	s5 =	sld [smem:$0x3FB3]  }
0x2b: {  	s6 =	sld [smem:$0x3FB4]  }
0x2c: {  	s7 =	sld [smem:$0x3FB5]  }
0x2d: {  	s3 =	simm.s32 $0x108;
	s8 =	sld [smem:$0x3FB6]  }
0x2e: {  	s3 =	simm.s32 @!p0 $0x1082;
	s9 =	sld [smem:$0x3FB7]  }
0x2f: {  	lr =	sadd.s32 s0, s3;
	s0 =	sld [smem:$0x3FAE]  }
0x30: {  	s3 =	sld [smem:$0x3FB1]  }
0x31: {  	[smem:$0x3FBA] =	sst s10  }
0x32: {  	s10 =	sld [smem:$0x3FB8];
	_ =	sdelay $0x3  }
0x33: {  	p0 =	seq.s32 s10, $0x1;
	s10 =	sld [smem:$0x3FBA];
	_ =	sdelay $0x3  }
0x34: {  	[smem:$0x3FBA] =	sst s10  }
0x35: {  	s10 =	sld [smem:$0x3FB9];
	_ =	sdelay $0x3  }
0x36: {  	p1 =	seq.s32 s10, $0x1;
	s10 =	sld [smem:$0x3FBA];
	_ =	sdelay $0x3  }
0x37: {  	[smem:$0x3FBA] =	sst s10  }
0x38: {  	s10 =	sld [smem:$0x3FBB]  }
0x39: {  	_ = 	snop;
	(pc) =	sbr.ind lr, $3  }
0x3a: {  	_ = 	snop  }
0x3b: {  	_ = 	snop  }
0x3c: {  	p2 =	seq.s32 s10, $0x1;
	s10 =	sld [smem:$0x3FBA]  }
0x3d: {  	_ =	shalt  }
0x3e: {  	_ =	shalt  }
0x3f: {  	_ =	shalt  }
0x40: {  	_ =	shalt  }
0x41: {  	_ =	shalt  }
0x42: {  	_ =	shalt  }
0x43: {  	_ =	shalt  }
0x44: {  	_ =	shalt  }
0x45: {  	_ =	shalt  }
0x46: {  	_ =	shalt  }
0x47: {  	_ =	shalt  }
0x48: {  	_ =	shalt  }
0x49: {  	_ =	shalt  }
0x4a: {  	_ =	shalt  }
0x4b: {  	_ =	shalt  }
0x4c: {  	_ =	shalt  }
0x4d: {  	_ =	shalt  }
0x4e: {  	_ =	shalt  }
0x4f: {  	_ =	shalt  }
0x50: {  	_ =	shalt  }
0x51: {  	_ =	shalt  }
0x52: {  	_ =	shalt  }
0x53: {  	_ =	shalt  }
0x54: {  	_ =	shalt  }
0x55: {  	_ =	shalt  }
0x56: {  	_ =	shalt  }
0x57: {  	_ =	shalt  }
0x58: {  	_ =	shalt  }
0x59: {  	_ =	shalt  }
0x5a: {  	_ =	shalt  }
0x5b: {  	_ =	shalt  }
0x5c: {  	_ =	shalt  }
0x5d: {  	_ =	shalt  }
0x5e: {  	_ =	shalt  }
0x5f: {  	_ =	shalt  }
0x60: {  	_ =	shalt  }
0x61: {  	_ =	shalt  }
0x62: {  	_ =	shalt  }
0x63: {  	_ =	shalt  }
0x64: {  	_ =	shalt  }
0x65: {  	_ =	shalt  }
0x66: {  	_ =	shalt  }
0x67: {  	_ =	shalt  }
0x68: {  	_ =	shalt  }
0x69: {  	_ =	shalt  }
0x6a: {  	_ =	shalt  }
0x6b: {  	_ =	shalt  }
0x6c: {  	_ =	shalt  }
0x6d: {  	_ =	shalt  }
0x6e: {  	_ =	shalt  }
0x6f: {  	_ =	shalt  }
0x70: {  	_ =	shalt  }
0x71: {  	_ =	shalt  }
0x72: {  	_ =	shalt  }
0x73: {  	_ =	shalt  }
0x74: {  	_ =	shalt  }
0x75: {  	_ =	shalt  }
0x76: {  	_ =	shalt  }
0x77: {  	_ =	shalt  }
0x78: {  	_ =	shalt  }
0x79: {  	_ =	shalt  }
0x7a: {  	_ =	shalt  }
0x7b: {  	_ =	shalt  }
0x7c: {  	_ =	shalt  }
0x7d: {  	_ =	shalt  }
0x7e: {  	_ =	shalt  }
0x7f: {  	_ =	shalt  }
0x80: {  	_ =	shalt  }
0x81: {  	_ =	shalt  }
0x82: {  	_ =	shalt  }
0x83: {  	_ =	shalt  }
0x84: {  	_ =	shalt  }
0x85: {  	_ =	shalt  }
0x86: {  	_ =	shalt  }
0x87: {  	_ =	shalt  }
.Lfunc_end0:
.L_simem_size_0:
called_computation.1_lowered:
.L_overlay_start_0:
0x88: {  	s2 =	sld [smem:$0x3FD9]  }
0x89: {  	s3 =	sld [smem:$0x3FFE];
	_ =	sdelay $0x1  }
0x8a: {  	s1 =	srdreg.scid  }
0x8b: {  	s0 =	sand.u32 $0x1, s1  }
0x8c: {  	s14 =	sshll.u32 s0, $0xA;
	s2 =	sadd.s32 s3, s2  }
0x8d: {  	s2 =	sadd.s32 s2, s14  }
0x8e: {  	[smem:$0x3FC6] =	sst s2  }
0x8f: {  	_ = 	snop  }
0x90: {  	s2 =	sld [smem:$0x3FD0];
	_ =	sdelay $0x2  }
0x91: {  	s15 =	simm.s32 $0xA;
	s4 =	simm.s32 $0x10  }
0x92: {  	[smem:s4], [sflag:s15] =	dma.local [hbm:s2], $0x1  }
0x93: {  	_ =	swait.eq [sflag:s15], $0x1  }
0x94: {  	[sflag:s15] =	ssyncset.done $0x0  }
0x95: {  	[sflag:s15] =	ssyncadd.s32 $0xFFFFFFFF  }
0x96: {  	s16 =	sld [smem:$0x11];
	(tm) =	ssettm $0x1  }
0x97: {  	s17 =	sld [smem:$0x3FFB];
	_ =	sdelay $0x3  }
0x98: {  	_ =	strace s17  }
0x99: {  	s3 =	sld [smem:$0x3FFC];
	_ =	sdelay $0x3  }
0x9a: {  	_ =	strace s3  }
0x9b: {  	s3 =	sld [smem:$0x3FFD];
	_ =	sdelay $0x3  }
0x9c: {  	_ =	strace s3  }
0x9d: {  	_ =	strace $0x8FFFFFFF  }
0x9e: {  	s18 =	sld [smem:$0x3FDB];
	_ =	sdelay $0x1  }
0x9f: {  	s19 =	simm.s32 $_scs_section_size  }
0xa0: {  	s5 =	simm.s32 $_size__tile_overlayer_lowered;
	s6 =	simm.s32 $_tile_overlayer_lowered  }
0xa1: {  	s22 =	simm.s32 $0x1BFF;
	s21 =	sshll.u32 s6, $0x1;
	s3 =	sadd.s32 s19, s18  }
0xa2: {  	s7 =	simm.s32 $0x0;
	s20 =	sshll.u32 s5, $0x1;
	s5 =	sadd.s32 s21, s3  }
0xa3: {  	[timem:s7], [sflag:s22] =	dma.local [hbm:s5], s20  }
0xa4: {  	_ =	swait.ge [sflag:s22], s20  }
0xa5: {  	s4 =	ssub.s32 $0x0, s20;
	[sflag:s22] =	ssyncset.done $0x0  }
0xa6: {  	[sflag:s22] =	ssyncadd.s32 s4;
	_ =	sdelay $0x1  }
0xa7: {  	s23 =	simm.s32 $0x1B8B  }
0xa8: {  	_ =	swait.ge [sflag:s23], $0x1  }
0xa9: {  	[sflag:s23] =	ssyncset.done $0x0  }
0xaa: {  	s25 =	simm.s32 $0x1B8E;
	s24 =	sld [smem:$0x3FFE];
	[sflag:s23] =	ssyncadd.s32 $0xFFFFFFFF  }
0xab: {  	s26 =	simm.s32 $execute0_lowered;
	[smem:$0x3FD2] =	sst s25  }
0xac: {  	s5 =	sshll.u32 s26, $0x1;
	_ =	strace $0x80000049;
	[dreg:$0x1] =	wrdreg $0xFFFFFFFF  }
0xad: {  	s28 =	simm.s32 $_size_execute0_lowered;
	s3 =	sadd.s32 s3, s5;
	[dreg:$0x0] =	wrdreg $0x0  }
0xae: {  	s5 =	sshll.u32 s28, $0x1;
	[dreg:$0x2] =	wrdreg s3  }
0xaf: {  	[dreg:$0x3] =	wrdreg s5  }
0xb0: {  	[dreg:$0x4] =	wrdreg $0xC0  }
0xb1: {  	_ =	task [dreg:s7], $0x5FFFF  }
0xb2: {  	[dreg:$0x1] =	wrdreg $0xFFFFFFFF  }
0xb3: {  	[dreg:$0x0] =	wrdreg $0x60  }
0xb4: {  	[dreg:$0x2] =	wrdreg s24  }
0xb5: {  	[dreg:$0x3] =	wrdreg s16  }
0xb6: {  	[dreg:$0x4] =	wrdreg $0x9  }
0xb7: {  	_ =	task.clear_ibuf [dreg:s7], $0x5FFFF;
	_ =	strace $0x90000049  }
0xb8: {  	s29 =	simm.s32 $0x9;
	_ =	strace $0x8000004B  }
0xb9: {  	_ =	swait.ge [sflag:s29], $0x1  }
0xba: {  	[sflag:s29] =	ssyncadd.s32 $0xFFFFFFFF  }
0xbb: {  	_ =	strace $0x9000004B  }
0xbc: {  	_ =	sfence  }
0xbd: {  	s30 =	sld [smem:$0x0];
	_ =	sdelay $0x2  }
0xbe: {  	s31 =	sshll.u32 s1, $0xD;
	s1 =	sshrl.u32 s1, $0x2  }
0xbf: {  	s3 =	sand.u32 $0x4000, s31;
	s1 =	sadd.s32 s1, s30  }
0xc0: {  	s0 =	sor.u32 s3, s0;
	s1 =	sshll.u32 s1, $0x11  }
0xc1: {  	s0 =	sor.u32 s1, s0  }
0xc2: {  	s0 =	sadd.s32 $0x8F2B, s0  }
0xc3: {  	[sflag:s0] =	ssyncadd.remote.s32 $0x1  }
0xc4: {  	_ =	sfence.sel $0xFFFF  }
0xc5: {  	[dreg:$0x0] =	wrdreg $0xFFFFFFFF;
	(pc) =	sbr.abs _section_cstart, $3  }
0xc6: {  	[dreg:$0x1] =	wrdreg $0xFFFFFFFF  }
0xc7: {  	_ =	task.clear_ibuf [dreg:s7], $0x2FFFF;
	_ =	strace $0x9FFFFFFF  }
0xc8: {  	(tm) =	ssettm $0x7FFFFFFF  }
0xc9: {  	_ =	shalt  }
tec
execute0_lowered:
.L_overlay_start_1:
0x0: {  	(tag) =	ssettag $0x1  }
0x1: {  	s1 =	srdreg.scid;
	s0 =	stileid.u32  }
0x2: {  	s4 =	rddreg [dreg:$0x0];
	s1 =	sand.u32 $0x1, s1;
	s2 =	sshll.u32 s0, $0x1  }
0x3: {  	s5 =	rddreg [dreg:$0x1];
	s3 =	sor.u32 s1, s2;
	s2 =	simm.s32 $0x0  }
0x4: {  	s7 =	simm.s32 $0x2A00;
	[smem:$0x7FF] =	sst s2  }
0x5: {  	s8 =	simm.s32 $0x180;
	_ =	strace $0x8000004A;
	[dreg:$0x7] =	wrdreg s7  }
0x6: {  	s9 =	simm.s32 $0x3A00;
	[dreg:$0x8] =	wrdreg s8  }
0x7: {  	s10 =	simm.s32 $0x200;
	[dreg:$0x9] =	wrdreg s9  }
0x8: {  	s11 =	simm.s32 $0x4A00;
	[dreg:$0xa] =	wrdreg s10  }
0x9: {  	s12 =	simm.s32 $0x280;
	[dreg:$0xb] =	wrdreg s11  }
0xa: {  	s13 =	simm.s32 $0x5A00;
	[dreg:$0xc] =	wrdreg s12  }
0xb: {  	s14 =	simm.s32 $0x300;
	[dreg:$0xd] =	wrdreg s13  }
0xc: {  	s15 =	simm.s32 $0x6A00;
	[dreg:$0xe] =	wrdreg s14  }
0xd: {  	s16 =	simm.s32 $0x380;
	s6 =	smul.u32 $0x2800, s3;
	[dreg:$0xf] =	wrdreg s15  }
0xe: {  	s17 =	simm.s32 $0x7A00;
	s3 =	smul.u32 $0x140, s3;
	[dreg:$0x10] =	wrdreg s16  }
0xf: {  	s19 =	simm.s32 $0x400;
	[dreg:$0x11] =	wrdreg s17  }
0x10: {  	[dreg:$0x12] =	wrdreg s19;
	s3 =	sadd.s32 s5, s3  }
0x11: {  	s6 =	sadd.s32 s6, s4;
	s5 =	simm.s32 $0x1A00;
	[dreg:$0x3] =	wrdreg s3  }
0x12: {  	s0 =	sadd.s32 $0x3D1600, s6;
	[dreg:$0x5] =	wrdreg s5  }
0x13: {  	s6 =	simm.s32 $0x100;
	[dreg:$0x4] =	wrdreg s0  }
0x14: {  	[dreg:$0x6] =	wrdreg s6  }
0x15: {  	s3 =	simm.s32 $0x2;
	s18 =	rddreg [dreg:$0x3]  }
0x16: {  	[tilespmem:s2], [sflag:$0x2] =	stream.linear.gather [hbm4b:s18+s2], $0xA00, $0x38;
	[tilespmem:$0x14A00] =	vst v63  }
0x17: {  	_ =	swait.ge [sflag:s3], $0xA00  }
0x18: {  	s7 =	rddreg [dreg:$0x11]  }
0x19: {  	s8 =	rddreg [dreg:$0xf]  }
0x1a: {  	s9 =	rddreg [dreg:$0xd]  }
0x1b: {  	s4 =	sadd.s32 $0xC00, s4;
	s10 =	rddreg [dreg:$0xb]  }
0x1c: {  	s5 =	simm.s32 $0xA00;
	s11 =	rddreg [dreg:$0x6];
	[sflag:s3] =	ssyncset.done $0x0  }
0x1d: {  	s6 =	simm.s32 $0x80;
	s12 =	rddreg [dreg:$0x5];
	[sflag:s3] =	ssyncadd.s32 $0xFFFFF600  }
0x1e: {  	[tilespmem:s5], [sflag:$0x1] =	stream.indirect.gather [hbm4b:s4+s6], $0x20, s2, s6, $0xb8;
	[tilespmem:$0x14A00] =	vst v63  }
0x1f: {  	s13 =	rddreg [dreg:$0x7]  }
0x20: {  	[tilespmem:s12], [sflag:$0x1] =	stream.indirect.gather [hbm4b:s4+s6], $0x20, s6, s6, $0xb8;
	[tilespmem:$0x14A00] =	vst v63  }
0x21: {  	s14 =	rddreg [dreg:$0x9]  }
0x22: {  	[tilespmem:s13], [sflag:$0x1] =	stream.indirect.gather [hbm4b:s4+s6], $0x20, s11, s6, $0xb8;
	[tilespmem:$0x14A00] =	vst v63  }
0x23: {  	s20 =	rddreg [dreg:$0x8]  }
0x24: {  	[tilespmem:s14], [sflag:$0x1] =	stream.indirect.gather [hbm4b:s4+s6], $0x20, s20, s6, $0xb8;
	[tilespmem:$0x14A00] =	vst v63  }
0x25: {  	s21 =	rddreg [dreg:$0xa]  }
0x26: {  	[tilespmem:s10], [sflag:$0x1] =	stream.indirect.gather [hbm4b:s4+s6], $0x20, s21, s6, $0xb8;
	[tilespmem:$0x14A00] =	vst v63  }
0x27: {  	s22 =	rddreg [dreg:$0xc]  }
0x28: {  	[tilespmem:s9], [sflag:$0x1] =	stream.indirect.gather [hbm4b:s4+s6], $0x20, s22, s6, $0xb8;
	[tilespmem:$0x14A00] =	vst v63  }
0x29: {  	s23 =	rddreg [dreg:$0xe]  }
0x2a: {  	[tilespmem:s8], [sflag:$0x1] =	stream.indirect.gather [hbm4b:s4+s6], $0x20, s23, s6, $0xb8;
	[tilespmem:$0x14A00] =	vst v63  }
0x2b: {  	s24 =	rddreg [dreg:$0x10]  }
0x2c: {  	[tilespmem:s7], [sflag:$0x1] =	stream.indirect.gather [hbm4b:s4+s6], $0x20, s24, s6, $0xb8;
	[tilespmem:$0x14A00] =	vst v63  }
0x2d: {  	s26 =	simm.s32 $0x8A00;
	s25 =	rddreg [dreg:$0x12]  }
0x2e: {  	[tilespmem:s26], [sflag:$0x1] =	stream.indirect.gather [hbm4b:s4+s6], $0x20, s25, s6, $0xb8;
	[tilespmem:$0x14A00] =	vst v63  }
0x2f: {  	s8 =	simm.s32 $0x9A00;
	s7 =	simm.s32 $0x480  }
0x30: {  	[tilespmem:s8], [sflag:$0x1] =	stream.indirect.gather [hbm4b:s4+s6], $0x20, s7, s6, $0xb8;
	[tilespmem:$0x14A00] =	vst v63  }
0x31: {  	s10 =	simm.s32 $0xAA00;
	s9 =	simm.s32 $0x500  }
0x32: {  	[tilespmem:s10], [sflag:$0x1] =	stream.indirect.gather [hbm4b:s4+s6], $0x20, s9, s6, $0xb8;
	[tilespmem:$0x14A00] =	vst v63  }
0x33: {  	s12 =	simm.s32 $0xBA00;
	s11 =	simm.s32 $0x580  }
0x34: {  	[tilespmem:s12], [sflag:$0x1] =	stream.indirect.gather [hbm4b:s4+s6], $0x20, s11, s6, $0xb8;
	[tilespmem:$0x14A00] =	vst v63  }
0x35: {  	s15 =	simm.s32 $0xCA00;
	s14 =	simm.s32 $0x600  }
0x36: {  	[tilespmem:s15], [sflag:$0x1] =	stream.indirect.gather [hbm4b:s4+s6], $0x20, s14, s6, $0xb8;
	[tilespmem:$0x14A00] =	vst v63  }
0x37: {  	s16 =	simm.s32 $0x680;
	s17 =	simm.s32 $0xDA00  }
0x38: {  	[tilespmem:s17], [sflag:$0x1] =	stream.indirect.gather [hbm4b:s4+s6], $0x20, s16, s6, $0xb8;
	[tilespmem:$0x14A00] =	vst v63  }
0x39: {  	s19 =	simm.s32 $0xEA00;
	s18 =	simm.s32 $0x700  }
0x3a: {  	[tilespmem:s19], [sflag:$0x1] =	stream.indirect.gather [hbm4b:s4+s6], $0x20, s18, s6, $0xb8;
	[tilespmem:$0x14A00] =	vst v63  }
0x3b: {  	s20 =	simm.s32 $0x780;
	s21 =	simm.s32 $0xFA00  }
0x3c: {  	[tilespmem:s21], [sflag:$0x1] =	stream.indirect.gather [hbm4b:s4+s6], $0x20, s20, s6, $0xb8;
	[tilespmem:$0x14A00] =	vst v63  }
0x3d: {  	s22 =	simm.s32 $0x800;
	s23 =	simm.s32 $0x10A00  }
0x3e: {  	[tilespmem:s23], [sflag:$0x1] =	stream.indirect.gather [hbm4b:s4+s6], $0x20, s22, s6, $0xb8;
	[tilespmem:$0x14A00] =	vst v63  }
0x3f: {  	s24 =	simm.s32 $0x880;
	s25 =	simm.s32 $0x11A00  }
0x40: {  	[tilespmem:s25], [sflag:$0x1] =	stream.indirect.gather [hbm4b:s4+s6], $0x20, s24, s6, $0xb8;
	[tilespmem:$0x14A00] =	vst v63  }
0x41: {  	s28 =	simm.s32 $0x12A00;
	s26 =	simm.s32 $0x900  }
0x42: {  	[tilespmem:s28], [sflag:$0x1] =	stream.indirect.gather [hbm4b:s4+s6], $0x20, s26, s6, $0xb8;
	[tilespmem:$0x14A00] =	vst v63  }
0x43: {  	s30 =	simm.s32 $0x980;
	s31 =	simm.s32 $0x13A00;
	s29 =	simm.s32 $0x1  }
0x44: {  	[tilespmem:s31], [sflag:$0x1] =	stream.indirect.gather [hbm4b:s4+s6], $0x20, s30, s6, $0xb8;
	[tilespmem:$0x14A00] =	vst v63  }
0x45: {  	_ =	swait.ge [sflag:s29], $0x1000  }
0x46: {  	[sflag:s29] =	ssyncset.done $0x0  }
0x47: {  	[sflag:s29] =	ssyncadd.s32 $0xFFFFF000  }
0x48: {  	_ =	swait.ge [sflag:s29], $0x1000  }
0x49: {  	[sflag:s29] =	ssyncset.done $0x0  }
0x4a: {  	[sflag:s29] =	ssyncadd.s32 $0xFFFFF000  }
0x4b: {  	_ =	swait.ge [sflag:s29], $0x1000  }
0x4c: {  	[sflag:s29] =	ssyncset.done $0x0  }
0x4d: {  	[sflag:s29] =	ssyncadd.s32 $0xFFFFF000  }
0x4e: {  	_ =	swait.ge [sflag:s29], $0x1000  }
0x4f: {  	[sflag:s29] =	ssyncset.done $0x0  }
0x50: {  	[sflag:s29] =	ssyncadd.s32 $0xFFFFF000  }
0x51: {  	_ =	swait.ge [sflag:s29], $0x1000  }
0x52: {  	[sflag:s29] =	ssyncset.done $0x0  }
0x53: {  	[sflag:s29] =	ssyncadd.s32 $0xFFFFF000  }
0x54: {  	_ =	swait.ge [sflag:s29], $0x1000  }
0x55: {  	[sflag:s29] =	ssyncset.done $0x0  }
0x56: {  	[sflag:s29] =	ssyncadd.s32 $0xFFFFF000  }
0x57: {  	_ =	swait.ge [sflag:s29], $0x1000  }
0x58: {  	[sflag:s29] =	ssyncset.done $0x0  }
0x59: {  	[sflag:s29] =	ssyncadd.s32 $0xFFFFF000  }
0x5a: {  	_ =	swait.ge [sflag:s29], $0x1000  }
0x5b: {  	[sflag:s29] =	ssyncset.done $0x0  }
0x5c: {  	[sflag:s29] =	ssyncadd.s32 $0xFFFFF000  }
0x5d: {  	_ =	swait.ge [sflag:s29], $0x1000  }
0x5e: {  	[sflag:s29] =	ssyncset.done $0x0  }
0x5f: {  	[sflag:s29] =	ssyncadd.s32 $0xFFFFF000  }
0x60: {  	_ =	swait.ge [sflag:s29], $0x1000  }
0x61: {  	[sflag:s29] =	ssyncset.done $0x0  }
0x62: {  	[sflag:s29] =	ssyncadd.s32 $0xFFFFF000  }
0x63: {  	_ =	swait.ge [sflag:s29], $0x1000  }
0x64: {  	[sflag:s29] =	ssyncset.done $0x0  }
0x65: {  	[sflag:s29] =	ssyncadd.s32 $0xFFFFF000  }
0x66: {  	_ =	swait.ge [sflag:s29], $0x1000  }
0x67: {  	[sflag:s29] =	ssyncset.done $0x0  }
0x68: {  	[sflag:s29] =	ssyncadd.s32 $0xFFFFF000  }
0x69: {  	_ =	swait.ge [sflag:s29], $0x1000  }
0x6a: {  	[sflag:s29] =	ssyncset.done $0x0  }
0x6b: {  	[sflag:s29] =	ssyncadd.s32 $0xFFFFF000  }
0x6c: {  	_ =	swait.ge [sflag:s29], $0x1000  }
0x6d: {  	[sflag:s29] =	ssyncset.done $0x0  }
0x6e: {  	[sflag:s29] =	ssyncadd.s32 $0xFFFFF000  }
0x6f: {  	_ =	swait.ge [sflag:s29], $0x1000  }
0x70: {  	[sflag:s29] =	ssyncset.done $0x0  }
0x71: {  	[sflag:s29] =	ssyncadd.s32 $0xFFFFF000  }
0x72: {  	_ =	swait.ge [sflag:s29], $0x1000  }
0x73: {  	[sflag:s29] =	ssyncset.done $0x0  }
0x74: {  	[sflag:s29] =	ssyncadd.s32 $0xFFFFF000  }
0x75: {  	s1 =	ssub.s32 $0x2, s1;
	_ =	swait.ge [sflag:s29], $0x1000  }
0x76: {  	s13 =	sshrl.u32 s1, $0x1;
	[sflag:s29] =	ssyncset.done $0x0  }
0x77: {  	s0 =	ssub.s32 s1, s13;
	[sflag:s29] =	ssyncadd.s32 $0xFFFFF000  }
0x78: {  	s0 =	smax.u32 s0, $0x1;
	_ =	swait.ge [sflag:s29], $0x1000  }
0x79: {  	p0 =	sne.s32 s0, $0x1;
	[sflag:s29] =	ssyncset.done $0x0  }
.Ltmp0:
0x7a: {  	[sflag:s29] =	ssyncadd.s32 $0xFFFFF000;
	(pc) =	sbr.rel @!p0 .LBB2_2-.Ltmp0, $4  }
0x7b: {  	_ =	swait.ge [sflag:s29], $0x1000  }
0x7c: {  	[sflag:s29] =	ssyncset.done $0x0  }
0x7d: {  	[sflag:s29] =	ssyncadd.s32 $0xFFFFF000  }
0x7e: {  	s1 =	sadd.s32 $0xFFFFFFFF, s0;
	_ =	swait.ge [sflag:s29], $0x1000  }
.LBB2_1:
0x7f: {  	[sflag:s29] =	ssyncset.done $0x0  }
0x80: {  	s0 =	rddreg [dreg:$0x4];
	[sflag:s29] =	ssyncadd.s32 $0xFFFFF000  }
0x81: {  	[hbm4b:s0+s2] =	stream.linear.scatter [tilespmem:s5], [sflag:$0x2], $0x14000, $0x38;
	[tilespmem:$0x14A00] =	vst v63  }
0x82: {  	_ =	swait.ge [sflag:s3], $0x14000  }
0x83: {  	[sflag:s3] =	ssyncset.done $0x0  }
0x84: {  	s11 =	rddreg [dreg:$0x3];
	[sflag:s3] =	ssyncadd.s32 $0xFFFEC000  }
0x85: {  	[tilespmem:s2], [sflag:$0x2] =	stream.linear.gather [hbm4b:s11+s2], $0xA00, $0x38;
	[tilespmem:$0x14A00] =	vst v63  }
0x86: {  	_ =	swait.ge [sflag:s3], $0xA00  }
0x87: {  	s0 =	rddreg [dreg:$0x11]  }
0x88: {  	s7 =	rddreg [dreg:$0xf]  }
0x89: {  	s8 =	rddreg [dreg:$0xd]  }
0x8a: {  	s9 =	rddreg [dreg:$0xb]  }
0x8b: {  	s10 =	rddreg [dreg:$0x6];
	[sflag:s3] =	ssyncset.done $0x0  }
0x8c: {  	s11 =	rddreg [dreg:$0x5];
	[sflag:s3] =	ssyncadd.s32 $0xFFFFF600  }
0x8d: {  	[tilespmem:s5], [sflag:$0x1] =	stream.indirect.gather [hbm4b:s4+s6], $0x20, s2, s6, $0xb8;
	[tilespmem:$0x14A00] =	vst v63  }
0x8e: {  	s12 =	rddreg [dreg:$0x7]  }
0x8f: {  	[tilespmem:s11], [sflag:$0x1] =	stream.indirect.gather [hbm4b:s4+s6], $0x20, s6, s6, $0xb8;
	[tilespmem:$0x14A00] =	vst v63  }
0x90: {  	s13 =	rddreg [dreg:$0x9]  }
0x91: {  	[tilespmem:s12], [sflag:$0x1] =	stream.indirect.gather [hbm4b:s4+s6], $0x20, s10, s6, $0xb8;
	[tilespmem:$0x14A00] =	vst v63  }
0x92: {  	s11 =	rddreg [dreg:$0x8]  }
0x93: {  	[tilespmem:s13], [sflag:$0x1] =	stream.indirect.gather [hbm4b:s4+s6], $0x20, s11, s6, $0xb8;
	[tilespmem:$0x14A00] =	vst v63  }
0x94: {  	s12 =	rddreg [dreg:$0xa]  }
0x95: {  	[tilespmem:s9], [sflag:$0x1] =	stream.indirect.gather [hbm4b:s4+s6], $0x20, s12, s6, $0xb8;
	[tilespmem:$0x14A00] =	vst v63  }
0x96: {  	s13 =	rddreg [dreg:$0xc]  }
0x97: {  	[tilespmem:s8], [sflag:$0x1] =	stream.indirect.gather [hbm4b:s4+s6], $0x20, s13, s6, $0xb8;
	[tilespmem:$0x14A00] =	vst v63  }
0x98: {  	s10 =	rddreg [dreg:$0xe]  }
0x99: {  	[tilespmem:s7], [sflag:$0x1] =	stream.indirect.gather [hbm4b:s4+s6], $0x20, s10, s6, $0xb8;
	[tilespmem:$0x14A00] =	vst v63  }
0x9a: {  	s11 =	rddreg [dreg:$0x10]  }
0x9b: {  	[tilespmem:s0], [sflag:$0x1] =	stream.indirect.gather [hbm4b:s4+s6], $0x20, s11, s6, $0xb8;
	[tilespmem:$0x14A00] =	vst v63  }
0x9c: {  	s12 =	rddreg [dreg:$0x12];
	s13 =	simm.s32 $0x8A00  }
0x9d: {  	[tilespmem:s13], [sflag:$0x1] =	stream.indirect.gather [hbm4b:s4+s6], $0x20, s12, s6, $0xb8;
	[tilespmem:$0x14A00] =	vst v63  }
0x9e: {  	s9 =	simm.s32 $0x9A00;
	s8 =	simm.s32 $0x480  }
0x9f: {  	[tilespmem:s9], [sflag:$0x1] =	stream.indirect.gather [hbm4b:s4+s6], $0x20, s8, s6, $0xb8;
	[tilespmem:$0x14A00] =	vst v63  }
0xa0: {  	s10 =	simm.s32 $0x500;
	s11 =	simm.s32 $0xAA00  }
0xa1: {  	[tilespmem:s11], [sflag:$0x1] =	stream.indirect.gather [hbm4b:s4+s6], $0x20, s10, s6, $0xb8;
	[tilespmem:$0x14A00] =	vst v63  }
0xa2: {  	s12 =	simm.s32 $0x580;
	s13 =	simm.s32 $0xBA00  }
0xa3: {  	[tilespmem:s13], [sflag:$0x1] =	stream.indirect.gather [hbm4b:s4+s6], $0x20, s12, s6, $0xb8;
	[tilespmem:$0x14A00] =	vst v63  }
0xa4: {  	_ = 	snop  }
0xa5: {  	[tilespmem:s15], [sflag:$0x1] =	stream.indirect.gather [hbm4b:s4+s6], $0x20, s14, s6, $0xb8;
	[tilespmem:$0x14A00] =	vst v63  }
0xa6: {  	_ = 	snop  }
0xa7: {  	[tilespmem:s17], [sflag:$0x1] =	stream.indirect.gather [hbm4b:s4+s6], $0x20, s16, s6, $0xb8;
	[tilespmem:$0x14A00] =	vst v63  }
0xa8: {  	_ = 	snop  }
0xa9: {  	[tilespmem:s19], [sflag:$0x1] =	stream.indirect.gather [hbm4b:s4+s6], $0x20, s18, s6, $0xb8;
	[tilespmem:$0x14A00] =	vst v63  }
0xaa: {  	_ = 	snop  }
0xab: {  	[tilespmem:s21], [sflag:$0x1] =	stream.indirect.gather [hbm4b:s4+s6], $0x20, s20, s6, $0xb8;
	[tilespmem:$0x14A00] =	vst v63  }
0xac: {  	_ = 	snop  }
0xad: {  	[tilespmem:s23], [sflag:$0x1] =	stream.indirect.gather [hbm4b:s4+s6], $0x20, s22, s6, $0xb8;
	[tilespmem:$0x14A00] =	vst v63  }
0xae: {  	_ = 	snop  }
0xaf: {  	[tilespmem:s25], [sflag:$0x1] =	stream.indirect.gather [hbm4b:s4+s6], $0x20, s24, s6, $0xb8;
	[tilespmem:$0x14A00] =	vst v63  }
0xb0: {  	_ = 	snop  }
0xb1: {  	[tilespmem:s28], [sflag:$0x1] =	stream.indirect.gather [hbm4b:s4+s6], $0x20, s26, s6, $0xb8;
	[tilespmem:$0x14A00] =	vst v63  }
0xb2: {  	_ = 	snop  }
0xb3: {  	[tilespmem:s31], [sflag:$0x1] =	stream.indirect.gather [hbm4b:s4+s6], $0x20, s30, s6, $0xb8;
	[tilespmem:$0x14A00] =	vst v63  }
0xb4: {  	_ =	swait.ge [sflag:s29], $0x1000  }
0xb5: {  	[sflag:s29] =	ssyncset.done $0x0  }
0xb6: {  	[sflag:s29] =	ssyncadd.s32 $0xFFFFF000  }
0xb7: {  	_ =	swait.ge [sflag:s29], $0x1000  }
0xb8: {  	[sflag:s29] =	ssyncset.done $0x0  }
0xb9: {  	[sflag:s29] =	ssyncadd.s32 $0xFFFFF000  }
0xba: {  	_ =	swait.ge [sflag:s29], $0x1000  }
0xbb: {  	[sflag:s29] =	ssyncset.done $0x0  }
0xbc: {  	[sflag:s29] =	ssyncadd.s32 $0xFFFFF000  }
0xbd: {  	_ =	swait.ge [sflag:s29], $0x1000  }
0xbe: {  	[sflag:s29] =	ssyncset.done $0x0  }
0xbf: {  	[sflag:s29] =	ssyncadd.s32 $0xFFFFF000  }
0xc0: {  	_ =	swait.ge [sflag:s29], $0x1000  }
0xc1: {  	[sflag:s29] =	ssyncset.done $0x0  }
0xc2: {  	[sflag:s29] =	ssyncadd.s32 $0xFFFFF000  }
0xc3: {  	_ =	swait.ge [sflag:s29], $0x1000  }
0xc4: {  	[sflag:s29] =	ssyncset.done $0x0  }
0xc5: {  	[sflag:s29] =	ssyncadd.s32 $0xFFFFF000  }
0xc6: {  	_ =	swait.ge [sflag:s29], $0x1000  }
0xc7: {  	[sflag:s29] =	ssyncset.done $0x0  }
0xc8: {  	[sflag:s29] =	ssyncadd.s32 $0xFFFFF000  }
0xc9: {  	_ =	swait.ge [sflag:s29], $0x1000  }
0xca: {  	[sflag:s29] =	ssyncset.done $0x0  }
0xcb: {  	[sflag:s29] =	ssyncadd.s32 $0xFFFFF000  }
0xcc: {  	_ =	swait.ge [sflag:s29], $0x1000  }
0xcd: {  	[sflag:s29] =	ssyncset.done $0x0  }
0xce: {  	[sflag:s29] =	ssyncadd.s32 $0xFFFFF000  }
0xcf: {  	_ =	swait.ge [sflag:s29], $0x1000  }
0xd0: {  	[sflag:s29] =	ssyncset.done $0x0  }
0xd1: {  	[sflag:s29] =	ssyncadd.s32 $0xFFFFF000  }
0xd2: {  	_ =	swait.ge [sflag:s29], $0x1000  }
0xd3: {  	[sflag:s29] =	ssyncset.done $0x0  }
0xd4: {  	[sflag:s29] =	ssyncadd.s32 $0xFFFFF000  }
0xd5: {  	_ =	swait.ge [sflag:s29], $0x1000  }
0xd6: {  	[sflag:s29] =	ssyncset.done $0x0  }
0xd7: {  	[sflag:s29] =	ssyncadd.s32 $0xFFFFF000  }
0xd8: {  	_ =	swait.ge [sflag:s29], $0x1000  }
0xd9: {  	[sflag:s29] =	ssyncset.done $0x0  }
0xda: {  	[sflag:s29] =	ssyncadd.s32 $0xFFFFF000  }
0xdb: {  	_ =	swait.ge [sflag:s29], $0x1000  }
0xdc: {  	[sflag:s29] =	ssyncset.done $0x0  }
0xdd: {  	[sflag:s29] =	ssyncadd.s32 $0xFFFFF000  }
0xde: {  	_ =	swait.ge [sflag:s29], $0x1000  }
0xdf: {  	[sflag:s29] =	ssyncset.done $0x0  }
0xe0: {  	[sflag:s29] =	ssyncadd.s32 $0xFFFFF000  }
0xe1: {  	_ =	swait.ge [sflag:s29], $0x1000  }
0xe2: {  	[sflag:s29] =	ssyncset.done $0x0  }
0xe3: {  	[sflag:s29] =	ssyncadd.s32 $0xFFFFF000  }
0xe4: {  	_ =	swait.ge [sflag:s29], $0x1000  }
0xe5: {  	[sflag:s29] =	ssyncset.done $0x0  }
0xe6: {  	[sflag:s29] =	ssyncadd.s32 $0xFFFFF000  }
0xe7: {  	_ =	swait.ge [sflag:s29], $0x1000  }
0xe8: {  	p0 =	sne.s32 s1, $0x1;
	[sflag:s29] =	ssyncset.done $0x0  }
.Ltmp1:
0xe9: {  	[sflag:s29] =	ssyncadd.s32 $0xFFFFF000;
	(pc) =	sbr.rel @p0 .LBB2_1-.Ltmp1, $4  }
0xea: {  	_ =	swait.ge [sflag:s29], $0x1000  }
0xeb: {  	[sflag:s29] =	ssyncset.done $0x0  }
0xec: {  	[sflag:s29] =	ssyncadd.s32 $0xFFFFF000  }
0xed: {  	s1 =	sadd.s32 $0xFFFFFFFF, s1;
	_ =	swait.ge [sflag:s29], $0x1000  }
.LBB2_2:
0xee: {  	[sflag:s29] =	ssyncset.done $0x0  }
0xef: {  	s0 =	rddreg [dreg:$0x4];
	[sflag:s29] =	ssyncadd.s32 $0xFFFFF000  }
0xf0: {  	[hbm4b:s0+s2] =	stream.linear.scatter [tilespmem:s5], [sflag:$0x2], $0x14000, $0x38;
	[tilespmem:$0x14A00] =	vst v63  }
0xf1: {  	_ =	swait.ge [sflag:s3], $0x14000  }
0xf2: {  	[sflag:s3] =	ssyncset.done $0x0  }
0xf3: {  	[sflag:s3] =	ssyncadd.s32 $0xFFFEC000  }
0xf4: {  	_ =	sfence.sel $0x180000  }
0xf5: {  	[bflag:$0x0] =	sbarrier.arrive $0xFFFF  }
0xf6: {  	_ =	strace $0x9000004A  }
0xf7: {  	s31 =	stileid.u32;
	[bflag:$0x2] =	sbarrier.arrive $0xFFFF  }
0xf8: {  	p0 =	sne.s32 s31, $0x0;
	s0 =	rddreg [dreg:$0x2]  }
0xf9: {  	s0 =	sadd.s32 @!p0 $0x100000, s0  }
0xfa: {  	[sflag:s0] =	ssyncadd.tile.s32 @!p0 $0x1;
	_ =	shalt  }
.Lfunc_end2:
_tile_overlayer_lowered:
.L_overlay_start_2:
0xfb: {  	(tag) =	ssettag $0x2  }
0xfc: {  	s0 =	rddreg [dreg:$0x0];
	s2 =	stileid.u32  }
0xfd: {  	s1 =	rddreg [dreg:$0x1];
	p0 =	sne.s32 s2, $0x0  }
0xfe: {  	s3 =	rddreg [dreg:$0x2];
	[bflag:$0x3] =	sbarrier.arrive $0xFFFF;
	s2 =	simm.s32 @!p0 $0x1C02  }
0xff: {  	[timem:s3], [sflag:s2] =	dma.local @!p0 [hbm:s0], s1  }
0x100: {  	s0 =	simm.s32 @!p0 $0x2  }
0x101: {  	_ =	swait.ge @!p0 [sflag:s0], s1  }
0x102: {  	s1 =	ssub.s32 @!p0 $0x0, s1;
	[sflag:s0] =	ssyncset.done @!p0 $0x0  }
0x103: {  	[sflag:s0] =	ssyncadd.s32 @!p0 s1  }
0x104: {  	[bflag:$0x3] =	sbarrier.arrive $0xFFFF  }
0x105: {  	_ =	shalt  }

// kernel: sparse-core-data-format-call.cloned.1.call-start
scs
called_computation_lowered:
.L_overlay_start_0:
0x0: {  	s1 =	sld [smem:$0x3FD9]  }
0x1: {  	s2 =	sld [smem:$0x3FFE];
	_ =	sdelay $0x1  }
0x2: {  	s3 =	srdreg.scid  }
0x3: {  	s0 =	sand.u32 $0x1, s3  }
0x4: {  	s17 =	sshll.u32 s0, $0xA;
	s1 =	sadd.s32 s2, s1  }
0x5: {  	s1 =	sadd.s32 s1, s17  }
0x6: {  	[smem:$0x3FC6] =	sst s1  }
0x7: {  	_ = 	snop  }
0x8: {  	(tm) =	ssettm $0x1  }
0x9: {  	s18 =	sld [smem:$0x3FFB];
	_ =	sdelay $0x3  }
0xa: {  	_ =	strace s18  }
0xb: {  	s1 =	sld [smem:$0x3FFC];
	_ =	sdelay $0x3  }
0xc: {  	_ =	strace s1  }
0xd: {  	s1 =	sld [smem:$0x3FFD];
	_ =	sdelay $0x3  }
0xe: {  	_ =	strace s1  }
0xf: {  	_ =	strace $0x8FFFFFFF  }
0x10: {  	s19 =	sld [smem:$0x3FDB];
	_ =	sdelay $0x1  }
0x11: {  	s20 =	simm.s32 $_scs_section_size  }
0x12: {  	s4 =	simm.s32 $_size__tile_overlayer_lowered;
	s5 =	simm.s32 $_tile_overlayer_lowered  }
0x13: {  	s23 =	simm.s32 $0x1BFF;
	s22 =	sshll.u32 s5, $0x1;
	s1 =	sadd.s32 s20, s19  }
0x14: {  	s6 =	simm.s32 $0x0;
	s21 =	sshll.u32 s4, $0x1;
	s4 =	sadd.s32 s22, s1  }
0x15: {  	[timem:s6], [sflag:s23] =	dma.local [hbm:s4], s21  }
0x16: {  	_ =	swait.ge [sflag:s23], s21  }
0x17: {  	s2 =	ssub.s32 $0x0, s21;
	[sflag:s23] =	ssyncset.done $0x0  }
0x18: {  	[sflag:s23] =	ssyncadd.s32 s2;
	_ =	sdelay $0x1  }
0x19: {  	s24 =	simm.s32 $0x1B8B  }
0x1a: {  	_ =	swait.ge [sflag:s24], $0x1  }
0x1b: {  	[sflag:s24] =	ssyncset.done $0x0  }
0x1c: {  	s26 =	simm.s32 $0x1B8E;
	s25 =	sld [smem:$0x3FFE];
	[sflag:s24] =	ssyncadd.s32 $0xFFFFFFFF  }
0x1d: {  	s27 =	simm.s32 $execute0_lowered;
	[smem:$0x3FD2] =	sst s26  }
0x1e: {  	s4 =	sshll.u32 s27, $0x1;
	_ =	strace $0x80000046;
	[dreg:$0x1] =	wrdreg $0xFFFFFFFF  }
0x1f: {  	s28 =	simm.s32 $_size_execute0_lowered;
	s1 =	sadd.s32 s1, s4;
	[dreg:$0x0] =	wrdreg $0x0  }
0x20: {  	s4 =	sshll.u32 s28, $0x1;
	[dreg:$0x2] =	wrdreg s1  }
0x21: {  	[dreg:$0x3] =	wrdreg s4  }
0x22: {  	[dreg:$0x4] =	wrdreg $0xC0  }
0x23: {  	_ =	task [dreg:s6], $0x5FFFF  }
0x24: {  	[dreg:$0x1] =	wrdreg $0xFFFFFFFF  }
0x25: {  	[dreg:$0x0] =	wrdreg $0x60  }
0x26: {  	[dreg:$0x2] =	wrdreg s25  }
0x27: {  	[dreg:$0x3] =	wrdreg $0x9  }
0x28: {  	_ =	task.clear_ibuf [dreg:s6], $0x4FFFF;
	_ =	strace $0x90000046  }
0x29: {  	s29 =	simm.s32 $0x9;
	_ =	strace $0x80000048  }
0x2a: {  	_ =	swait.ge [sflag:s29], $0x1  }
0x2b: {  	[sflag:s29] =	ssyncadd.s32 $0xFFFFFFFF  }
0x2c: {  	_ =	strace $0x90000048  }
0x2d: {  	_ =	sfence  }
0x2e: {  	s30 =	sld [smem:$0x0];
	_ =	sdelay $0x2  }
0x2f: {  	s31 =	sshll.u32 s3, $0xD;
	s3 =	sshrl.u32 s3, $0x2  }
0x30: {  	s2 =	sand.u32 $0x4000, s31;
	s1 =	sadd.s32 s3, s30  }
0x31: {  	s0 =	sor.u32 s2, s0;
	s1 =	sshll.u32 s1, $0x11  }
0x32: {  	s0 =	sor.u32 s1, s0  }
0x33: {  	s0 =	sadd.s32 $0x8F2B, s0  }
0x34: {  	[sflag:s0] =	ssyncadd.remote.s32 $0x1  }
0x35: {  	_ =	sfence.sel $0xFFFF  }
0x36: {  	[dreg:$0x0] =	wrdreg $0xFFFFFFFF;
	(pc) =	sbr.abs _section_cstart, $3  }
0x37: {  	[dreg:$0x1] =	wrdreg $0xFFFFFFFF  }
0x38: {  	_ =	task.clear_ibuf [dreg:s6], $0x2FFFF;
	_ =	strace $0x9FFFFFFF  }
0x39: {  	(tm) =	ssettm $0x7FFFFFFF  }
tec
execute0_lowered:
.L_overlay_start_1:
0x0: {  	(tag) =	ssettag $0x1  }
0x1: {  	s0 =	srdreg.scid  }
0x2: {  	s5 =	rddreg [dreg:$0x0];
	s1 =	stileid.u32;
	s4 =	simm.s32 $0x1  }
0x3: {  	s6 =	simm.s32 $0x2;
	s15 =	simm.s32 $0x0;
	p0 =	por $0x0, $0x0  }
0x4: {  	s8 =	simm.s32 $0x80;
	s14 =	simm.s32 $0x0;
	s2 =	sshll.u32 s0, $0x4  }
0x5: {  	s9 =	simm.s32 $0x0;
	s10 =	simm.s32 $0x0;
	s2 =	sand.u32 $0x10, s2  }
.Ltmp0:
0x6: {  	s12 =	simm.s32 $0x0;
	s3 =	sor.u32 s1, s2;
	(pc) =	sbr.rel .LBB1_1-.Ltmp0, $4  }
0x7: {  	s0 =	rddreg [dreg:$0x1];
	_ =	strace $0x80000047;
	s3 =	sshll.u32 s3, $0x7  }
0x8: {  	s13 =	simm.s32 $0x0;
	[sflag:s4] =	ssyncpa.u1 $0x0;
	s7 =	ssub.s32 $0xF4200, s3  }
0x9: {  	s2 =	sadd.s32 $0xC00, s5;
	[sflag:s6] =	ssyncpa.u1 $0x0;
	s6 =	sshrl.u32 s7, $0xC  }
0xa: {  	s5 =	sadd.s32 $0x3D1600, s5;
	s11 =	smov.u32 s3;
	s7 =	sadd.s32 $0x2, s6  }
.LBB1_5:
0xb: {  	p1 =	slt.u32 s13, $0x2  }
0xc: {  	s17 =	smov.u32 s15;
	p2 =	sgt.s32 @!p1 s15, $0xF41C0;
	s16 =	sshra.s32 @!p1 s15, $0x1F  }
0xd: {  	p3 =	sgt.s32 @!p1 s14, $0x60;
	s18 =	sshra.s32 @!p1 s14, $0x1F;
	p2 =	por !p2, p1  }
0xe: {  	s15 =	sand.u32 @!p1 s16, s15;
	p3 =	por !p3, p1;
	s16 =	smov.u32 s14  }
0xf: {  	s14 =	sand.u32 @!p1 s18, s14;
	s17 =	simm.s32 @p2 $0xF41C0;
	s16 =	simm.s32 @p3 $0x60  }
0x10: {  	s15 =	ssub.s32 @!p1 s17, s15;
	s14 =	ssub.s32 @!p1 s16, s14  }
0x11: {  	s18 =	smov.u32 s12;
	s16 =	sadd.s32 @!p1 $0xFFF0BE40, s15;
	s17 =	sadd.s32 @!p1 $0xFFFFFFA0, s14  }
0x12: {  	s15 =	ssub.s32 @!p1 $0xF4240, s15;
	p2 =	sgt.s32 @!p1 s16, $0x7F;
	p3 =	sgt.s32 @!p1 s17, $0x1F  }
0x13: {  	s14 =	ssub.s32 @!p1 $0x80, s14;
	p2 =	por !p2, p1;
	p3 =	por !p3, p1  }
0x14: {  	s16 =	sadd.s32 $0x1000, s11;
	s15 =	simm.s32 @!p2 $0x0;
	s14 =	simm.s32 @!p3 $0x0  }
0x15: {  	p2 =	sgt.s32 s16, $0xF423F;
	s14 =	smul.u32 @!p1 s14, s15;
	s15 =	sadd.s32 $0x20, s12  }
0x16: {  	s18 =	smov.u32 @p2 s15  }
0x17: {  	s16 =	smov.u32 @p2 s3;
	p2 =	sgt.s32 s18, $0x1F  }
0x18: {  	s18 =	simm.s32 @p2 $0x0;
	p2 =	sne.s32 s13, s7  }
.Ltmp1:
0x19: {  	p0 =	por !p0, !p0;
	s17 =	simm.s32 @!p1 $0x2;
	(pc) =	sbr.rel @!p2 .LBB1_6-.Ltmp1, $4  }
0x1a: {  	s15 =	smov.u32 s9;
	s9 =	smov.u32 s11;
	s14 =	sand.u32 @!p1 $0x3FFFFFFF, s14  }
0x1b: {  	s11 =	smov.u32 s16;
	_ =	swait.ge @!p1 [sflag:s17], s14;
	s19 =	ssub.s32 @!p1 $0x0, s14  }
0x1c: {  	s14 =	smov.u32 s10;
	s13 =	sadd.s32 $0x1, s13;
	[sflag:s17] =	ssyncset.done @!p1 $0x0  }
0x1d: {  	s10 =	smov.u32 s12;
	s12 =	smov.u32 s18;
	[sflag:s17] =	ssyncadd.s32 @!p1 s19  }
.LBB1_1:
0x1e: {  	p1 =	sgt.u32 s13, s6  }
0x1f: {  	s16 =	sshrl.u32 @!p1 s12, $0x3  }
0x20: {  	s17 =	sshll.u32 @!p1 s11, $0x3;
	s16 =	smul.u32 @!p1 $0x7A1400, s16  }
0x21: {  	s18 =	sshll.u32 @!p1 s12, $0x7;
	s17 =	sand.u32 @!p1 $0xFFFFFC00, s17  }
0x22: {  	s16 =	sadd.s32 @!p1 s16, s17;
	s17 =	sand.u32 @!p1 $0x380, s18  }
0x23: {  	s18 =	sand.u32 @!p1 $0x7F, s11;
	s16 =	sor.u32 @!p1 s17, s16  }
0x24: {  	s17 =	sor.u32 @!p1 s18, s16  }
0x25: {  	s18 =	smulhi.u32 @!p1 $0x218D6287, s17;
	_ =	sdelay $0x1  }
0x26: {  	s16 =	smulhi.u32 @!p1 $0x218D6287, s16;
	s18 =	sshrl.u32 @!p1 s18, $0x11  }
0x27: {  	s18 =	smul.u32 @!p1 $0xF4280, s18  }
0x28: {  	s19 =	sxor.u32 @!p1 $0xFFFFFFFF, s13;
	s16 =	sshrl.u32 @!p1 s16, $0x11  }
0x29: {  	s19 =	sshll.u32 @!p1 s19, $0xC;
	s16 =	sand.u32 @!p1 $0x1F, s16;
	s17 =	ssub.s32 @!p1 s17, s18  }
0x2a: {  	s16 =	smul.u32 @!p1 $0x1E850, s16;
	s18 =	sshrl.u32 @!p1 s17, $0x3;
	s17 =	sand.u32 @!p1 $0x7, s17  }
0x2b: {  	s19 =	sand.u32 @!p1 $0x1000, s19;
	s18 =	sadd.s32 @!p1 s2, s18;
	s17 =	sshll.u32 @!p1 s17, $0x12  }
0x2c: {  	s16 =	sadd.s32 @!p1 s16, s18;
	s17 =	sor.u32 @!p1 $0x400, s17;
	s18 =	simm.s32 @!p1 $0x7A1400  }
0x2d: {  	[tilespmem:s19], [sflag:$0x1] =	stream.strided.gather @!p1 [hbm4b:s16+s17], $0x1000, s18, s17, $0x38;
	[tilespmem:$0x4100] =	vst v63  }
0x2e: {  	p1 =	seq.s32 s13, $0x0  }
0x2f: {  	p2 =	sge.u32 @!p1 s13, s7  }
0x30: {  	p1 =	por p1, p2  }
.Ltmp2:
0x31: {  	_ = 	snop;
	(pc) =	sbr.rel @p1 .LBB1_5-.Ltmp2, $1  }
0x32: {  	_ =	sdelay $0x3  }
0x33: {  	s16 =	simm.s32 $0x1  }
0x34: {  	_ =	swait.ge [sflag:s4], $0x1000;
	s16 =	simm.s32 @!p0 $0x0  }
0x35: {  	[sflag:s4] =	ssyncset.done $0x0;
	s17 =	sshll.u32 s16, $0xC  }
0x36: {  	[sflag:s4] =	ssyncadd.s32 $0xFFFFF000;
	s17 =	sor.u32 $0x40, s17  }
0x37: {  	s16 =	smul.u32 $0x4200, s16;
	v0 =	vld [tilespmem:s17+$0x30]  }
0x38: {  	v1 =	vld [tilespmem:s17+$0xFFFFFFD0]  }
0x39: {  	s16 =	sshrl.u32 s16, $0x2;
	v5 =	vld [tilespmem:s17+$0xFFFFFFE0]  }
0x3a: {  	v6 =	vld [tilespmem:s17+$0xFFFFFFF0];
	s19 =	sor.u32 $0x2000, s16  }
0x3b: {  	s31 =	sand.u32 $0x1, s13;
	v4 =	vld [tilespmem:s17+$0x0];
	s18 =	sadd.s32 $0x0, s19  }
0x3c: {  	v3 =	vld [tilespmem:s17+$0x10];
	s16 =	smul.u32 $0x4200, s31;
	[tilespmem:s18+$0xE70 ss:$0x21] =	vst.msk $0xffff, v0  }
0x3d: {  	v2 =	vld [tilespmem:s17+$0x20];
	[tilespmem:s18+$0x210 ss:$0x21] =	vst.msk $0xffff, v1  }
0x3e: {  	s16 =	sshrl.u32 s16, $0x2;
	v1 =	vld [tilespmem:s17+$0xFFFFFFC0];
	[tilespmem:s18+$0x420 ss:$0x21] =	vst.msk $0xffff, v5;
	s17 =	sadd.s32 $0x80, s17  }
0x3f: {  	s20 =	simm.s32 $0x4;
	s21 =	simm.s32 $0x8;
	s16 =	sor.u32 $0x2000, s16;
	[tilespmem:s18+$0x630 ss:$0x21] =	vst.msk $0xffff, v6;
	v0 =	vld [tilespmem:s17+$0x30]  }
.LBB1_3:
0x40: {  	p1 =	sne.s32 s21, $0x7C;
	v5 =	vld [tilespmem:s17+$0xFFFFFFD0];
	[tilespmem:s18+$0x840 ss:$0x21] =	vst.msk $0xffff, v4  }
0x41: {  	v6 =	vld [tilespmem:s17+$0xFFFFFFE0];
	[tilespmem:s18+$0xA50 ss:$0x21] =	vst.msk $0xffff, v3  }
0x42: {  	s22 =	sshra.s32 s20, $0x2;
	s20 =	smov.u32 s21;
	v7 =	vld [tilespmem:s17+$0xFFFFFFF0];
	[tilespmem:s18+$0xC60 ss:$0x21] =	vst.msk $0xffff, v2  }
.Ltmp3:
0x43: {  	v4 =	vld [tilespmem:s17+$0x0];
	[tilespmem:s18+$0x0 ss:$0x21] =	vst.msk $0xffff, v1;
	s18 =	sadd.s32 s22, s19;
	(pc) =	sbr.rel @p1 .LBB1_3-.Ltmp3, $4  }
0x44: {  	v3 =	vld [tilespmem:s17+$0x10];
	[tilespmem:s18+$0xE70 ss:$0x21] =	vst.msk $0xffff, v0  }
0x45: {  	[tilespmem:s18+$0x210 ss:$0x21] =	vst.msk $0xffff, v5;
	v2 =	vld [tilespmem:s17+$0x20]  }
0x46: {  	v1 =	vld [tilespmem:s17+$0xFFFFFFC0];
	[tilespmem:s18+$0x420 ss:$0x21] =	vst.msk $0xffff, v6;
	s17 =	sadd.s32 $0x80, s17  }
0x47: {  	s21 =	sadd.s32 $0x4, s21;
	v0 =	vld [tilespmem:s17+$0x30];
	[tilespmem:s18+$0x630 ss:$0x21] =	vst.msk $0xffff, v7  }
0x48: {  	s21 =	sshll.u32 s9, $0x7;
	s22 =	sshll.u32 s10, $0x3;
	s20 =	sshra.s32 s20, $0x2  }
0x49: {  	p1 =	sgt.s32 s9, $0xF41C0;
	s30 =	sshra.s32 s9, $0x1F;
	s25 =	sshra.s32 s10, $0x1F  }
0x4a: {  	v5 =	vld [tilespmem:s17+$0xFFFFFFD0];
	s28 =	sshrl.u32 s10, $0x3;
	s23 =	sand.u32 $0xFFFFFC00, s21;
	s22 =	sand.u32 $0xFFFFFC00, s22  }
0x4b: {  	[tilespmem:s18+$0x840 ss:$0x21] =	vst.msk $0xffff, v4;
	v58 =	vld [tilespmem:s17+$0xFFFFFFE0];
	s21 =	sand.u32 $0x380, s21;
	s19 =	sadd.s32 s20, s19;
	s22 =	sadd.s32 s22, s23  }
0x4c: {  	v59 =	vld [tilespmem:s17+$0xFFFFFFF0];
	[tilespmem:s18+$0xA50 ss:$0x21] =	vst.msk $0xffff, v3;
	s29 =	sor.u32 s21, s22;
	s21 =	smov.u32 s9;
	s22 =	sand.u32 s30, s9  }
0x4d: {  	v60 =	vld [tilespmem:s17+$0x0];
	[tilespmem:s18+$0xC60 ss:$0x21] =	vst.msk $0xffff, v2;
	s30 =	sand.u32 $0x7, s10;
	s20 =	sshrl.u32 s29, $0x7;
	s21 =	simm.s32 @!p1 $0xF41C0  }
0x4e: {  	v61 =	vld [tilespmem:s17+$0x10];
	[tilespmem:s18+$0x0 ss:$0x21] =	vst.msk $0xffff, v1;
	p1 =	sgt.s32 s10, $0x60;
	s24 =	ssub.s32 s21, s22;
	s21 =	smov.u32 s10  }
0x4f: {  	v62 =	vld [tilespmem:s17+$0x20];
	[tilespmem:s19+$0xE70 ss:$0x21] =	vst.msk $0xffff, v0;
	s31 =	smulhi.u32 $0x218DEF5, s20;
	s22 =	sand.u32 s25, s10;
	s21 =	simm.s32 @!p1 $0x60  }
0x50: {  	v63 =	vld [tilespmem:s17+$0xFFFFFFC0];
	[tilespmem:s19+$0x210 ss:$0x21] =	vst.msk $0xffff, v5;
	s26 =	sadd.s32 $0xFFF0BE40, s24;
	s17 =	ssub.s32 $0xF4240, s24;
	s21 =	ssub.s32 s21, s22  }
0x51: {  	[tilespmem:s19+$0x420 ss:$0x21] =	vst.msk $0xffff, v58;
	s23 =	sshrl.u32 s31, $0xD;
	p1 =	sgt.s32 s26, $0x7F;
	s27 =	sadd.s32 $0xFFFFFFA0, s21  }
0x52: {  	[tilespmem:s19+$0x630 ss:$0x21] =	vst.msk $0xffff, v59;
	s23 =	smul.u32 $0xF4240, s23;
	s18 =	ssub.s32 $0x80, s21;
	p2 =	sgt.s32 s27, $0x1F  }
.Ltmp4:
0x53: {  	[tilespmem:s19+$0x840 ss:$0x21] =	vst.msk $0xffff, v60;
	s17 =	simm.s32 @p1 $0x0;
	s18 =	simm.s32 @p2 $0x0;
	(pc) =	sbr.rel .LBB1_5-.Ltmp4, $4  }
0x54: {  	s29 =	sand.u32 $0xF, s28;
	[tilespmem:s19+$0xA50 ss:$0x21] =	vst.msk $0xffff, v61;
	s20 =	ssub.s32 s20, s23;
	s17 =	smul.u32 s18, s17  }
0x55: {  	[tilespmem:s19+$0xC60 ss:$0x21] =	vst.msk $0xffff, v62;
	s21 =	sshll.u32 s30, $0x12;
	s20 =	sshll.u32 s20, $0x4;
	s18 =	sadd.s32 s5, s29  }
0x56: {  	[tilespmem:s19+$0x0 ss:$0x21] =	vst.msk $0xffff, v63;
	s31 =	sor.u32 $0x20, s21;
	s18 =	sadd.s32 s20, s18;
	s17 =	sand.u32 $0x3FFFFFFF, s17  }
0x57: {  	[hbm4b:s18+s31] =	stream.strided.scatter [tilespmem:s16], [sflag:$0x2], s17, s8, s31, $0x10;
	[tilespmem:$0x4100] =	vst v63  }
.LBB1_6:
0x58: {  	_ =	sfence.sel $0x180000  }
0x59: {  	s2 =	simm.s32 $0x1;
	[bflag:$0x0] =	sbarrier.arrive $0xFFFF  }
0x5a: {  	s31 =	simm.s32 $0x2;
	[sflag:s2] =	ssyncpa.u1 $0x1  }
0x5b: {  	[sflag:s31] =	ssyncpa.u1 $0x1  }
0x5c: {  	p0 =	sne.s32 s1, $0x0;
	_ =	strace $0x90000047  }
0x5d: {  	s0 =	sadd.s32 @!p0 $0x100000, s0;
	[bflag:$0x2] =	sbarrier.arrive $0xFFFF  }
0x5e: {  	[sflag:s0] =	ssyncadd.tile.s32 @!p0 $0x1;
	_ =	shalt  }
.Lfunc_end1:
_tile_overlayer_lowered:
.L_overlay_start_2:
0x5f: {  	(tag) =	ssettag $0x2  }
0x60: {  	s0 =	rddreg [dreg:$0x0];
	s2 =	stileid.u32  }
0x61: {  	s1 =	rddreg [dreg:$0x1];
	p0 =	sne.s32 s2, $0x0  }
0x62: {  	s3 =	rddreg [dreg:$0x2];
	[bflag:$0x3] =	sbarrier.arrive $0xFFFF;
	s2 =	simm.s32 @!p0 $0x1C01  }
0x63: {  	[timem:s3], [sflag:s2] =	dma.local @!p0 [hbm:s0], s1  }
0x64: {  	s0 =	simm.s32 @!p0 $0x1  }
0x65: {  	_ =	swait.ge @!p0 [sflag:s0], s1  }
0x66: {  	s1 =	ssub.s32 @!p0 $0x0, s1;
	[sflag:s0] =	ssyncset.done @!p0 $0x0  }
0x67: {  	[sflag:s0] =	ssyncadd.s32 @!p0 s1  }
0x68: {  	[bflag:$0x3] =	sbarrier.arrive $0xFFFF  }
0x69: {  	_ =	shalt  }

</sc_bundles>
